<compile_context>
chip_gen: v7x
topology: tpu7x:2x2x1
jax: 0.10.2.dev20260603
libtpu: 0.0.44.dev20260713+nightly
codegen_flags: <defaults>
</compile_context>

<pallas_src>
import functools

import jax
import jax.numpy as jnp
from jax import lax
from jax.experimental import pallas as pl
from jax.experimental.pallas import tpu as pltpu
from jax.experimental.pallas import tpu_sc as plsc

_D = 16
_NH = 4
_B = 4096
_HS = 50
_HL = 200
_PK = 8
_LN = _PK * _D
_BP = _B // _PK

_NC = 2
_NS = 16
_NW = _NC * _NS
_NROWS = _HS + _HL + 2
_RPT = 8

_BBLK = 128
_RB = _BBLK // _PK


def _sc_gather(emb, ids_t):
    mesh = plsc.VectorSubcoreMesh(
        core_axis_name="c", subcore_axis_name="s",
        num_cores=_NC, num_subcores=_NS)

    @functools.partial(
        pl.kernel,
        mesh=mesh,
        out_type=[
            jax.ShapeDtypeStruct((_HS, _BP, _LN), jnp.float32),
            jax.ShapeDtypeStruct((_HL, _BP, _LN), jnp.float32),
            jax.ShapeDtypeStruct((_BP, _LN), jnp.float32),
            jax.ShapeDtypeStruct((_BP, _LN), jnp.float32),
        ],
        scratch_types=[
            pltpu.VMEM((1, _B), jnp.int32),
            pltpu.VMEM((_B // 2, _D), jnp.float32),
            pltpu.VMEM((_BP // 2, _LN), jnp.float32),
            pltpu.SemaphoreType.DMA,
        ],
        compiler_params=pltpu.CompilerParams(use_tc_tiling_on_sc=False),
    )
    def gk(emb_hbm, ids_hbm, st_out, lt_out, pe_out, ne_out,
           idx_v, rows_v, packed_v, sem):
        wid = lax.axis_index("s") * _NC + lax.axis_index("c")

        def gather_to(dst):
            for h in range(2):
                pltpu.async_copy(
                    emb_hbm.at[idx_v.at[0, pl.ds(h * (_B // 2), _B // 2)]],
                    rows_v, sem).wait()

                def rp(p, c):
                    for l in range(_PK):
                        packed_v[p, pl.ds(l * _D, _D)] = (
                            rows_v[p * _PK + l, :])
                    return c

                lax.fori_loop(0, _BP // 2, rp, 0)
                pltpu.sync_copy(
                    packed_v, dst.at[pl.ds(h * (_BP // 2), _BP // 2), :])

        def body(j, carry):
            r = wid * _RPT + j

            @pl.when(r < _NROWS)
            def _():
                pltpu.sync_copy(ids_hbm.at[pl.ds(r, 1), :], idx_v)

            @pl.when(r < _HS)
            def _():
                gather_to(st_out.at[r])

            @pl.when(jnp.logical_and(r >= _HS, r < _HS + _HL))
            def _():
                gather_to(lt_out.at[r - _HS])

            @pl.when(r == _HS + _HL)
            def _():
                gather_to(pe_out)

            @pl.when(r == _HS + _HL + 1)
            def _():
                gather_to(ne_out)

            return carry

        lax.fori_loop(0, _RPT, body, 0)

    return gk(emb, ids_t)


def _tc_body(st_ref, lt_ref, td_ref, pe_ref, ne_ref, len_ref, ltlen_ref,
             wtv, btv, wir, wiz, win, whr, whz, whn,
             bir, biz, bin_, bhr, bhz, bhn,
             wq, bq, wk, bk, wv, bv, wo, bo,
             w1a, w1b, w1c, b1, a1, w2, b2, a2, w3, b3,
             pos_out, neg_out,
             gir_s, giz_s, gin_s, outs_s):
    f32 = jnp.float32
    pe = pe_ref[...]
    ne = ne_ref[...]

    li = lax.broadcasted_iota(jnp.int32, (_LN, _LN), 0)
    lj = lax.broadcasted_iota(jnp.int32, (_LN, _LN), 1)
    G16 = (li // _D == lj // _D).astype(f32)
    G4 = (li // _NH == lj // _NH).astype(f32)
    R8 = (lax.broadcasted_iota(jnp.int32, (_PK, _LN), 0)
          == lax.broadcasted_iota(jnp.int32, (_PK, _LN), 1) // _D).astype(f32)

    st2 = st_ref[...].reshape(_HS * _RB, _LN)
    gir_s[...] = (jnp.dot(st2, wir[...], preferred_element_type=f32)
                  + bir[...]).reshape(_HS, _RB, _LN)
    giz_s[...] = (jnp.dot(st2, wiz[...], preferred_element_type=f32)
                  + biz[...]).reshape(_HS, _RB, _LN)
    gin_s[...] = (jnp.dot(st2, win[...], preferred_element_type=f32)
                  + bin_[...]).reshape(_HS, _RB, _LN)

    whr_v, whz_v, whn_v = whr[...], whz[...], whn[...]
    bhr_v, bhz_v, bhn_v = bhr[...], bhz[...], bhn[...]

    def cell(t, h):
        gr = gir_s[pl.ds(t, 1), :, :].reshape(_RB, _LN)
        gz = giz_s[pl.ds(t, 1), :, :].reshape(_RB, _LN)
        gn = gin_s[pl.ds(t, 1), :, :].reshape(_RB, _LN)
        hr = jnp.dot(h, whr_v, preferred_element_type=f32) + bhr_v
        hz = jnp.dot(h, whz_v, preferred_element_type=f32) + bhz_v
        hn = jnp.dot(h, whn_v, preferred_element_type=f32) + bhn_v
        r = jax.nn.sigmoid(gr + hr)
        z = jax.nn.sigmoid(gz + hz)
        n = jnp.tanh(gn + r * hn)
        hnew = (1.0 - z) * n + z * h
        outs_s[pl.ds(t, 1), :, :] = hnew.reshape(1, _RB, _LN)
        return hnew

    lax.fori_loop(0, _HS, cell, jnp.zeros((_RB, _LN), f32))
    outs = outs_s[...]

    Lp = jnp.dot(jnp.maximum(len_ref[...].reshape(_RB, _PK), 1.0), R8,
                 preferred_element_type=f32)
    st_tio = lax.broadcasted_iota(jnp.int32, (_HS, _RB, _LN), 0).astype(f32)
    st_mask = st_tio < Lp[None, :, :]

    def attn_pool(tgt):
        prod = (outs * tgt[None, :, :]).reshape(_HS * _RB, _LN)
        sc = (jnp.dot(prod, G16, preferred_element_type=f32)
              * 0.25).reshape(_HS, _RB, _LN)
        sc = jnp.where(st_mask, sc, -1e9)
        m = jnp.max(sc, axis=0, keepdims=True)
        e = jnp.exp(sc - m)
        w = e / jnp.sum(e, axis=0, keepdims=True)
        return jnp.sum(w * outs, axis=0)

    short_pos = attn_pool(pe)
    short_neg = attn_pool(ne)

    tdp = jnp.dot(td_ref[...].reshape(_HL * _RB, _PK), R8,
                  preferred_element_type=f32).reshape(_HL, _RB, _LN)
    lt_e = lt_ref[...] + tdp * wtv[...] + btv[...]
    lt2 = lt_e.reshape(_HL * _RB, _LN)
    kk = (jnp.dot(lt2, wk[...], preferred_element_type=f32)
          + bk[...]).reshape(_HL, _RB, _LN)
    vv = (jnp.dot(lt2, wv[...], preferred_element_type=f32)
          + bv[...]).reshape(_HL, _RB, _LN)

    LTp = jnp.dot(jnp.maximum(ltlen_ref[...].reshape(_RB, _PK), 1.0), R8,
                  preferred_element_type=f32)
    lt_tio = lax.broadcasted_iota(jnp.int32, (_HL, _RB, _LN), 0).astype(f32)
    lt_mask = lt_tio < LTp[None, :, :]

    def esu(tgt):
        q = jnp.dot(tgt, wq[...], preferred_element_type=f32) + bq[...]
        prod = (kk * q[None, :, :]).reshape(_HL * _RB, _LN)
        s = (jnp.dot(prod, G4, preferred_element_type=f32)
             * 0.5).reshape(_HL, _RB, _LN)
        s = jnp.where(lt_mask, s, -1e9)
        m = jnp.max(s, axis=0, keepdims=True)
        e = jnp.exp(s - m)
        w = e / jnp.sum(e, axis=0, keepdims=True)
        ctx = jnp.sum(w * vv, axis=0)
        return jnp.dot(ctx, wo[...], preferred_element_type=f32) + bo[...]

    long_pos = esu(pe)
    long_neg = esu(ne)

    a1v = a1[0, 0]
    a2v = a2[0, 0]

    def fcn(e_t, si, lo):
        h1 = (jnp.dot(e_t, w1a[...], preferred_element_type=f32)
              + jnp.dot(si, w1b[...], preferred_element_type=f32)
              + jnp.dot(lo, w1c[...], preferred_element_type=f32)
              + b1[...])
        h1 = jnp.maximum(h1, 0.0) + a1v * jnp.minimum(h1, 0.0)
        h2 = jnp.dot(h1, w2[...], preferred_element_type=f32) + b2[...]
        h2 = jnp.maximum(h2, 0.0) + a2v * jnp.minimum(h2, 0.0)
        return jnp.dot(h2, w3[...], preferred_element_type=f32) + b3[...]

    pos_out[...] = fcn(pe, short_pos, long_pos)
    neg_out[...] = fcn(ne, short_neg, long_neg)


_WEIGHT_SHAPES = (
    (1, _LN), (1, _LN),
    (_LN, _LN), (_LN, _LN), (_LN, _LN), (_LN, _LN), (_LN, _LN), (_LN, _LN),
    (1, _LN), (1, _LN), (1, _LN), (1, _LN), (1, _LN), (1, _LN),
    (_LN, _LN), (1, _LN), (_LN, _LN), (1, _LN),
    (_LN, _LN), (1, _LN), (_LN, _LN), (1, _LN),
    (_LN, _PK * 200), (_LN, _PK * 200), (_LN, _PK * 200), (1, _PK * 200),
    (1, 1),
    (_PK * 200, _PK * 80), (1, _PK * 80), (1, 1),
    (_PK * 80, _PK * 2), (1, _PK * 2),
)


def _tc_call():
    data_specs = [
        pl.BlockSpec((_HS, _RB, _LN), lambda i: (0, i, 0)),
        pl.BlockSpec((_HL, _RB, _LN), lambda i: (0, i, 0)),
        pl.BlockSpec((_HL, _RB, _PK), lambda i: (0, i, 0)),
        pl.BlockSpec((_RB, _LN), lambda i: (i, 0)),
        pl.BlockSpec((_RB, _LN), lambda i: (i, 0)),
        pl.BlockSpec((_RB, _PK), lambda i: (i, 0)),
        pl.BlockSpec((_RB, _PK), lambda i: (i, 0)),
    ]
    w_specs = [pl.BlockSpec(s, lambda i: (0, 0)) for s in _WEIGHT_SHAPES]
    return pl.pallas_call(
        _tc_body,
        grid=(_B // _BBLK,),
        in_specs=data_specs + w_specs,
        out_specs=[pl.BlockSpec((_RB, _PK * 2), lambda i: (i, 0))] * 2,
        out_shape=[jax.ShapeDtypeStruct((_BP, _PK * 2), jnp.float32)] * 2,
        scratch_shapes=[pltpu.VMEM((_HS, _RB, _LN), jnp.float32)] * 4,
        compiler_params=pltpu.CompilerParams(
            dimension_semantics=("arbitrary",)),
    )


def kernel(positive_items, negative_items, shorttime, lengths, longtime,
           lt_lengths, emb, Wt, bt, Wi, Wh, bi, bh, Wq, bq, Wk, bk, Wv, bv,
           Wo, bo, W1, b1, a1, W2, b2, a2, W3, b3):
    i32 = jnp.int32
    f32 = jnp.float32

    ids_t = jnp.concatenate([
        shorttime[:, :, -1].astype(i32).T,
        longtime[:, :, 1].astype(i32).T,
        positive_items[:, -1].astype(i32)[None, :],
        negative_items[:, -1].astype(i32)[None, :],
    ], axis=0)

    st_g, lt_g, pe, ne = _sc_gather(emb.astype(f32), ids_t)
    td = longtime[:, :, 2].astype(f32).T.reshape(_HL, _BP, _PK)
    len2 = lengths.astype(f32).reshape(_BP, _PK)
    ltlen2 = lt_lengths.astype(f32).reshape(_BP, _PK)

    eye = jnp.eye(_PK, dtype=f32)

    def k8(w):
        return jnp.kron(eye, w.astype(f32))

    def t8(v):
        return jnp.tile(v.astype(f32).reshape(1, -1), (1, _PK))

    weights = (
        t8(Wt[:, 0]), t8(bt),
        k8(Wi[:_D].T), k8(Wi[_D:2 * _D].T), k8(Wi[2 * _D:].T),
        k8(Wh[:_D].T), k8(Wh[_D:2 * _D].T), k8(Wh[2 * _D:].T),
        t8(bi[:_D]), t8(bi[_D:2 * _D]), t8(bi[2 * _D:]),
        t8(bh[:_D]), t8(bh[_D:2 * _D]), t8(bh[2 * _D:]),
        k8(Wq.T), t8(bq), k8(Wk.T), t8(bk),
        k8(Wv.T), t8(bv), k8(Wo.T), t8(bo),
        k8(W1[:, :_D].T), k8(W1[:, _D:2 * _D].T), k8(W1[:, 2 * _D:].T),
        t8(b1), a1.astype(f32).reshape(1, 1),
        k8(W2.T), t8(b2), a2.astype(f32).reshape(1, 1),
        k8(W3.T), t8(b3),
    )

    pos_p, neg_p = _tc_call()(
        st_g, lt_g, td, pe, ne, len2, ltlen2, *weights)
    return (pos_p.reshape(_B, 2), neg_p.reshape(_B, 2))

# --- scband reference (transcript-rebuilt; emitter-appended) ---
"""Pipeline reference for scband-simple-recommendation-model-41772851921241 (READ-ONLY COPY).

The authoritative reference and input builder live on the scoring server;
editing this copy changes nothing except your own understanding.
"""

import jax, jax.numpy as jnp
import numpy as np

D = 16
NH = 4
VOCAB = 5200000
B = 4096
HS = 50
HL = 200


def _gru(x, Wi, Wh, bi, bh):
    d = Wh.shape[1]

    def cell(h, xt):
        gi = xt @ Wi.T + bi
        gh = h @ Wh.T + bh
        r = jax.nn.sigmoid(gi[:, :d] + gh[:, :d])
        z = jax.nn.sigmoid(gi[:, d:2 * d] + gh[:, d:2 * d])
        n = jnp.tanh(gi[:, 2 * d:] + r * gh[:, 2 * d:])
        hn = (1.0 - z) * n + z * h
        return hn, hn

    h0 = jnp.zeros((x.shape[0], d), x.dtype)
    _, outs = jax.lax.scan(cell, h0, jnp.swapaxes(x, 0, 1))
    return jnp.swapaxes(outs, 0, 1)


def _attn_pool(outs, target, lengths):
    scores = jnp.einsum('btd,bd->bt', outs, target) / np.sqrt(outs.shape[-1])
    mask = jnp.arange(outs.shape[1])[None, :] < lengths[:, None]
    scores = jnp.where(mask, scores, -1e9)
    w = jax.nn.softmax(scores, axis=-1)
    return jnp.einsum('bt,btd->bd', w, outs)


def _esu(target, lt_emb, lt_lengths, Wq, bq, Wk, bk, Wv, bv, Wo, bo):
    Bx, T, d = lt_emb.shape
    dh = d // NH
    q = (target @ Wq.T + bq).reshape(Bx, NH, dh)
    k = (lt_emb @ Wk.T + bk).reshape(Bx, T, NH, dh)
    v = (lt_emb @ Wv.T + bv).reshape(Bx, T, NH, dh)
    scores = jnp.einsum('bhd,bthd->bht', q, k) / np.sqrt(dh)
    mask = jnp.arange(T)[None, None, :] < lt_lengths[:, None, None]
    scores = jnp.where(mask, scores, -1e9)
    attn = jax.nn.softmax(scores, axis=-1)
    ctx = jnp.einsum('bht,bthd->bhd', attn, v).reshape(Bx, d)
    return ctx @ Wo.T + bo


def _prelu(x, a):
    return jnp.maximum(x, 0.0) + a * jnp.minimum(x, 0.0)


def _fcn(feat, W1, b1, a1, W2, b2, a2, W3, b3):
    h = _prelu(feat @ W1.T + b1, a1)
    h = _prelu(h @ W2.T + b2, a2)
    return h @ W3.T + b3


def _forward(emb, Wt, bt, Wi, Wh, bi, bh, Wq, bq, Wk, bk, Wv, bv, Wo, bo, W1, b1, a1, W2, b2, a2, W3, b3, positive_items, negative_items, shorttime, lengths, longtime, lt_lengths):
    st_ids = shorttime[..., -1]
    st_emb = jnp.take(emb, st_ids, axis=0)
    lt_ids = longtime[:, :, 1]
    idcat_emb = jnp.take(emb, lt_ids, axis=0)
    time_diff = longtime[:, :, 2].astype(jnp.float32)[..., None]
    time_emb = time_diff @ Wt.T + bt
    lt_emb = idcat_emb + time_emb
    pos_emb = jnp.take(emb, positive_items[:, -1], axis=0)
    neg_emb = jnp.take(emb, negative_items[:, -1], axis=0)
    L = jnp.maximum(lengths, 1)
    LT = jnp.maximum(lt_lengths, 1)
    gru_outs = _gru(st_emb, Wi, Wh, bi, bh)
    short_interest = _attn_pool(gru_outs, pos_emb, L)
    st_neg = _attn_pool(gru_outs, neg_emb, L)
    long_interest = _esu(pos_emb, lt_emb, LT, Wq, bq, Wk, bk, Wv, bv, Wo, bo)
    lt_neg = _esu(neg_emb, lt_emb, LT, Wq, bq, Wk, bk, Wv, bv, Wo, bo)
    pos_logits = _fcn(jnp.concatenate([pos_emb, short_interest, long_interest], axis=1), W1, b1, a1, W2, b2, a2, W3, b3)
    neg_logits = _fcn(jnp.concatenate([neg_emb, st_neg, lt_neg], axis=1), W1, b1, a1, W2, b2, a2, W3, b3)
    return (pos_logits, neg_logits)


def setup_inputs(seed: int = 0):
    key = jax.random.key(seed)
    ks = jax.random.split(key, 20)
    inp = {}
    inp['positive_items'] = jax.random.randint(ks[0], (B, 2), 0, VOCAB)
    inp['negative_items'] = jax.random.randint(ks[1], (B, 2), 0, VOCAB)
    inp['shorttime'] = jax.random.randint(ks[2], (B, HS, 2), 0, VOCAB)
    inp['lengths'] = jax.random.randint(ks[3], (B,), 1, HS + 1)
    lt_ids = jax.random.randint(ks[4], (B, HL, 2), 0, VOCAB)
    lt_time = jax.random.randint(ks[5], (B, HL, 1), 0, 1000)
    inp['longtime'] = jnp.concatenate([lt_ids, lt_time], axis=-1)
    inp['lt_lengths'] = jax.random.randint(ks[6], (B,), 1, HL + 1)
    inp['emb'] = jax.random.normal(ks[7], (VOCAB, D), jnp.float32) * 0.02
    inp['Wt'] = jax.random.normal(ks[8], (D, 1), jnp.float32) * 0.01
    inp['bt'] = jnp.zeros((D,), jnp.float32)
    inp['Wi'] = jax.random.normal(ks[9], (3 * D, D), jnp.float32) * 0.1
    inp['Wh'] = jax.random.normal(ks[10], (3 * D, D), jnp.float32) * 0.1
    inp['bi'] = jnp.zeros((3 * D,), jnp.float32)
    inp['bh'] = jnp.zeros((3 * D,), jnp.float32)
    inp['Wq'] = jax.random.normal(ks[11], (D, D), jnp.float32) * 0.1
    inp['Wk'] = jax.random.normal(ks[12], (D, D), jnp.float32) * 0.1
    inp['Wv'] = jax.random.normal(ks[13], (D, D), jnp.float32) * 0.1
    inp['Wo'] = jax.random.normal(ks[14], (D, D), jnp.float32) * 0.1
    inp['bq'] = jnp.zeros((D,), jnp.float32)
    inp['bk'] = jnp.zeros((D,), jnp.float32)
    inp['bv'] = jnp.zeros((D,), jnp.float32)
    inp['bo'] = jnp.zeros((D,), jnp.float32)
    inp['W1'] = jax.random.normal(ks[15], (200, 3 * D), jnp.float32) * 0.1
    inp['b1'] = jnp.zeros((200,), jnp.float32)
    inp['a1'] = jnp.array(0.25, jnp.float32)
    inp['W2'] = jax.random.normal(ks[16], (80, 200), jnp.float32) * 0.1
    inp['b2'] = jnp.zeros((80,), jnp.float32)
    inp['a2'] = jnp.array(0.25, jnp.float32)
    inp['W3'] = jax.random.normal(ks[17], (2, 80), jnp.float32) * 0.1
    inp['b3'] = jnp.zeros((2,), jnp.float32)
    return inp


def reference(positive_items, negative_items, shorttime, lengths, longtime, lt_lengths, emb, Wt, bt, Wi, Wh, bi, bh, Wq, bq, Wk, bk, Wv, bv, Wo, bo, W1, b1, a1, W2, b2, a2, W3, b3):
    return _forward(emb, Wt, bt, Wi, Wh, bi, bh, Wq, bq, Wk, bk, Wv, bv, Wo, bo, W1, b1, a1, W2, b2, a2, W3, b3, positive_items, negative_items, shorttime, lengths, longtime, lt_lengths)

if __name__ == "__main__":
    import jax
    _d = setup_inputs()
    print(jax.jit(kernel)(*tuple(_d.values())))

</pallas_src>

<mosaic_0001>
#map = affine_map<(d0, d1) -> (0, 0)>
#map1 = affine_map<(d0, d1) -> (0, 0, 0)>
module attributes {stable_mosaic.version = 14 : i64} {
  func.func @gk(%arg0: i32, %arg1: i32, %arg2: memref<5200000x16xf32, #tpu.memory_space<hbm>>, %arg3: memref<252x4096xi32, #tpu.memory_space<hbm>>, %arg4: memref<50x512x128xf32, #tpu.memory_space<hbm>>, %arg5: memref<200x512x128xf32, #tpu.memory_space<hbm>>, %arg6: memref<512x128xf32, #tpu.memory_space<hbm>>, %arg7: memref<512x128xf32, #tpu.memory_space<hbm>>, %arg8: memref<1x4096xi32, #tpu.memory_space<vmem>>, %arg9: memref<2048x16xf32, #tpu.memory_space<vmem>>, %arg10: memref<256x128xf32, #tpu.memory_space<vmem>>, %arg11: memref<!tpu.dma_semaphore, #tpu.memory_space<semaphore_mem>>) attributes {dimension_semantics = [#tpu.dimension_semantics<core_parallel>, #tpu.dimension_semantics<subcore_parallel>], iteration_bounds = array<i64: 2, 16>, scalar_prefetch = 0 : i64, scratch_operands = 4 : i64, tpu.core_type = #tpu.core_type<sc_vector_subcore>, window_params = [{transform_indices = #map}, {transform_indices = #map}, {transform_indices = #map1}, {transform_indices = #map1}, {transform_indices = #map}, {transform_indices = #map}]} {
    %mul3A = arith.constant 2 : i32
    %mul3A_0 = arith.muli %arg1, %mul3A : i32
    %add3A = arith.addi %mul3A_0, %arg0 : i32
    %scan3A = arith.constant 0 : i32
    %scan3A_1 = arith.constant 0 : i32
    %scan3A_2 = arith.constant 8 : i32
    %scan3A_3 = arith.addi %scan3A_1, %scan3A_2 : i32
    %scan3A_4 = arith.constant 1 : i32
    scf.for %scan3A_6 = %scan3A_1 to %scan3A_3 step %scan3A_4  : i32 {
      %mul3A_7 = arith.constant 8 : i32
      %mul3A_8 = arith.muli %add3A, %mul3A_7 : i32
      %add3A_9 = arith.addi %mul3A_8, %scan3A_6 : i32
      %lt3A = arith.constant 252 : i32
      %lt3A_10 = arith.cmpi slt, %add3A_9, %lt3A : i32
      %convert_element_type3A = arith.extui %lt3A_10 : i1 to i32
      %cond3A = arith.constant 0 : i32
      %cond3A_11 = arith.cmpi ne, %convert_element_type3A, %cond3A : i32
      scf.if %cond3A_11 {
        "tpu.region"() ({
          %run_scoped3A = tpu.sem_alloc : memref<!tpu.dma_semaphore, #tpu.memory_space<semaphore_mem>>
          %dma_start3A = arith.constant 0 : i32
          %dma_start3A_32 = tpu.memref_slice %arg3[%add3A_9, %dma_start3A] : memref<252x4096xi32, #tpu.memory_space<hbm>> -> memref<1x4096xi32, #tpu.memory_space<hbm>>
          %dma_start3A_33 = arith.constant 0 : i32
          %dma_start3A_34 = tpu.memref_slice %arg3[%add3A_9, %dma_start3A_33] : memref<252x4096xi32, #tpu.memory_space<hbm>> -> memref<1x4096xi32, #tpu.memory_space<hbm>>
          tpu.enqueue_dma source(%dma_start3A_34 : memref<1x4096xi32, #tpu.memory_space<hbm>>) target(%arg8 : memref<1x4096xi32, #tpu.memory_space<vmem>>) target_semaphore(%run_scoped3A : memref<!tpu.dma_semaphore, #tpu.memory_space<semaphore_mem>>)
          %dma_wait3A = arith.constant 0 : i32
          %dma_wait3A_35 = tpu.memref_slice %arg3[%add3A_9, %dma_wait3A] : memref<252x4096xi32, #tpu.memory_space<hbm>> -> memref<1x4096xi32, #tpu.memory_space<hbm>>
          %dma_wait3A_36 = arith.constant 0 : i32
          %dma_wait3A_37 = tpu.memref_slice %arg3[%add3A_9, %dma_wait3A_36] : memref<252x4096xi32, #tpu.memory_space<hbm>> -> memref<1x4096xi32, #tpu.memory_space<hbm>>
          tpu.wait_dma2 semaphore(%run_scoped3A : memref<!tpu.dma_semaphore, #tpu.memory_space<semaphore_mem>>) src(%dma_wait3A_37 : memref<1x4096xi32, #tpu.memory_space<hbm>>) dst(%arg8 : memref<1x4096xi32, #tpu.memory_space<vmem>>)
          tpu.yield
        }) : () -> ()
      } else {
      }
      %lt3A_12 = arith.constant 50 : i32
      %lt3A_13 = arith.cmpi slt, %add3A_9, %lt3A_12 : i32
      %convert_element_type3A_14 = arith.extui %lt3A_13 : i1 to i32
      %cond3A_15 = arith.constant 0 : i32
      %cond3A_16 = arith.cmpi ne, %convert_element_type3A_14, %cond3A_15 : i32
      scf.if %cond3A_16 {
        %dma_start3A = arith.constant 0 : i32
        %dma_start3A_32 = arith.constant 0 : i32
        %dma_start3A_33 = tpu.memref_slice %arg8[%dma_start3A, %dma_start3A_32] : memref<1x4096xi32, #tpu.memory_space<vmem>> -> memref<1x2048xi32, #tpu.memory_space<vmem>>
        %dma_start3A_34 = tpu.memref_squeeze %dma_start3A_33 : memref<1x2048xi32, #tpu.memory_space<vmem>> -> memref<2048xi32, #tpu.memory_space<vmem>>
        %dma_start3A_35 = arith.constant 0 : i32
        %dma_start3A_36 = arith.constant 0 : i32
        %dma_start3A_37 = tpu.memref_slice %arg2[%dma_start3A_35, %dma_start3A_36] : memref<5200000x16xf32, #tpu.memory_space<hbm>> -> memref<5200000x16xf32, #tpu.memory_space<hbm>>
        tpu.enqueue_indirect_dma source(%dma_start3A_37 : memref<5200000x16xf32, #tpu.memory_space<hbm>>) target(%arg9 : memref<2048x16xf32, #tpu.memory_space<vmem>>) offsets(%dma_start3A_34 : memref<2048xi32, #tpu.memory_space<vmem>>) semaphore(%arg11 : memref<!tpu.dma_semaphore, #tpu.memory_space<semaphore_mem>>)
        %dma_wait3A = arith.constant 0 : i32
        %dma_wait3A_38 = arith.constant 0 : i32
        %dma_wait3A_39 = tpu.memref_slice %arg8[%dma_wait3A, %dma_wait3A_38] : memref<1x4096xi32, #tpu.memory_space<vmem>> -> memref<1x2048xi32, #tpu.memory_space<vmem>>
        %dma_wait3A_40 = tpu.memref_squeeze %dma_wait3A_39 : memref<1x2048xi32, #tpu.memory_space<vmem>> -> memref<2048xi32, #tpu.memory_space<vmem>>
        %dma_wait3A_41 = arith.constant 0 : i32
        %dma_wait3A_42 = arith.constant 0 : i32
        %dma_wait3A_43 = tpu.memref_slice %arg2[%dma_wait3A_41, %dma_wait3A_42] : memref<5200000x16xf32, #tpu.memory_space<hbm>> -> memref<5200000x16xf32, #tpu.memory_space<hbm>>
        tpu.wait_indirect_dma semaphore(%arg11 : memref<!tpu.dma_semaphore, #tpu.memory_space<semaphore_mem>>) src(%dma_wait3A_43 : memref<5200000x16xf32, #tpu.memory_space<hbm>>) dst(%arg9 : memref<2048x16xf32, #tpu.memory_space<vmem>>)
        %scan3A_44 = arith.constant 0 : i32
        %scan3A_45 = arith.constant 0 : i32
        %scan3A_46 = arith.constant 256 : i32
        %scan3A_47 = arith.addi %scan3A_45, %scan3A_46 : i32
        %scan3A_48 = arith.constant 1 : i32
        scf.for %scan3A_70 = %scan3A_45 to %scan3A_47 step %scan3A_48  : i32 {
          %mul3A_71 = arith.constant 8 : i32
          %mul3A_72 = arith.muli %scan3A_70, %mul3A_71 : i32
          %add3A_73 = arith.constant 0 : i32
          %add3A_74 = arith.addi %mul3A_72, %add3A_73 : i32
          %get3A = arith.index_cast %add3A_74 : i32 to index
          %get3A_75 = arith.constant 0 : index
          %get3A_76 = tpu.vector_load %arg9[%get3A, %get3A_75] {strides = array<i32>} : memref<2048x16xf32, #tpu.memory_space<vmem>>, vector<1x16xf32>,
          %get3A_77 = vector.shape_cast %get3A_76 : vector<1x16xf32> to vector<16xf32>
          %swap3A = arith.index_cast %scan3A_70 : i32 to index
          %swap3A_78 = arith.constant 0 : index
          %swap3A_79 = tpu.vector_load %arg10[%swap3A, %swap3A_78] {strides = array<i32>} : memref<256x128xf32, #tpu.memory_space<vmem>>, vector<1x16xf32>,
          %swap3A_80 = vector.shape_cast %swap3A_79 : vector<1x16xf32> to vector<16xf32>
          %swap3A_81 = vector.shape_cast %get3A_77 : vector<16xf32> to vector<1x16xf32>
          tpu.vector_store %arg10[%swap3A, %swap3A_78], %swap3A_81 {strides = array<i32>} : memref<256x128xf32, #tpu.memory_space<vmem>>, vector<1x16xf32>,
          %mul3A_82 = arith.constant 8 : i32
          %mul3A_83 = arith.muli %scan3A_70, %mul3A_82 : i32
          %add3A_84 = arith.constant 1 : i32
          %add3A_85 = arith.addi %mul3A_83, %add3A_84 : i32
          %get3A_86 = arith.index_cast %add3A_85 : i32 to index
          %get3A_87 = arith.constant 0 : index
          %get3A_88 = tpu.vector_load %arg9[%get3A_86, %get3A_87] {strides = array<i32>} : memref<2048x16xf32, #tpu.memory_space<vmem>>, vector<1x16xf32>,
          %get3A_89 = vector.shape_cast %get3A_88 : vector<1x16xf32> to vector<16xf32>
          %swap3A_90 = arith.index_cast %scan3A_70 : i32 to index
          %swap3A_91 = arith.constant 16 : index
          %swap3A_92 = tpu.vector_load %arg10[%swap3A_90, %swap3A_91] {strides = array<i32>} : memref<256x128xf32, #tpu.memory_space<vmem>>, vector<1x16xf32>,
          %swap3A_93 = vector.shape_cast %swap3A_92 : vector<1x16xf32> to vector<16xf32>
          %swap3A_94 = vector.shape_cast %get3A_89 : vector<16xf32> to vector<1x16xf32>
          tpu.vector_store %arg10[%swap3A_90, %swap3A_91], %swap3A_94 {strides = array<i32>} : memref<256x128xf32, #tpu.memory_space<vmem>>, vector<1x16xf32>,
          %mul3A_95 = arith.constant 8 : i32
          %mul3A_96 = arith.muli %scan3A_70, %mul3A_95 : i32
          %add3A_97 = arith.constant 2 : i32
          %add3A_98 = arith.addi %mul3A_96, %add3A_97 : i32
          %get3A_99 = arith.index_cast %add3A_98 : i32 to index
          %get3A_100 = arith.constant 0 : index
          %get3A_101 = tpu.vector_load %arg9[%get3A_99, %get3A_100] {strides = array<i32>} : memref<2048x16xf32, #tpu.memory_space<vmem>>, vector<1x16xf32>,
          %get3A_102 = vector.shape_cast %get3A_101 : vector<1x16xf32> to vector<16xf32>
          %swap3A_103 = arith.index_cast %scan3A_70 : i32 to index
          %swap3A_104 = arith.constant 32 : index
          %swap3A_105 = tpu.vector_load %arg10[%swap3A_103, %swap3A_104] {strides = array<i32>} : memref<256x128xf32, #tpu.memory_space<vmem>>, vector<1x16xf32>,
          %swap3A_106 = vector.shape_cast %swap3A_105 : vector<1x16xf32> to vector<16xf32>
          %swap3A_107 = vector.shape_cast %get3A_102 : vector<16xf32> to vector<1x16xf32>
          tpu.vector_store %arg10[%swap3A_103, %swap3A_104], %swap3A_107 {strides = array<i32>} : memref<256x128xf32, #tpu.memory_space<vmem>>, vector<1x16xf32>,
          %mul3A_108 = arith.constant 8 : i32
          %mul3A_109 = arith.muli %scan3A_70, %mul3A_108 : i32
          %add3A_110 = arith.constant 3 : i32
          %add3A_111 = arith.addi %mul3A_109, %add3A_110 : i32
          %get3A_112 = arith.index_cast %add3A_111 : i32 to index
          %get3A_113 = arith.constant 0 : index
          %get3A_114 = tpu.vector_load %arg9[%get3A_112, %get3A_113] {strides = array<i32>} : memref<2048x16xf32, #tpu.memory_space<vmem>>, vector<1x16xf32>,
          %get3A_115 = vector.shape_cast %get3A_114 : vector<1x16xf32> to vector<16xf32>
          %swap3A_116 = arith.index_cast %scan3A_70 : i32 to index
          %swap3A_117 = arith.constant 48 : index
          %swap3A_118 = tpu.vector_load %arg10[%swap3A_116, %swap3A_117] {strides = array<i32>} : memref<256x128xf32, #tpu.memory_space<vmem>>, vector<1x16xf32>,
          %swap3A_119 = vector.shape_cast %swap3A_118 : vector<1x16xf32> to vector<16xf32>
          %swap3A_120 = vector.shape_cast %get3A_115 : vector<16xf32> to vector<1x16xf32>
          tpu.vector_store %arg10[%swap3A_116, %swap3A_117], %swap3A_120 {strides = array<i32>} : memref<256x128xf32, #tpu.memory_space<vmem>>, vector<1x16xf32>,
          %mul3A_121 = arith.constant 8 : i32
          %mul3A_122 = arith.muli %scan3A_70, %mul3A_121 : i32
          %add3A_123 = arith.constant 4 : i32
          %add3A_124 = arith.addi %mul3A_122, %add3A_123 : i32
          %get3A_125 = arith.index_cast %add3A_124 : i32 to index
          %get3A_126 = arith.constant 0 : index
          %get3A_127 = tpu.vector_load %arg9[%get3A_125, %get3A_126] {strides = array<i32>} : memref<2048x16xf32, #tpu.memory_space<vmem>>, vector<1x16xf32>,
          %get3A_128 = vector.shape_cast %get3A_127 : vector<1x16xf32> to vector<16xf32>
          %swap3A_129 = arith.index_cast %scan3A_70 : i32 to index
          %swap3A_130 = arith.constant 64 : index
          %swap3A_131 = tpu.vector_load %arg10[%swap3A_129, %swap3A_130] {strides = array<i32>} : memref<256x128xf32, #tpu.memory_space<vmem>>, vector<1x16xf32>,
          %swap3A_132 = vector.shape_cast %swap3A_131 : vector<1x16xf32> to vector<16xf32>
          %swap3A_133 = vector.shape_cast %get3A_128 : vector<16xf32> to vector<1x16xf32>
          tpu.vector_store %arg10[%swap3A_129, %swap3A_130], %swap3A_133 {strides = array<i32>} : memref<256x128xf32, #tpu.memory_space<vmem>>, vector<1x16xf32>,
          %mul3A_134 = arith.constant 8 : i32
          %mul3A_135 = arith.muli %scan3A_70, %mul3A_134 : i32
          %add3A_136 = arith.constant 5 : i32
          %add3A_137 = arith.addi %mul3A_135, %add3A_136 : i32
          %get3A_138 = arith.index_cast %add3A_137 : i32 to index
          %get3A_139 = arith.constant 0 : index
          %get3A_140 = tpu.vector_load %arg9[%get3A_138, %get3A_139] {strides = array<i32>} : memref<2048x16xf32, #tpu.memory_space<vmem>>, vector<1x16xf32>,
          %get3A_141 = vector.shape_cast %get3A_140 : vector<1x16xf32> to vector<16xf32>
          %swap3A_142 = arith.index_cast %scan3A_70 : i32 to index
          %swap3A_143 = arith.constant 80 : index
          %swap3A_144 = tpu.vector_load %arg10[%swap3A_142, %swap3A_143] {strides = array<i32>} : memref<256x128xf32, #tpu.memory_space<vmem>>, vector<1x16xf32>,
          %swap3A_145 = vector.shape_cast %swap3A_144 : vector<1x16xf32> to vector<16xf32>
          %swap3A_146 = vector.shape_cast %get3A_141 : vector<16xf32> to vector<1x16xf32>
          tpu.vector_store %arg10[%swap3A_142, %swap3A_143], %swap3A_146 {strides = array<i32>} : memref<256x128xf32, #tpu.memory_space<vmem>>, vector<1x16xf32>,
          %mul3A_147 = arith.constant 8 : i32
          %mul3A_148 = arith.muli %scan3A_70, %mul3A_147 : i32
          %add3A_149 = arith.constant 6 : i32
          %add3A_150 = arith.addi %mul3A_148, %add3A_149 : i32
          %get3A_151 = arith.index_cast %add3A_150 : i32 to index
          %get3A_152 = arith.constant 0 : index
          %get3A_153 = tpu.vector_load %arg9[%get3A_151, %get3A_152] {strides = array<i32>} : memref<2048x16xf32, #tpu.memory_space<vmem>>, vector<1x16xf32>,
          %get3A_154 = vector.shape_cast %get3A_153 : vector<1x16xf32> to vector<16xf32>
          %swap3A_155 = arith.index_cast %scan3A_70 : i32 to index
          %swap3A_156 = arith.constant 96 : index
          %swap3A_157 = tpu.vector_load %arg10[%swap3A_155, %swap3A_156] {strides = array<i32>} : memref<256x128xf32, #tpu.memory_space<vmem>>, vector<1x16xf32>,
          %swap3A_158 = vector.shape_cast %swap3A_157 : vector<1x16xf32> to vector<16xf32>
          %swap3A_159 = vector.shape_cast %get3A_154 : vector<16xf32> to vector<1x16xf32>
          tpu.vector_store %arg10[%swap3A_155, %swap3A_156], %swap3A_159 {strides = array<i32>} : memref<256x128xf32, #tpu.memory_space<vmem>>, vector<1x16xf32>,
          %mul3A_160 = arith.constant 8 : i32
          %mul3A_161 = arith.muli %scan3A_70, %mul3A_160 : i32
          %add3A_162 = arith.constant 7 : i32
          %add3A_163 = arith.addi %mul3A_161, %add3A_162 : i32
          %get3A_164 = arith.index_cast %add3A_163 : i32 to index
          %get3A_165 = arith.constant 0 : index
          %get3A_166 = tpu.vector_load %arg9[%get3A_164, %get3A_165] {strides = array<i32>} : memref<2048x16xf32, #tpu.memory_space<vmem>>, vector<1x16xf32>,
          %get3A_167 = vector.shape_cast %get3A_166 : vector<1x16xf32> to vector<16xf32>
          %swap3A_168 = arith.index_cast %scan3A_70 : i32 to index
          %swap3A_169 = arith.constant 112 : index
          %swap3A_170 = tpu.vector_load %arg10[%swap3A_168, %swap3A_169] {strides = array<i32>} : memref<256x128xf32, #tpu.memory_space<vmem>>, vector<1x16xf32>,
          %swap3A_171 = vector.shape_cast %swap3A_170 : vector<1x16xf32> to vector<16xf32>
          %swap3A_172 = vector.shape_cast %get3A_167 : vector<16xf32> to vector<1x16xf32>
          tpu.vector_store %arg10[%swap3A_168, %swap3A_169], %swap3A_172 {strides = array<i32>} : memref<256x128xf32, #tpu.memory_space<vmem>>, vector<1x16xf32>,
        }
        %scan3A_49 = arith.constant 256 : i32
        "tpu.region"() ({
          %run_scoped3A = tpu.sem_alloc : memref<!tpu.dma_semaphore, #tpu.memory_space<semaphore_mem>>
          %dma_start3A_70 = arith.constant 0 : i32
          %dma_start3A_71 = arith.constant 0 : i32
          %dma_start3A_72 = tpu.memref_slice %arg4[%add3A_9, %dma_start3A_70, %dma_start3A_71] : memref<50x512x128xf32, #tpu.memory_space<hbm>> -> memref<1x512x128xf32, #tpu.memory_space<hbm>>
          %dma_start3A_73 = tpu.memref_squeeze %dma_start3A_72 : memref<1x512x128xf32, #tpu.memory_space<hbm>> -> memref<512x128xf32, #tpu.memory_space<hbm>>
          %dma_start3A_74 = arith.constant 0 : i32
          %dma_start3A_75 = arith.constant 0 : i32
          %dma_start3A_76 = tpu.memref_slice %dma_start3A_73[%dma_start3A_74, %dma_start3A_75] : memref<512x128xf32, #tpu.memory_space<hbm>> -> memref<256x128xf32, #tpu.memory_space<hbm>>
          %dma_start3A_77 = arith.constant 0 : i32
          %dma_start3A_78 = arith.constant 0 : i32
          %dma_start3A_79 = tpu.memref_slice %arg4[%add3A_9, %dma_start3A_77, %dma_start3A_78] : memref<50x512x128xf32, #tpu.memory_space<hbm>> -> memref<1x512x128xf32, #tpu.memory_space<hbm>>
          %dma_start3A_80 = tpu.memref_squeeze %dma_start3A_79 : memref<1x512x128xf32, #tpu.memory_space<hbm>> -> memref<512x128xf32, #tpu.memory_space<hbm>>
          %dma_start3A_81 = arith.constant 0 : i32
          %dma_start3A_82 = arith.constant 0 : i32
          %dma_start3A_83 = tpu.memref_slice %dma_start3A_80[%dma_start3A_81, %dma_start3A_82] : memref<512x128xf32, #tpu.memory_space<hbm>> -> memref<256x128xf32, #tpu.memory_space<hbm>>
          tpu.enqueue_dma source(%arg10 : memref<256x128xf32, #tpu.memory_space<vmem>>) target(%dma_start3A_83 : memref<256x128xf32, #tpu.memory_space<hbm>>) target_semaphore(%run_scoped3A : memref<!tpu.dma_semaphore, #tpu.memory_space<semaphore_mem>>)
          %dma_wait3A_84 = arith.constant 0 : i32
          %dma_wait3A_85 = arith.constant 0 : i32
          %dma_wait3A_86 = tpu.memref_slice %arg4[%add3A_9, %dma_wait3A_84, %dma_wait3A_85] : memref<50x512x128xf32, #tpu.memory_space<hbm>> -> memref<1x512x128xf32, #tpu.memory_space<hbm>>
          %dma_wait3A_87 = tpu.memref_squeeze %dma_wait3A_86 : memref<1x512x128xf32, #tpu.memory_space<hbm>> -> memref<512x128xf32, #tpu.memory_space<hbm>>
          %dma_wait3A_88 = arith.constant 0 : i32
          %dma_wait3A_89 = arith.constant 0 : i32
          %dma_wait3A_90 = tpu.memref_slice %dma_wait3A_87[%dma_wait3A_88, %dma_wait3A_89] : memref<512x128xf32, #tpu.memory_space<hbm>> -> memref<256x128xf32, #tpu.memory_space<hbm>>
          %dma_wait3A_91 = arith.constant 0 : i32
          %dma_wait3A_92 = arith.constant 0 : i32
          %dma_wait3A_93 = tpu.memref_slice %arg4[%add3A_9, %dma_wait3A_91, %dma_wait3A_92] : memref<50x512x128xf32, #tpu.memory_space<hbm>> -> memref<1x512x128xf32, #tpu.memory_space<hbm>>
          %dma_wait3A_94 = tpu.memref_squeeze %dma_wait3A_93 : memref<1x512x128xf32, #tpu.memory_space<hbm>> -> memref<512x128xf32, #tpu.memory_space<hbm>>
          %dma_wait3A_95 = arith.constant 0 : i32
          %dma_wait3A_96 = arith.constant 0 : i32
          %dma_wait3A_97 = tpu.memref_slice %dma_wait3A_94[%dma_wait3A_95, %dma_wait3A_96] : memref<512x128xf32, #tpu.memory_space<hbm>> -> memref<256x128xf32, #tpu.memory_space<hbm>>
          tpu.wait_dma2 semaphore(%run_scoped3A : memref<!tpu.dma_semaphore, #tpu.memory_space<semaphore_mem>>) src(%arg10 : memref<256x128xf32, #tpu.memory_space<vmem>>) dst(%dma_wait3A_97 : memref<256x128xf32, #tpu.memory_space<hbm>>)
          tpu.yield
        }) : () -> ()
        %dma_start3A_50 = arith.constant 0 : i32
        %dma_start3A_51 = arith.constant 2048 : i32
        %dma_start3A_52 = tpu.memref_slice %arg8[%dma_start3A_50, %dma_start3A_51] : memref<1x4096xi32, #tpu.memory_space<vmem>> -> memref<1x2048xi32, #tpu.memory_space<vmem>>
        %dma_start3A_53 = tpu.memref_squeeze %dma_start3A_52 : memref<1x2048xi32, #tpu.memory_space<vmem>> -> memref<2048xi32, #tpu.memory_space<vmem>>
        %dma_start3A_54 = arith.constant 0 : i32
        %dma_start3A_55 = arith.constant 0 : i32
        %dma_start3A_56 = tpu.memref_slice %arg2[%dma_start3A_54, %dma_start3A_55] : memref<5200000x16xf32, #tpu.memory_space<hbm>> -> memref<5200000x16xf32, #tpu.memory_space<hbm>>
        tpu.enqueue_indirect_dma source(%dma_start3A_56 : memref<5200000x16xf32, #tpu.memory_space<hbm>>) target(%arg9 : memref<2048x16xf32, #tpu.memory_space<vmem>>) offsets(%dma_start3A_53 : memref<2048xi32, #tpu.memory_space<vmem>>) semaphore(%arg11 : memref<!tpu.dma_semaphore, #tpu.memory_space<semaphore_mem>>)
        %dma_wait3A_57 = arith.constant 0 : i32
        %dma_wait3A_58 = arith.constant 2048 : i32
        %dma_wait3A_59 = tpu.memref_slice %arg8[%dma_wait3A_57, %dma_wait3A_58] : memref<1x4096xi32, #tpu.memory_space<vmem>> -> memref<1x2048xi32, #tpu.memory_space<vmem>>
        %dma_wait3A_60 = tpu.memref_squeeze %dma_wait3A_59 : memref<1x2048xi32, #tpu.memory_space<vmem>> -> memref<2048xi32, #tpu.memory_space<vmem>>
        %dma_wait3A_61 = arith.constant 0 : i32
        %dma_wait3A_62 = arith.constant 0 : i32
        %dma_wait3A_63 = tpu.memref_slice %arg2[%dma_wait3A_61, %dma_wait3A_62] : memref<5200000x16xf32, #tpu.memory_space<hbm>> -> memref<5200000x16xf32, #tpu.memory_space<hbm>>
        tpu.wait_indirect_dma semaphore(%arg11 : memref<!tpu.dma_semaphore, #tpu.memory_space<semaphore_mem>>) src(%dma_wait3A_63 : memref<5200000x16xf32, #tpu.memory_space<hbm>>) dst(%arg9 : memref<2048x16xf32, #tpu.memory_space<vmem>>)
        %scan3A_64 = arith.constant 0 : i32
        %scan3A_65 = arith.constant 0 : i32
        %scan3A_66 = arith.constant 256 : i32
        %scan3A_67 = arith.addi %scan3A_65, %scan3A_66 : i32
        %scan3A_68 = arith.constant 1 : i32
        scf.for %scan3A_70 = %scan3A_65 to %scan3A_67 step %scan3A_68  : i32 {
          %mul3A_71 = arith.constant 8 : i32
          %mul3A_72 = arith.muli %scan3A_70, %mul3A_71 : i32
          %add3A_73 = arith.constant 0 : i32
          %add3A_74 = arith.addi %mul3A_72, %add3A_73 : i32
          %get3A = arith.index_cast %add3A_74 : i32 to index
          %get3A_75 = arith.constant 0 : index
          %get3A_76 = tpu.vector_load %arg9[%get3A, %get3A_75] {strides = array<i32>} : memref<2048x16xf32, #tpu.memory_space<vmem>>, vector<1x16xf32>,
          %get3A_77 = vector.shape_cast %get3A_76 : vector<1x16xf32> to vector<16xf32>
          %swap3A = arith.index_cast %scan3A_70 : i32 to index
          %swap3A_78 = arith.constant 0 : index
          %swap3A_79 = tpu.vector_load %arg10[%swap3A, %swap3A_78] {strides = array<i32>} : memref<256x128xf32, #tpu.memory_space<vmem>>, vector<1x16xf32>,
          %swap3A_80 = vector.shape_cast %swap3A_79 : vector<1x16xf32> to vector<16xf32>
          %swap3A_81 = vector.shape_cast %get3A_77 : vector<16xf32> to vector<1x16xf32>
          tpu.vector_store %arg10[%swap3A, %swap3A_78], %swap3A_81 {strides = array<i32>} : memref<256x128xf32, #tpu.memory_space<vmem>>, vector<1x16xf32>,
          %mul3A_82 = arith.constant 8 : i32
          %mul3A_83 = arith.muli %scan3A_70, %mul3A_82 : i32
          %add3A_84 = arith.constant 1 : i32
          %add3A_85 = arith.addi %mul3A_83, %add3A_84 : i32
          %get3A_86 = arith.index_cast %add3A_85 : i32 to index
          %get3A_87 = arith.constant 0 : index
          %get3A_88 = tpu.vector_load %arg9[%get3A_86, %get3A_87] {strides = array<i32>} : memref<2048x16xf32, #tpu.memory_space<vmem>>, vector<1x16xf32>,
          %get3A_89 = vector.shape_cast %get3A_88 : vector<1x16xf32> to vector<16xf32>
          %swap3A_90 = arith.index_cast %scan3A_70 : i32 to index
          %swap3A_91 = arith.constant 16 : index
          %swap3A_92 = tpu.vector_load %arg10[%swap3A_90, %swap3A_91] {strides = array<i32>} : memref<256x128xf32, #tpu.memory_space<vmem>>, vector<1x16xf32>,
          %swap3A_93 = vector.shape_cast %swap3A_92 : vector<1x16xf32> to vector<16xf32>
          %swap3A_94 = vector.shape_cast %get3A_89 : vector<16xf32> to vector<1x16xf32>
          tpu.vector_store %arg10[%swap3A_90, %swap3A_91], %swap3A_94 {strides = array<i32>} : memref<256x128xf32, #tpu.memory_space<vmem>>, vector<1x16xf32>,
          %mul3A_95 = arith.constant 8 : i32
          %mul3A_96 = arith.muli %scan3A_70, %mul3A_95 : i32
          %add3A_97 = arith.constant 2 : i32
          %add3A_98 = arith.addi %mul3A_96, %add3A_97 : i32
          %get3A_99 = arith.index_cast %add3A_98 : i32 to index
          %get3A_100 = arith.constant 0 : index
          %get3A_101 = tpu.vector_load %arg9[%get3A_99, %get3A_100] {strides = array<i32>} : memref<2048x16xf32, #tpu.memory_space<vmem>>, vector<1x16xf32>,
          %get3A_102 = vector.shape_cast %get3A_101 : vector<1x16xf32> to vector<16xf32>
          %swap3A_103 = arith.index_cast %scan3A_70 : i32 to index
          %swap3A_104 = arith.constant 32 : index
          %swap3A_105 = tpu.vector_load %arg10[%swap3A_103, %swap3A_104] {strides = array<i32>} : memref<256x128xf32, #tpu.memory_space<vmem>>, vector<1x16xf32>,
          %swap3A_106 = vector.shape_cast %swap3A_105 : vector<1x16xf32> to vector<16xf32>
          %swap3A_107 = vector.shape_cast %get3A_102 : vector<16xf32> to vector<1x16xf32>
          tpu.vector_store %arg10[%swap3A_103, %swap3A_104], %swap3A_107 {strides = array<i32>} : memref<256x128xf32, #tpu.memory_space<vmem>>, vector<1x16xf32>,
          %mul3A_108 = arith.constant 8 : i32
          %mul3A_109 = arith.muli %scan3A_70, %mul3A_108 : i32
          %add3A_110 = arith.constant 3 : i32
          %add3A_111 = arith.addi %mul3A_109, %add3A_110 : i32
          %get3A_112 = arith.index_cast %add3A_111 : i32 to index
          %get3A_113 = arith.constant 0 : index
          %get3A_114 = tpu.vector_load %arg9[%get3A_112, %get3A_113] {strides = array<i32>} : memref<2048x16xf32, #tpu.memory_space<vmem>>, vector<1x16xf32>,
          %get3A_115 = vector.shape_cast %get3A_114 : vector<1x16xf32> to vector<16xf32>
          %swap3A_116 = arith.index_cast %scan3A_70 : i32 to index
          %swap3A_117 = arith.constant 48 : index
          %swap3A_118 = tpu.vector_load %arg10[%swap3A_116, %swap3A_117] {strides = array<i32>} : memref<256x128xf32, #tpu.memory_space<vmem>>, vector<1x16xf32>,
          %swap3A_119 = vector.shape_cast %swap3A_118 : vector<1x16xf32> to vector<16xf32>
          %swap3A_120 = vector.shape_cast %get3A_115 : vector<16xf32> to vector<1x16xf32>
          tpu.vector_store %arg10[%swap3A_116, %swap3A_117], %swap3A_120 {strides = array<i32>} : memref<256x128xf32, #tpu.memory_space<vmem>>, vector<1x16xf32>,
          %mul3A_121 = arith.constant 8 : i32
          %mul3A_122 = arith.muli %scan3A_70, %mul3A_121 : i32
          %add3A_123 = arith.constant 4 : i32
          %add3A_124 = arith.addi %mul3A_122, %add3A_123 : i32
          %get3A_125 = arith.index_cast %add3A_124 : i32 to index
          %get3A_126 = arith.constant 0 : index
          %get3A_127 = tpu.vector_load %arg9[%get3A_125, %get3A_126] {strides = array<i32>} : memref<2048x16xf32, #tpu.memory_space<vmem>>, vector<1x16xf32>,
          %get3A_128 = vector.shape_cast %get3A_127 : vector<1x16xf32> to vector<16xf32>
          %swap3A_129 = arith.index_cast %scan3A_70 : i32 to index
          %swap3A_130 = arith.constant 64 : index
          %swap3A_131 = tpu.vector_load %arg10[%swap3A_129, %swap3A_130] {strides = array<i32>} : memref<256x128xf32, #tpu.memory_space<vmem>>, vector<1x16xf32>,
          %swap3A_132 = vector.shape_cast %swap3A_131 : vector<1x16xf32> to vector<16xf32>
          %swap3A_133 = vector.shape_cast %get3A_128 : vector<16xf32> to vector<1x16xf32>
          tpu.vector_store %arg10[%swap3A_129, %swap3A_130], %swap3A_133 {strides = array<i32>} : memref<256x128xf32, #tpu.memory_space<vmem>>, vector<1x16xf32>,
          %mul3A_134 = arith.constant 8 : i32
          %mul3A_135 = arith.muli %scan3A_70, %mul3A_134 : i32
          %add3A_136 = arith.constant 5 : i32
          %add3A_137 = arith.addi %mul3A_135, %add3A_136 : i32
          %get3A_138 = arith.index_cast %add3A_137 : i32 to index
          %get3A_139 = arith.constant 0 : index
          %get3A_140 = tpu.vector_load %arg9[%get3A_138, %get3A_139] {strides = array<i32>} : memref<2048x16xf32, #tpu.memory_space<vmem>>, vector<1x16xf32>,
          %get3A_141 = vector.shape_cast %get3A_140 : vector<1x16xf32> to vector<16xf32>
          %swap3A_142 = arith.index_cast %scan3A_70 : i32 to index
          %swap3A_143 = arith.constant 80 : index
          %swap3A_144 = tpu.vector_load %arg10[%swap3A_142, %swap3A_143] {strides = array<i32>} : memref<256x128xf32, #tpu.memory_space<vmem>>, vector<1x16xf32>,
          %swap3A_145 = vector.shape_cast %swap3A_144 : vector<1x16xf32> to vector<16xf32>
          %swap3A_146 = vector.shape_cast %get3A_141 : vector<16xf32> to vector<1x16xf32>
          tpu.vector_store %arg10[%swap3A_142, %swap3A_143], %swap3A_146 {strides = array<i32>} : memref<256x128xf32, #tpu.memory_space<vmem>>, vector<1x16xf32>,
          %mul3A_147 = arith.constant 8 : i32
          %mul3A_148 = arith.muli %scan3A_70, %mul3A_147 : i32
          %add3A_149 = arith.constant 6 : i32
          %add3A_150 = arith.addi %mul3A_148, %add3A_149 : i32
          %get3A_151 = arith.index_cast %add3A_150 : i32 to index
          %get3A_152 = arith.constant 0 : index
          %get3A_153 = tpu.vector_load %arg9[%get3A_151, %get3A_152] {strides = array<i32>} : memref<2048x16xf32, #tpu.memory_space<vmem>>, vector<1x16xf32>,
          %get3A_154 = vector.shape_cast %get3A_153 : vector<1x16xf32> to vector<16xf32>
          %swap3A_155 = arith.index_cast %scan3A_70 : i32 to index
          %swap3A_156 = arith.constant 96 : index
          %swap3A_157 = tpu.vector_load %arg10[%swap3A_155, %swap3A_156] {strides = array<i32>} : memref<256x128xf32, #tpu.memory_space<vmem>>, vector<1x16xf32>,
          %swap3A_158 = vector.shape_cast %swap3A_157 : vector<1x16xf32> to vector<16xf32>
          %swap3A_159 = vector.shape_cast %get3A_154 : vector<16xf32> to vector<1x16xf32>
          tpu.vector_store %arg10[%swap3A_155, %swap3A_156], %swap3A_159 {strides = array<i32>} : memref<256x128xf32, #tpu.memory_space<vmem>>, vector<1x16xf32>,
          %mul3A_160 = arith.constant 8 : i32
          %mul3A_161 = arith.muli %scan3A_70, %mul3A_160 : i32
          %add3A_162 = arith.constant 7 : i32
          %add3A_163 = arith.addi %mul3A_161, %add3A_162 : i32
          %get3A_164 = arith.index_cast %add3A_163 : i32 to index
          %get3A_165 = arith.constant 0 : index
          %get3A_166 = tpu.vector_load %arg9[%get3A_164, %get3A_165] {strides = array<i32>} : memref<2048x16xf32, #tpu.memory_space<vmem>>, vector<1x16xf32>,
          %get3A_167 = vector.shape_cast %get3A_166 : vector<1x16xf32> to vector<16xf32>
          %swap3A_168 = arith.index_cast %scan3A_70 : i32 to index
          %swap3A_169 = arith.constant 112 : index
          %swap3A_170 = tpu.vector_load %arg10[%swap3A_168, %swap3A_169] {strides = array<i32>} : memref<256x128xf32, #tpu.memory_space<vmem>>, vector<1x16xf32>,
          %swap3A_171 = vector.shape_cast %swap3A_170 : vector<1x16xf32> to vector<16xf32>
          %swap3A_172 = vector.shape_cast %get3A_167 : vector<16xf32> to vector<1x16xf32>
          tpu.vector_store %arg10[%swap3A_168, %swap3A_169], %swap3A_172 {strides = array<i32>} : memref<256x128xf32, #tpu.memory_space<vmem>>, vector<1x16xf32>,
        }
        %scan3A_69 = arith.constant 256 : i32
        "tpu.region"() ({
          %run_scoped3A = tpu.sem_alloc : memref<!tpu.dma_semaphore, #tpu.memory_space<semaphore_mem>>
          %dma_start3A_70 = arith.constant 0 : i32
          %dma_start3A_71 = arith.constant 0 : i32
          %dma_start3A_72 = tpu.memref_slice %arg4[%add3A_9, %dma_start3A_70, %dma_start3A_71] : memref<50x512x128xf32, #tpu.memory_space<hbm>> -> memref<1x512x128xf32, #tpu.memory_space<hbm>>
          %dma_start3A_73 = tpu.memref_squeeze %dma_start3A_72 : memref<1x512x128xf32, #tpu.memory_space<hbm>> -> memref<512x128xf32, #tpu.memory_space<hbm>>
          %dma_start3A_74 = arith.constant 256 : i32
          %dma_start3A_75 = arith.constant 0 : i32
          %dma_start3A_76 = tpu.memref_slice %dma_start3A_73[%dma_start3A_74, %dma_start3A_75] : memref<512x128xf32, #tpu.memory_space<hbm>> -> memref<256x128xf32, #tpu.memory_space<hbm>>
          %dma_start3A_77 = arith.constant 0 : i32
          %dma_start3A_78 = arith.constant 0 : i32
          %dma_start3A_79 = tpu.memref_slice %arg4[%add3A_9, %dma_start3A_77, %dma_start3A_78] : memref<50x512x128xf32, #tpu.memory_space<hbm>> -> memref<1x512x128xf32, #tpu.memory_space<hbm>>
          %dma_start3A_80 = tpu.memref_squeeze %dma_start3A_79 : memref<1x512x128xf32, #tpu.memory_space<hbm>> -> memref<512x128xf32, #tpu.memory_space<hbm>>
          %dma_start3A_81 = arith.constant 256 : i32
          %dma_start3A_82 = arith.constant 0 : i32
          %dma_start3A_83 = tpu.memref_slice %dma_start3A_80[%dma_start3A_81, %dma_start3A_82] : memref<512x128xf32, #tpu.memory_space<hbm>> -> memref<256x128xf32, #tpu.memory_space<hbm>>
          tpu.enqueue_dma source(%arg10 : memref<256x128xf32, #tpu.memory_space<vmem>>) target(%dma_start3A_83 : memref<256x128xf32, #tpu.memory_space<hbm>>) target_semaphore(%run_scoped3A : memref<!tpu.dma_semaphore, #tpu.memory_space<semaphore_mem>>)
          %dma_wait3A_84 = arith.constant 0 : i32
          %dma_wait3A_85 = arith.constant 0 : i32
          %dma_wait3A_86 = tpu.memref_slice %arg4[%add3A_9, %dma_wait3A_84, %dma_wait3A_85] : memref<50x512x128xf32, #tpu.memory_space<hbm>> -> memref<1x512x128xf32, #tpu.memory_space<hbm>>
          %dma_wait3A_87 = tpu.memref_squeeze %dma_wait3A_86 : memref<1x512x128xf32, #tpu.memory_space<hbm>> -> memref<512x128xf32, #tpu.memory_space<hbm>>
          %dma_wait3A_88 = arith.constant 256 : i32
          %dma_wait3A_89 = arith.constant 0 : i32
          %dma_wait3A_90 = tpu.memref_slice %dma_wait3A_87[%dma_wait3A_88, %dma_wait3A_89] : memref<512x128xf32, #tpu.memory_space<hbm>> -> memref<256x128xf32, #tpu.memory_space<hbm>>
          %dma_wait3A_91 = arith.constant 0 : i32
          %dma_wait3A_92 = arith.constant 0 : i32
          %dma_wait3A_93 = tpu.memref_slice %arg4[%add3A_9, %dma_wait3A_91, %dma_wait3A_92] : memref<50x512x128xf32, #tpu.memory_space<hbm>> -> memref<1x512x128xf32, #tpu.memory_space<hbm>>
          %dma_wait3A_94 = tpu.memref_squeeze %dma_wait3A_93 : memref<1x512x128xf32, #tpu.memory_space<hbm>> -> memref<512x128xf32, #tpu.memory_space<hbm>>
          %dma_wait3A_95 = arith.constant 256 : i32
          %dma_wait3A_96 = arith.constant 0 : i32
          %dma_wait3A_97 = tpu.memref_slice %dma_wait3A_94[%dma_wait3A_95, %dma_wait3A_96] : memref<512x128xf32, #tpu.memory_space<hbm>> -> memref<256x128xf32, #tpu.memory_space<hbm>>
          tpu.wait_dma2 semaphore(%run_scoped3A : memref<!tpu.dma_semaphore, #tpu.memory_space<semaphore_mem>>) src(%arg10 : memref<256x128xf32, #tpu.memory_space<vmem>>) dst(%dma_wait3A_97 : memref<256x128xf32, #tpu.memory_space<hbm>>)
          tpu.yield
        }) : () -> ()
      } else {
      }
      %ge3A = arith.constant 50 : i32
      %ge3A_17 = arith.cmpi sge, %add3A_9, %ge3A : i32
      %lt3A_18 = arith.constant 250 : i32
      %lt3A_19 = arith.cmpi slt, %add3A_9, %lt3A_18 : i32
      %and3A = arith.andi %ge3A_17, %lt3A_19 : i1
      %convert_element_type3A_20 = arith.extui %and3A : i1 to i32
      %cond3A_21 = arith.constant 0 : i32
      %cond3A_22 = arith.cmpi ne, %convert_element_type3A_20, %cond3A_21 : i32
      scf.if %cond3A_22 {
        %sub3A = arith.constant 50 : i32
        %sub3A_32 = arith.subi %add3A_9, %sub3A : i32
        %dma_start3A = arith.constant 0 : i32
        %dma_start3A_33 = arith.constant 0 : i32
        %dma_start3A_34 = tpu.memref_slice %arg8[%dma_start3A, %dma_start3A_33] : memref<1x4096xi32, #tpu.memory_space<vmem>> -> memref<1x2048xi32, #tpu.memory_space<vmem>>
        %dma_start3A_35 = tpu.memref_squeeze %dma_start3A_34 : memref<1x2048xi32, #tpu.memory_space<vmem>> -> memref<2048xi32, #tpu.memory_space<vmem>>
        %dma_start3A_36 = arith.constant 0 : i32
        %dma_start3A_37 = arith.constant 0 : i32
        %dma_start3A_38 = tpu.memref_slice %arg2[%dma_start3A_36, %dma_start3A_37] : memref<5200000x16xf32, #tpu.memory_space<hbm>> -> memref<5200000x16xf32, #tpu.memory_space<hbm>>
        tpu.enqueue_indirect_dma source(%dma_start3A_38 : memref<5200000x16xf32, #tpu.memory_space<hbm>>) target(%arg9 : memref<2048x16xf32, #tpu.memory_space<vmem>>) offsets(%dma_start3A_35 : memref<2048xi32, #tpu.memory_space<vmem>>) semaphore(%arg11 : memref<!tpu.dma_semaphore, #tpu.memory_space<semaphore_mem>>)
        %dma_wait3A = arith.constant 0 : i32
        %dma_wait3A_39 = arith.constant 0 : i32
        %dma_wait3A_40 = tpu.memref_slice %arg8[%dma_wait3A, %dma_wait3A_39] : memref<1x4096xi32, #tpu.memory_space<vmem>> -> memref<1x2048xi32, #tpu.memory_space<vmem>>
        %dma_wait3A_41 = tpu.memref_squeeze %dma_wait3A_40 : memref<1x2048xi32, #tpu.memory_space<vmem>> -> memref<2048xi32, #tpu.memory_space<vmem>>
        %dma_wait3A_42 = arith.constant 0 : i32
        %dma_wait3A_43 = arith.constant 0 : i32
        %dma_wait3A_44 = tpu.memref_slice %arg2[%dma_wait3A_42, %dma_wait3A_43] : memref<5200000x16xf32, #tpu.memory_space<hbm>> -> memref<5200000x16xf32, #tpu.memory_space<hbm>>
        tpu.wait_indirect_dma semaphore(%arg11 : memref<!tpu.dma_semaphore, #tpu.memory_space<semaphore_mem>>) src(%dma_wait3A_44 : memref<5200000x16xf32, #tpu.memory_space<hbm>>) dst(%arg9 : memref<2048x16xf32, #tpu.memory_space<vmem>>)
        %scan3A_45 = arith.constant 0 : i32
        %scan3A_46 = arith.constant 0 : i32
        %scan3A_47 = arith.constant 256 : i32
        %scan3A_48 = arith.addi %scan3A_46, %scan3A_47 : i32
        %scan3A_49 = arith.constant 1 : i32
        scf.for %scan3A_71 = %scan3A_46 to %scan3A_48 step %scan3A_49  : i32 {
          %mul3A_72 = arith.constant 8 : i32
          %mul3A_73 = arith.muli %scan3A_71, %mul3A_72 : i32
          %add3A_74 = arith.constant 0 : i32
          %add3A_75 = arith.addi %mul3A_73, %add3A_74 : i32
          %get3A = arith.index_cast %add3A_75 : i32 to index
          %get3A_76 = arith.constant 0 : index
          %get3A_77 = tpu.vector_load %arg9[%get3A, %get3A_76] {strides = array<i32>} : memref<2048x16xf32, #tpu.memory_space<vmem>>, vector<1x16xf32>,
          %get3A_78 = vector.shape_cast %get3A_77 : vector<1x16xf32> to vector<16xf32>
          %swap3A = arith.index_cast %scan3A_71 : i32 to index
          %swap3A_79 = arith.constant 0 : index
          %swap3A_80 = tpu.vector_load %arg10[%swap3A, %swap3A_79] {strides = array<i32>} : memref<256x128xf32, #tpu.memory_space<vmem>>, vector<1x16xf32>,
          %swap3A_81 = vector.shape_cast %swap3A_80 : vector<1x16xf32> to vector<16xf32>
          %swap3A_82 = vector.shape_cast %get3A_78 : vector<16xf32> to vector<1x16xf32>
          tpu.vector_store %arg10[%swap3A, %swap3A_79], %swap3A_82 {strides = array<i32>} : memref<256x128xf32, #tpu.memory_space<vmem>>, vector<1x16xf32>,
          %mul3A_83 = arith.constant 8 : i32
          %mul3A_84 = arith.muli %scan3A_71, %mul3A_83 : i32
          %add3A_85 = arith.constant 1 : i32
          %add3A_86 = arith.addi %mul3A_84, %add3A_85 : i32
          %get3A_87 = arith.index_cast %add3A_86 : i32 to index
          %get3A_88 = arith.constant 0 : index
          %get3A_89 = tpu.vector_load %arg9[%get3A_87, %get3A_88] {strides = array<i32>} : memref<2048x16xf32, #tpu.memory_space<vmem>>, vector<1x16xf32>,
          %get3A_90 = vector.shape_cast %get3A_89 : vector<1x16xf32> to vector<16xf32>
          %swap3A_91 = arith.index_cast %scan3A_71 : i32 to index
          %swap3A_92 = arith.constant 16 : index
          %swap3A_93 = tpu.vector_load %arg10[%swap3A_91, %swap3A_92] {strides = array<i32>} : memref<256x128xf32, #tpu.memory_space<vmem>>, vector<1x16xf32>,
          %swap3A_94 = vector.shape_cast %swap3A_93 : vector<1x16xf32> to vector<16xf32>
          %swap3A_95 = vector.shape_cast %get3A_90 : vector<16xf32> to vector<1x16xf32>
          tpu.vector_store %arg10[%swap3A_91, %swap3A_92], %swap3A_95 {strides = array<i32>} : memref<256x128xf32, #tpu.memory_space<vmem>>, vector<1x16xf32>,
          %mul3A_96 = arith.constant 8 : i32
          %mul3A_97 = arith.muli %scan3A_71, %mul3A_96 : i32
          %add3A_98 = arith.constant 2 : i32
          %add3A_99 = arith.addi %mul3A_97, %add3A_98 : i32
          %get3A_100 = arith.index_cast %add3A_99 : i32 to index
          %get3A_101 = arith.constant 0 : index
          %get3A_102 = tpu.vector_load %arg9[%get3A_100, %get3A_101] {strides = array<i32>} : memref<2048x16xf32, #tpu.memory_space<vmem>>, vector<1x16xf32>,
          %get3A_103 = vector.shape_cast %get3A_102 : vector<1x16xf32> to vector<16xf32>
          %swap3A_104 = arith.index_cast %scan3A_71 : i32 to index
          %swap3A_105 = arith.constant 32 : index
          %swap3A_106 = tpu.vector_load %arg10[%swap3A_104, %swap3A_105] {strides = array<i32>} : memref<256x128xf32, #tpu.memory_space<vmem>>, vector<1x16xf32>,
          %swap3A_107 = vector.shape_cast %swap3A_106 : vector<1x16xf32> to vector<16xf32>
          %swap3A_108 = vector.shape_cast %get3A_103 : vector<16xf32> to vector<1x16xf32>
          tpu.vector_store %arg10[%swap3A_104, %swap3A_105], %swap3A_108 {strides = array<i32>} : memref<256x128xf32, #tpu.memory_space<vmem>>, vector<1x16xf32>,
          %mul3A_109 = arith.constant 8 : i32
          %mul3A_110 = arith.muli %scan3A_71, %mul3A_109 : i32
          %add3A_111 = arith.constant 3 : i32
          %add3A_112 = arith.addi %mul3A_110, %add3A_111 : i32
          %get3A_113 = arith.index_cast %add3A_112 : i32 to index
          %get3A_114 = arith.constant 0 : index
          %get3A_115 = tpu.vector_load %arg9[%get3A_113, %get3A_114] {strides = array<i32>} : memref<2048x16xf32, #tpu.memory_space<vmem>>, vector<1x16xf32>,
          %get3A_116 = vector.shape_cast %get3A_115 : vector<1x16xf32> to vector<16xf32>
          %swap3A_117 = arith.index_cast %scan3A_71 : i32 to index
          %swap3A_118 = arith.constant 48 : index
          %swap3A_119 = tpu.vector_load %arg10[%swap3A_117, %swap3A_118] {strides = array<i32>} : memref<256x128xf32, #tpu.memory_space<vmem>>, vector<1x16xf32>,
          %swap3A_120 = vector.shape_cast %swap3A_119 : vector<1x16xf32> to vector<16xf32>
          %swap3A_121 = vector.shape_cast %get3A_116 : vector<16xf32> to vector<1x16xf32>
          tpu.vector_store %arg10[%swap3A_117, %swap3A_118], %swap3A_121 {strides = array<i32>} : memref<256x128xf32, #tpu.memory_space<vmem>>, vector<1x16xf32>,
          %mul3A_122 = arith.constant 8 : i32
          %mul3A_123 = arith.muli %scan3A_71, %mul3A_122 : i32
          %add3A_124 = arith.constant 4 : i32
          %add3A_125 = arith.addi %mul3A_123, %add3A_124 : i32
          %get3A_126 = arith.index_cast %add3A_125 : i32 to index
          %get3A_127 = arith.constant 0 : index
          %get3A_128 = tpu.vector_load %arg9[%get3A_126, %get3A_127] {strides = array<i32>} : memref<2048x16xf32, #tpu.memory_space<vmem>>, vector<1x16xf32>,
          %get3A_129 = vector.shape_cast %get3A_128 : vector<1x16xf32> to vector<16xf32>
          %swap3A_130 = arith.index_cast %scan3A_71 : i32 to index
          %swap3A_131 = arith.constant 64 : index
          %swap3A_132 = tpu.vector_load %arg10[%swap3A_130, %swap3A_131] {strides = array<i32>} : memref<256x128xf32, #tpu.memory_space<vmem>>, vector<1x16xf32>,
          %swap3A_133 = vector.shape_cast %swap3A_132 : vector<1x16xf32> to vector<16xf32>
          %swap3A_134 = vector.shape_cast %get3A_129 : vector<16xf32> to vector<1x16xf32>
          tpu.vector_store %arg10[%swap3A_130, %swap3A_131], %swap3A_134 {strides = array<i32>} : memref<256x128xf32, #tpu.memory_space<vmem>>, vector<1x16xf32>,
          %mul3A_135 = arith.constant 8 : i32
          %mul3A_136 = arith.muli %scan3A_71, %mul3A_135 : i32
          %add3A_137 = arith.constant 5 : i32
          %add3A_138 = arith.addi %mul3A_136, %add3A_137 : i32
          %get3A_139 = arith.index_cast %add3A_138 : i32 to index
          %get3A_140 = arith.constant 0 : index
          %get3A_141 = tpu.vector_load %arg9[%get3A_139, %get3A_140] {strides = array<i32>} : memref<2048x16xf32, #tpu.memory_space<vmem>>, vector<1x16xf32>,
          %get3A_142 = vector.shape_cast %get3A_141 : vector<1x16xf32> to vector<16xf32>
          %swap3A_143 = arith.index_cast %scan3A_71 : i32 to index
          %swap3A_144 = arith.constant 80 : index
          %swap3A_145 = tpu.vector_load %arg10[%swap3A_143, %swap3A_144] {strides = array<i32>} : memref<256x128xf32, #tpu.memory_space<vmem>>, vector<1x16xf32>,
          %swap3A_146 = vector.shape_cast %swap3A_145 : vector<1x16xf32> to vector<16xf32>
          %swap3A_147 = vector.shape_cast %get3A_142 : vector<16xf32> to vector<1x16xf32>
          tpu.vector_store %arg10[%swap3A_143, %swap3A_144], %swap3A_147 {strides = array<i32>} : memref<256x128xf32, #tpu.memory_space<vmem>>, vector<1x16xf32>,
          %mul3A_148 = arith.constant 8 : i32
          %mul3A_149 = arith.muli %scan3A_71, %mul3A_148 : i32
          %add3A_150 = arith.constant 6 : i32
          %add3A_151 = arith.addi %mul3A_149, %add3A_150 : i32
          %get3A_152 = arith.index_cast %add3A_151 : i32 to index
          %get3A_153 = arith.constant 0 : index
          %get3A_154 = tpu.vector_load %arg9[%get3A_152, %get3A_153] {strides = array<i32>} : memref<2048x16xf32, #tpu.memory_space<vmem>>, vector<1x16xf32>,
          %get3A_155 = vector.shape_cast %get3A_154 : vector<1x16xf32> to vector<16xf32>
          %swap3A_156 = arith.index_cast %scan3A_71 : i32 to index
          %swap3A_157 = arith.constant 96 : index
          %swap3A_158 = tpu.vector_load %arg10[%swap3A_156, %swap3A_157] {strides = array<i32>} : memref<256x128xf32, #tpu.memory_space<vmem>>, vector<1x16xf32>,
          %swap3A_159 = vector.shape_cast %swap3A_158 : vector<1x16xf32> to vector<16xf32>
          %swap3A_160 = vector.shape_cast %get3A_155 : vector<16xf32> to vector<1x16xf32>
          tpu.vector_store %arg10[%swap3A_156, %swap3A_157], %swap3A_160 {strides = array<i32>} : memref<256x128xf32, #tpu.memory_space<vmem>>, vector<1x16xf32>,
          %mul3A_161 = arith.constant 8 : i32
          %mul3A_162 = arith.muli %scan3A_71, %mul3A_161 : i32
          %add3A_163 = arith.constant 7 : i32
          %add3A_164 = arith.addi %mul3A_162, %add3A_163 : i32
          %get3A_165 = arith.index_cast %add3A_164 : i32 to index
          %get3A_166 = arith.constant 0 : index
          %get3A_167 = tpu.vector_load %arg9[%get3A_165, %get3A_166] {strides = array<i32>} : memref<2048x16xf32, #tpu.memory_space<vmem>>, vector<1x16xf32>,
          %get3A_168 = vector.shape_cast %get3A_167 : vector<1x16xf32> to vector<16xf32>
          %swap3A_169 = arith.index_cast %scan3A_71 : i32 to index
          %swap3A_170 = arith.constant 112 : index
          %swap3A_171 = tpu.vector_load %arg10[%swap3A_169, %swap3A_170] {strides = array<i32>} : memref<256x128xf32, #tpu.memory_space<vmem>>, vector<1x16xf32>,
          %swap3A_172 = vector.shape_cast %swap3A_171 : vector<1x16xf32> to vector<16xf32>
          %swap3A_173 = vector.shape_cast %get3A_168 : vector<16xf32> to vector<1x16xf32>
          tpu.vector_store %arg10[%swap3A_169, %swap3A_170], %swap3A_173 {strides = array<i32>} : memref<256x128xf32, #tpu.memory_space<vmem>>, vector<1x16xf32>,
        }
        %scan3A_50 = arith.constant 256 : i32
        "tpu.region"() ({
          %run_scoped3A = tpu.sem_alloc : memref<!tpu.dma_semaphore, #tpu.memory_space<semaphore_mem>>
          %dma_start3A_71 = arith.constant 0 : i32
          %dma_start3A_72 = arith.constant 0 : i32
          %dma_start3A_73 = tpu.memref_slice %arg5[%sub3A_32, %dma_start3A_71, %dma_start3A_72] : memref<200x512x128xf32, #tpu.memory_space<hbm>> -> memref<1x512x128xf32, #tpu.memory_space<hbm>>
          %dma_start3A_74 = tpu.memref_squeeze %dma_start3A_73 : memref<1x512x128xf32, #tpu.memory_space<hbm>> -> memref<512x128xf32, #tpu.memory_space<hbm>>
          %dma_start3A_75 = arith.constant 0 : i32
          %dma_start3A_76 = arith.constant 0 : i32
          %dma_start3A_77 = tpu.memref_slice %dma_start3A_74[%dma_start3A_75, %dma_start3A_76] : memref<512x128xf32, #tpu.memory_space<hbm>> -> memref<256x128xf32, #tpu.memory_space<hbm>>
          %dma_start3A_78 = arith.constant 0 : i32
          %dma_start3A_79 = arith.constant 0 : i32
          %dma_start3A_80 = tpu.memref_slice %arg5[%sub3A_32, %dma_start3A_78, %dma_start3A_79] : memref<200x512x128xf32, #tpu.memory_space<hbm>> -> memref<1x512x128xf32, #tpu.memory_space<hbm>>
          %dma_start3A_81 = tpu.memref_squeeze %dma_start3A_80 : memref<1x512x128xf32, #tpu.memory_space<hbm>> -> memref<512x128xf32, #tpu.memory_space<hbm>>
          %dma_start3A_82 = arith.constant 0 : i32
          %dma_start3A_83 = arith.constant 0 : i32
          %dma_start3A_84 = tpu.memref_slice %dma_start3A_81[%dma_start3A_82, %dma_start3A_83] : memref<512x128xf32, #tpu.memory_space<hbm>> -> memref<256x128xf32, #tpu.memory_space<hbm>>
          tpu.enqueue_dma source(%arg10 : memref<256x128xf32, #tpu.memory_space<vmem>>) target(%dma_start3A_84 : memref<256x128xf32, #tpu.memory_space<hbm>>) target_semaphore(%run_scoped3A : memref<!tpu.dma_semaphore, #tpu.memory_space<semaphore_mem>>)
          %dma_wait3A_85 = arith.constant 0 : i32
          %dma_wait3A_86 = arith.constant 0 : i32
          %dma_wait3A_87 = tpu.memref_slice %arg5[%sub3A_32, %dma_wait3A_85, %dma_wait3A_86] : memref<200x512x128xf32, #tpu.memory_space<hbm>> -> memref<1x512x128xf32, #tpu.memory_space<hbm>>
          %dma_wait3A_88 = tpu.memref_squeeze %dma_wait3A_87 : memref<1x512x128xf32, #tpu.memory_space<hbm>> -> memref<512x128xf32, #tpu.memory_space<hbm>>
          %dma_wait3A_89 = arith.constant 0 : i32
          %dma_wait3A_90 = arith.constant 0 : i32
          %dma_wait3A_91 = tpu.memref_slice %dma_wait3A_88[%dma_wait3A_89, %dma_wait3A_90] : memref<512x128xf32, #tpu.memory_space<hbm>> -> memref<256x128xf32, #tpu.memory_space<hbm>>
          %dma_wait3A_92 = arith.constant 0 : i32
          %dma_wait3A_93 = arith.constant 0 : i32
          %dma_wait3A_94 = tpu.memref_slice %arg5[%sub3A_32, %dma_wait3A_92, %dma_wait3A_93] : memref<200x512x128xf32, #tpu.memory_space<hbm>> -> memref<1x512x128xf32, #tpu.memory_space<hbm>>
          %dma_wait3A_95 = tpu.memref_squeeze %dma_wait3A_94 : memref<1x512x128xf32, #tpu.memory_space<hbm>> -> memref<512x128xf32, #tpu.memory_space<hbm>>
          %dma_wait3A_96 = arith.constant 0 : i32
          %dma_wait3A_97 = arith.constant 0 : i32
          %dma_wait3A_98 = tpu.memref_slice %dma_wait3A_95[%dma_wait3A_96, %dma_wait3A_97] : memref<512x128xf32, #tpu.memory_space<hbm>> -> memref<256x128xf32, #tpu.memory_space<hbm>>
          tpu.wait_dma2 semaphore(%run_scoped3A : memref<!tpu.dma_semaphore, #tpu.memory_space<semaphore_mem>>) src(%arg10 : memref<256x128xf32, #tpu.memory_space<vmem>>) dst(%dma_wait3A_98 : memref<256x128xf32, #tpu.memory_space<hbm>>)
          tpu.yield
        }) : () -> ()
        %dma_start3A_51 = arith.constant 0 : i32
        %dma_start3A_52 = arith.constant 2048 : i32
        %dma_start3A_53 = tpu.memref_slice %arg8[%dma_start3A_51, %dma_start3A_52] : memref<1x4096xi32, #tpu.memory_space<vmem>> -> memref<1x2048xi32, #tpu.memory_space<vmem>>
        %dma_start3A_54 = tpu.memref_squeeze %dma_start3A_53 : memref<1x2048xi32, #tpu.memory_space<vmem>> -> memref<2048xi32, #tpu.memory_space<vmem>>
        %dma_start3A_55 = arith.constant 0 : i32
        %dma_start3A_56 = arith.constant 0 : i32
        %dma_start3A_57 = tpu.memref_slice %arg2[%dma_start3A_55, %dma_start3A_56] : memref<5200000x16xf32, #tpu.memory_space<hbm>> -> memref<5200000x16xf32, #tpu.memory_space<hbm>>
        tpu.enqueue_indirect_dma source(%dma_start3A_57 : memref<5200000x16xf32, #tpu.memory_space<hbm>>) target(%arg9 : memref<2048x16xf32, #tpu.memory_space<vmem>>) offsets(%dma_start3A_54 : memref<2048xi32, #tpu.memory_space<vmem>>) semaphore(%arg11 : memref<!tpu.dma_semaphore, #tpu.memory_space<semaphore_mem>>)
        %dma_wait3A_58 = arith.constant 0 : i32
        %dma_wait3A_59 = arith.constant 2048 : i32
        %dma_wait3A_60 = tpu.memref_slice %arg8[%dma_wait3A_58, %dma_wait3A_59] : memref<1x4096xi32, #tpu.memory_space<vmem>> -> memref<1x2048xi32, #tpu.memory_space<vmem>>
        %dma_wait3A_61 = tpu.memref_squeeze %dma_wait3A_60 : memref<1x2048xi32, #tpu.memory_space<vmem>> -> memref<2048xi32, #tpu.memory_space<vmem>>
        %dma_wait3A_62 = arith.constant 0 : i32
        %dma_wait3A_63 = arith.constant 0 : i32
        %dma_wait3A_64 = tpu.memref_slice %arg2[%dma_wait3A_62, %dma_wait3A_63] : memref<5200000x16xf32, #tpu.memory_space<hbm>> -> memref<5200000x16xf32, #tpu.memory_space<hbm>>
        tpu.wait_indirect_dma semaphore(%arg11 : memref<!tpu.dma_semaphore, #tpu.memory_space<semaphore_mem>>) src(%dma_wait3A_64 : memref<5200000x16xf32, #tpu.memory_space<hbm>>) dst(%arg9 : memref<2048x16xf32, #tpu.memory_space<vmem>>)
        %scan3A_65 = arith.constant 0 : i32
        %scan3A_66 = arith.constant 0 : i32
        %scan3A_67 = arith.constant 256 : i32
        %scan3A_68 = arith.addi %scan3A_66, %scan3A_67 : i32
        %scan3A_69 = arith.constant 1 : i32
        scf.for %scan3A_71 = %scan3A_66 to %scan3A_68 step %scan3A_69  : i32 {
          %mul3A_72 = arith.constant 8 : i32
          %mul3A_73 = arith.muli %scan3A_71, %mul3A_72 : i32
          %add3A_74 = arith.constant 0 : i32
          %add3A_75 = arith.addi %mul3A_73, %add3A_74 : i32
          %get3A = arith.index_cast %add3A_75 : i32 to index
          %get3A_76 = arith.constant 0 : index
          %get3A_77 = tpu.vector_load %arg9[%get3A, %get3A_76] {strides = array<i32>} : memref<2048x16xf32, #tpu.memory_space<vmem>>, vector<1x16xf32>,
          %get3A_78 = vector.shape_cast %get3A_77 : vector<1x16xf32> to vector<16xf32>
          %swap3A = arith.index_cast %scan3A_71 : i32 to index
          %swap3A_79 = arith.constant 0 : index
          %swap3A_80 = tpu.vector_load %arg10[%swap3A, %swap3A_79] {strides = array<i32>} : memref<256x128xf32, #tpu.memory_space<vmem>>, vector<1x16xf32>,
          %swap3A_81 = vector.shape_cast %swap3A_80 : vector<1x16xf32> to vector<16xf32>
          %swap3A_82 = vector.shape_cast %get3A_78 : vector<16xf32> to vector<1x16xf32>
          tpu.vector_store %arg10[%swap3A, %swap3A_79], %swap3A_82 {strides = array<i32>} : memref<256x128xf32, #tpu.memory_space<vmem>>, vector<1x16xf32>,
          %mul3A_83 = arith.constant 8 : i32
          %mul3A_84 = arith.muli %scan3A_71, %mul3A_83 : i32
          %add3A_85 = arith.constant 1 : i32
          %add3A_86 = arith.addi %mul3A_84, %add3A_85 : i32
          %get3A_87 = arith.index_cast %add3A_86 : i32 to index
          %get3A_88 = arith.constant 0 : index
          %get3A_89 = tpu.vector_load %arg9[%get3A_87, %get3A_88] {strides = array<i32>} : memref<2048x16xf32, #tpu.memory_space<vmem>>, vector<1x16xf32>,
          %get3A_90 = vector.shape_cast %get3A_89 : vector<1x16xf32> to vector<16xf32>
          %swap3A_91 = arith.index_cast %scan3A_71 : i32 to index
          %swap3A_92 = arith.constant 16 : index
          %swap3A_93 = tpu.vector_load %arg10[%swap3A_91, %swap3A_92] {strides = array<i32>} : memref<256x128xf32, #tpu.memory_space<vmem>>, vector<1x16xf32>,
          %swap3A_94 = vector.shape_cast %swap3A_93 : vector<1x16xf32> to vector<16xf32>
          %swap3A_95 = vector.shape_cast %get3A_90 : vector<16xf32> to vector<1x16xf32>
          tpu.vector_store %arg10[%swap3A_91, %swap3A_92], %swap3A_95 {strides = array<i32>} : memref<256x128xf32, #tpu.memory_space<vmem>>, vector<1x16xf32>,
          %mul3A_96 = arith.constant 8 : i32
          %mul3A_97 = arith.muli %scan3A_71, %mul3A_96 : i32
          %add3A_98 = arith.constant 2 : i32
          %add3A_99 = arith.addi %mul3A_97, %add3A_98 : i32
          %get3A_100 = arith.index_cast %add3A_99 : i32 to index
          %get3A_101 = arith.constant 0 : index
          %get3A_102 = tpu.vector_load %arg9[%get3A_100, %get3A_101] {strides = array<i32>} : memref<2048x16xf32, #tpu.memory_space<vmem>>, vector<1x16xf32>,
          %get3A_103 = vector.shape_cast %get3A_102 : vector<1x16xf32> to vector<16xf32>
          %swap3A_104 = arith.index_cast %scan3A_71 : i32 to index
          %swap3A_105 = arith.constant 32 : index
          %swap3A_106 = tpu.vector_load %arg10[%swap3A_104, %swap3A_105] {strides = array<i32>} : memref<256x128xf32, #tpu.memory_space<vmem>>, vector<1x16xf32>,
          %swap3A_107 = vector.shape_cast %swap3A_106 : vector<1x16xf32> to vector<16xf32>
          %swap3A_108 = vector.shape_cast %get3A_103 : vector<16xf32> to vector<1x16xf32>
          tpu.vector_store %arg10[%swap3A_104, %swap3A_105], %swap3A_108 {strides = array<i32>} : memref<256x128xf32, #tpu.memory_space<vmem>>, vector<1x16xf32>,
          %mul3A_109 = arith.constant 8 : i32
          %mul3A_110 = arith.muli %scan3A_71, %mul3A_109 : i32
          %add3A_111 = arith.constant 3 : i32
          %add3A_112 = arith.addi %mul3A_110, %add3A_111 : i32
          %get3A_113 = arith.index_cast %add3A_112 : i32 to index
          %get3A_114 = arith.constant 0 : index
          %get3A_115 = tpu.vector_load %arg9[%get3A_113, %get3A_114] {strides = array<i32>} : memref<2048x16xf32, #tpu.memory_space<vmem>>, vector<1x16xf32>,
          %get3A_116 = vector.shape_cast %get3A_115 : vector<1x16xf32> to vector<16xf32>
          %swap3A_117 = arith.index_cast %scan3A_71 : i32 to index
          %swap3A_118 = arith.constant 48 : index
          %swap3A_119 = tpu.vector_load %arg10[%swap3A_117, %swap3A_118] {strides = array<i32>} : memref<256x128xf32, #tpu.memory_space<vmem>>, vector<1x16xf32>,
          %swap3A_120 = vector.shape_cast %swap3A_119 : vector<1x16xf32> to vector<16xf32>
          %swap3A_121 = vector.shape_cast %get3A_116 : vector<16xf32> to vector<1x16xf32>
          tpu.vector_store %arg10[%swap3A_117, %swap3A_118], %swap3A_121 {strides = array<i32>} : memref<256x128xf32, #tpu.memory_space<vmem>>, vector<1x16xf32>,
          %mul3A_122 = arith.constant 8 : i32
          %mul3A_123 = arith.muli %scan3A_71, %mul3A_122 : i32
          %add3A_124 = arith.constant 4 : i32
          %add3A_125 = arith.addi %mul3A_123, %add3A_124 : i32
          %get3A_126 = arith.index_cast %add3A_125 : i32 to index
          %get3A_127 = arith.constant 0 : index
          %get3A_128 = tpu.vector_load %arg9[%get3A_126, %get3A_127] {strides = array<i32>} : memref<2048x16xf32, #tpu.memory_space<vmem>>, vector<1x16xf32>,
          %get3A_129 = vector.shape_cast %get3A_128 : vector<1x16xf32> to vector<16xf32>
          %swap3A_130 = arith.index_cast %scan3A_71 : i32 to index
          %swap3A_131 = arith.constant 64 : index
          %swap3A_132 = tpu.vector_load %arg10[%swap3A_130, %swap3A_131] {strides = array<i32>} : memref<256x128xf32, #tpu.memory_space<vmem>>, vector<1x16xf32>,
          %swap3A_133 = vector.shape_cast %swap3A_132 : vector<1x16xf32> to vector<16xf32>
          %swap3A_134 = vector.shape_cast %get3A_129 : vector<16xf32> to vector<1x16xf32>
          tpu.vector_store %arg10[%swap3A_130, %swap3A_131], %swap3A_134 {strides = array<i32>} : memref<256x128xf32, #tpu.memory_space<vmem>>, vector<1x16xf32>,
          %mul3A_135 = arith.constant 8 : i32
          %mul3A_136 = arith.muli %scan3A_71, %mul3A_135 : i32
          %add3A_137 = arith.constant 5 : i32
          %add3A_138 = arith.addi %mul3A_136, %add3A_137 : i32
          %get3A_139 = arith.index_cast %add3A_138 : i32 to index
          %get3A_140 = arith.constant 0 : index
          %get3A_141 = tpu.vector_load %arg9[%get3A_139, %get3A_140] {strides = array<i32>} : memref<2048x16xf32, #tpu.memory_space<vmem>>, vector<1x16xf32>,
          %get3A_142 = vector.shape_cast %get3A_141 : vector<1x16xf32> to vector<16xf32>
          %swap3A_143 = arith.index_cast %scan3A_71 : i32 to index
          %swap3A_144 = arith.constant 80 : index
          %swap3A_145 = tpu.vector_load %arg10[%swap3A_143, %swap3A_144] {strides = array<i32>} : memref<256x128xf32, #tpu.memory_space<vmem>>, vector<1x16xf32>,
          %swap3A_146 = vector.shape_cast %swap3A_145 : vector<1x16xf32> to vector<16xf32>
          %swap3A_147 = vector.shape_cast %get3A_142 : vector<16xf32> to vector<1x16xf32>
          tpu.vector_store %arg10[%swap3A_143, %swap3A_144], %swap3A_147 {strides = array<i32>} : memref<256x128xf32, #tpu.memory_space<vmem>>, vector<1x16xf32>,
          %mul3A_148 = arith.constant 8 : i32
          %mul3A_149 = arith.muli %scan3A_71, %mul3A_148 : i32
          %add3A_150 = arith.constant 6 : i32
          %add3A_151 = arith.addi %mul3A_149, %add3A_150 : i32
          %get3A_152 = arith.index_cast %add3A_151 : i32 to index
          %get3A_153 = arith.constant 0 : index
          %get3A_154 = tpu.vector_load %arg9[%get3A_152, %get3A_153] {strides = array<i32>} : memref<2048x16xf32, #tpu.memory_space<vmem>>, vector<1x16xf32>,
          %get3A_155 = vector.shape_cast %get3A_154 : vector<1x16xf32> to vector<16xf32>
          %swap3A_156 = arith.index_cast %scan3A_71 : i32 to index
          %swap3A_157 = arith.constant 96 : index
          %swap3A_158 = tpu.vector_load %arg10[%swap3A_156, %swap3A_157] {strides = array<i32>} : memref<256x128xf32, #tpu.memory_space<vmem>>, vector<1x16xf32>,
          %swap3A_159 = vector.shape_cast %swap3A_158 : vector<1x16xf32> to vector<16xf32>
          %swap3A_160 = vector.shape_cast %get3A_155 : vector<16xf32> to vector<1x16xf32>
          tpu.vector_store %arg10[%swap3A_156, %swap3A_157], %swap3A_160 {strides = array<i32>} : memref<256x128xf32, #tpu.memory_space<vmem>>, vector<1x16xf32>,
          %mul3A_161 = arith.constant 8 : i32
          %mul3A_162 = arith.muli %scan3A_71, %mul3A_161 : i32
          %add3A_163 = arith.constant 7 : i32
          %add3A_164 = arith.addi %mul3A_162, %add3A_163 : i32
          %get3A_165 = arith.index_cast %add3A_164 : i32 to index
          %get3A_166 = arith.constant 0 : index
          %get3A_167 = tpu.vector_load %arg9[%get3A_165, %get3A_166] {strides = array<i32>} : memref<2048x16xf32, #tpu.memory_space<vmem>>, vector<1x16xf32>,
          %get3A_168 = vector.shape_cast %get3A_167 : vector<1x16xf32> to vector<16xf32>
          %swap3A_169 = arith.index_cast %scan3A_71 : i32 to index
          %swap3A_170 = arith.constant 112 : index
          %swap3A_171 = tpu.vector_load %arg10[%swap3A_169, %swap3A_170] {strides = array<i32>} : memref<256x128xf32, #tpu.memory_space<vmem>>, vector<1x16xf32>,
          %swap3A_172 = vector.shape_cast %swap3A_171 : vector<1x16xf32> to vector<16xf32>
          %swap3A_173 = vector.shape_cast %get3A_168 : vector<16xf32> to vector<1x16xf32>
          tpu.vector_store %arg10[%swap3A_169, %swap3A_170], %swap3A_173 {strides = array<i32>} : memref<256x128xf32, #tpu.memory_space<vmem>>, vector<1x16xf32>,
        }
        %scan3A_70 = arith.constant 256 : i32
        "tpu.region"() ({
          %run_scoped3A = tpu.sem_alloc : memref<!tpu.dma_semaphore, #tpu.memory_space<semaphore_mem>>
          %dma_start3A_71 = arith.constant 0 : i32
          %dma_start3A_72 = arith.constant 0 : i32
          %dma_start3A_73 = tpu.memref_slice %arg5[%sub3A_32, %dma_start3A_71, %dma_start3A_72] : memref<200x512x128xf32, #tpu.memory_space<hbm>> -> memref<1x512x128xf32, #tpu.memory_space<hbm>>
          %dma_start3A_74 = tpu.memref_squeeze %dma_start3A_73 : memref<1x512x128xf32, #tpu.memory_space<hbm>> -> memref<512x128xf32, #tpu.memory_space<hbm>>
          %dma_start3A_75 = arith.constant 256 : i32
          %dma_start3A_76 = arith.constant 0 : i32
          %dma_start3A_77 = tpu.memref_slice %dma_start3A_74[%dma_start3A_75, %dma_start3A_76] : memref<512x128xf32, #tpu.memory_space<hbm>> -> memref<256x128xf32, #tpu.memory_space<hbm>>
          %dma_start3A_78 = arith.constant 0 : i32
          %dma_start3A_79 = arith.constant 0 : i32
          %dma_start3A_80 = tpu.memref_slice %arg5[%sub3A_32, %dma_start3A_78, %dma_start3A_79] : memref<200x512x128xf32, #tpu.memory_space<hbm>> -> memref<1x512x128xf32, #tpu.memory_space<hbm>>
          %dma_start3A_81 = tpu.memref_squeeze %dma_start3A_80 : memref<1x512x128xf32, #tpu.memory_space<hbm>> -> memref<512x128xf32, #tpu.memory_space<hbm>>
          %dma_start3A_82 = arith.constant 256 : i32
          %dma_start3A_83 = arith.constant 0 : i32
          %dma_start3A_84 = tpu.memref_slice %dma_start3A_81[%dma_start3A_82, %dma_start3A_83] : memref<512x128xf32, #tpu.memory_space<hbm>> -> memref<256x128xf32, #tpu.memory_space<hbm>>
          tpu.enqueue_dma source(%arg10 : memref<256x128xf32, #tpu.memory_space<vmem>>) target(%dma_start3A_84 : memref<256x128xf32, #tpu.memory_space<hbm>>) target_semaphore(%run_scoped3A : memref<!tpu.dma_semaphore, #tpu.memory_space<semaphore_mem>>)
          %dma_wait3A_85 = arith.constant 0 : i32
          %dma_wait3A_86 = arith.constant 0 : i32
          %dma_wait3A_87 = tpu.memref_slice %arg5[%sub3A_32, %dma_wait3A_85, %dma_wait3A_86] : memref<200x512x128xf32, #tpu.memory_space<hbm>> -> memref<1x512x128xf32, #tpu.memory_space<hbm>>
          %dma_wait3A_88 = tpu.memref_squeeze %dma_wait3A_87 : memref<1x512x128xf32, #tpu.memory_space<hbm>> -> memref<512x128xf32, #tpu.memory_space<hbm>>
          %dma_wait3A_89 = arith.constant 256 : i32
          %dma_wait3A_90 = arith.constant 0 : i32
          %dma_wait3A_91 = tpu.memref_slice %dma_wait3A_88[%dma_wait3A_89, %dma_wait3A_90] : memref<512x128xf32, #tpu.memory_space<hbm>> -> memref<256x128xf32, #tpu.memory_space<hbm>>
          %dma_wait3A_92 = arith.constant 0 : i32
          %dma_wait3A_93 = arith.constant 0 : i32
          %dma_wait3A_94 = tpu.memref_slice %arg5[%sub3A_32, %dma_wait3A_92, %dma_wait3A_93] : memref<200x512x128xf32, #tpu.memory_space<hbm>> -> memref<1x512x128xf32, #tpu.memory_space<hbm>>
          %dma_wait3A_95 = tpu.memref_squeeze %dma_wait3A_94 : memref<1x512x128xf32, #tpu.memory_space<hbm>> -> memref<512x128xf32, #tpu.memory_space<hbm>>
          %dma_wait3A_96 = arith.constant 256 : i32
          %dma_wait3A_97 = arith.constant 0 : i32
          %dma_wait3A_98 = tpu.memref_slice %dma_wait3A_95[%dma_wait3A_96, %dma_wait3A_97] : memref<512x128xf32, #tpu.memory_space<hbm>> -> memref<256x128xf32, #tpu.memory_space<hbm>>
          tpu.wait_dma2 semaphore(%run_scoped3A : memref<!tpu.dma_semaphore, #tpu.memory_space<semaphore_mem>>) src(%arg10 : memref<256x128xf32, #tpu.memory_space<vmem>>) dst(%dma_wait3A_98 : memref<256x128xf32, #tpu.memory_space<hbm>>)
          tpu.yield
        }) : () -> ()
      } else {
      }
      %eq3A = arith.constant 250 : i32
      %eq3A_23 = arith.cmpi eq, %add3A_9, %eq3A : i32
      %convert_element_type3A_24 = arith.extui %eq3A_23 : i1 to i32
      %cond3A_25 = arith.constant 0 : i32
      %cond3A_26 = arith.cmpi ne, %convert_element_type3A_24, %cond3A_25 : i32
      scf.if %cond3A_26 {
        %dma_start3A = arith.constant 0 : i32
        %dma_start3A_32 = arith.constant 0 : i32
        %dma_start3A_33 = tpu.memref_slice %arg8[%dma_start3A, %dma_start3A_32] : memref<1x4096xi32, #tpu.memory_space<vmem>> -> memref<1x2048xi32, #tpu.memory_space<vmem>>
        %dma_start3A_34 = tpu.memref_squeeze %dma_start3A_33 : memref<1x2048xi32, #tpu.memory_space<vmem>> -> memref<2048xi32, #tpu.memory_space<vmem>>
        %dma_start3A_35 = arith.constant 0 : i32
        %dma_start3A_36 = arith.constant 0 : i32
        %dma_start3A_37 = tpu.memref_slice %arg2[%dma_start3A_35, %dma_start3A_36] : memref<5200000x16xf32, #tpu.memory_space<hbm>> -> memref<5200000x16xf32, #tpu.memory_space<hbm>>
        tpu.enqueue_indirect_dma source(%dma_start3A_37 : memref<5200000x16xf32, #tpu.memory_space<hbm>>) target(%arg9 : memref<2048x16xf32, #tpu.memory_space<vmem>>) offsets(%dma_start3A_34 : memref<2048xi32, #tpu.memory_space<vmem>>) semaphore(%arg11 : memref<!tpu.dma_semaphore, #tpu.memory_space<semaphore_mem>>)
        %dma_wait3A = arith.constant 0 : i32
        %dma_wait3A_38 = arith.constant 0 : i32
        %dma_wait3A_39 = tpu.memref_slice %arg8[%dma_wait3A, %dma_wait3A_38] : memref<1x4096xi32, #tpu.memory_space<vmem>> -> memref<1x2048xi32, #tpu.memory_space<vmem>>
        %dma_wait3A_40 = tpu.memref_squeeze %dma_wait3A_39 : memref<1x2048xi32, #tpu.memory_space<vmem>> -> memref<2048xi32, #tpu.memory_space<vmem>>
        %dma_wait3A_41 = arith.constant 0 : i32
        %dma_wait3A_42 = arith.constant 0 : i32
        %dma_wait3A_43 = tpu.memref_slice %arg2[%dma_wait3A_41, %dma_wait3A_42] : memref<5200000x16xf32, #tpu.memory_space<hbm>> -> memref<5200000x16xf32, #tpu.memory_space<hbm>>
        tpu.wait_indirect_dma semaphore(%arg11 : memref<!tpu.dma_semaphore, #tpu.memory_space<semaphore_mem>>) src(%dma_wait3A_43 : memref<5200000x16xf32, #tpu.memory_space<hbm>>) dst(%arg9 : memref<2048x16xf32, #tpu.memory_space<vmem>>)
        %scan3A_44 = arith.constant 0 : i32
        %scan3A_45 = arith.constant 0 : i32
        %scan3A_46 = arith.constant 256 : i32
        %scan3A_47 = arith.addi %scan3A_45, %scan3A_46 : i32
        %scan3A_48 = arith.constant 1 : i32
        scf.for %scan3A_70 = %scan3A_45 to %scan3A_47 step %scan3A_48  : i32 {
          %mul3A_71 = arith.constant 8 : i32
          %mul3A_72 = arith.muli %scan3A_70, %mul3A_71 : i32
          %add3A_73 = arith.constant 0 : i32
          %add3A_74 = arith.addi %mul3A_72, %add3A_73 : i32
          %get3A = arith.index_cast %add3A_74 : i32 to index
          %get3A_75 = arith.constant 0 : index
          %get3A_76 = tpu.vector_load %arg9[%get3A, %get3A_75] {strides = array<i32>} : memref<2048x16xf32, #tpu.memory_space<vmem>>, vector<1x16xf32>,
          %get3A_77 = vector.shape_cast %get3A_76 : vector<1x16xf32> to vector<16xf32>
          %swap3A = arith.index_cast %scan3A_70 : i32 to index
          %swap3A_78 = arith.constant 0 : index
          %swap3A_79 = tpu.vector_load %arg10[%swap3A, %swap3A_78] {strides = array<i32>} : memref<256x128xf32, #tpu.memory_space<vmem>>, vector<1x16xf32>,
          %swap3A_80 = vector.shape_cast %swap3A_79 : vector<1x16xf32> to vector<16xf32>
          %swap3A_81 = vector.shape_cast %get3A_77 : vector<16xf32> to vector<1x16xf32>
          tpu.vector_store %arg10[%swap3A, %swap3A_78], %swap3A_81 {strides = array<i32>} : memref<256x128xf32, #tpu.memory_space<vmem>>, vector<1x16xf32>,
          %mul3A_82 = arith.constant 8 : i32
          %mul3A_83 = arith.muli %scan3A_70, %mul3A_82 : i32
          %add3A_84 = arith.constant 1 : i32
          %add3A_85 = arith.addi %mul3A_83, %add3A_84 : i32
          %get3A_86 = arith.index_cast %add3A_85 : i32 to index
          %get3A_87 = arith.constant 0 : index
          %get3A_88 = tpu.vector_load %arg9[%get3A_86, %get3A_87] {strides = array<i32>} : memref<2048x16xf32, #tpu.memory_space<vmem>>, vector<1x16xf32>,
          %get3A_89 = vector.shape_cast %get3A_88 : vector<1x16xf32> to vector<16xf32>
          %swap3A_90 = arith.index_cast %scan3A_70 : i32 to index
          %swap3A_91 = arith.constant 16 : index
          %swap3A_92 = tpu.vector_load %arg10[%swap3A_90, %swap3A_91] {strides = array<i32>} : memref<256x128xf32, #tpu.memory_space<vmem>>, vector<1x16xf32>,
          %swap3A_93 = vector.shape_cast %swap3A_92 : vector<1x16xf32> to vector<16xf32>
          %swap3A_94 = vector.shape_cast %get3A_89 : vector<16xf32> to vector<1x16xf32>
          tpu.vector_store %arg10[%swap3A_90, %swap3A_91], %swap3A_94 {strides = array<i32>} : memref<256x128xf32, #tpu.memory_space<vmem>>, vector<1x16xf32>,
          %mul3A_95 = arith.constant 8 : i32
          %mul3A_96 = arith.muli %scan3A_70, %mul3A_95 : i32
          %add3A_97 = arith.constant 2 : i32
          %add3A_98 = arith.addi %mul3A_96, %add3A_97 : i32
          %get3A_99 = arith.index_cast %add3A_98 : i32 to index
          %get3A_100 = arith.constant 0 : index
          %get3A_101 = tpu.vector_load %arg9[%get3A_99, %get3A_100] {strides = array<i32>} : memref<2048x16xf32, #tpu.memory_space<vmem>>, vector<1x16xf32>,
          %get3A_102 = vector.shape_cast %get3A_101 : vector<1x16xf32> to vector<16xf32>
          %swap3A_103 = arith.index_cast %scan3A_70 : i32 to index
          %swap3A_104 = arith.constant 32 : index
          %swap3A_105 = tpu.vector_load %arg10[%swap3A_103, %swap3A_104] {strides = array<i32>} : memref<256x128xf32, #tpu.memory_space<vmem>>, vector<1x16xf32>,
          %swap3A_106 = vector.shape_cast %swap3A_105 : vector<1x16xf32> to vector<16xf32>
          %swap3A_107 = vector.shape_cast %get3A_102 : vector<16xf32> to vector<1x16xf32>
          tpu.vector_store %arg10[%swap3A_103, %swap3A_104], %swap3A_107 {strides = array<i32>} : memref<256x128xf32, #tpu.memory_space<vmem>>, vector<1x16xf32>,
          %mul3A_108 = arith.constant 8 : i32
          %mul3A_109 = arith.muli %scan3A_70, %mul3A_108 : i32
          %add3A_110 = arith.constant 3 : i32
          %add3A_111 = arith.addi %mul3A_109, %add3A_110 : i32
          %get3A_112 = arith.index_cast %add3A_111 : i32 to index
          %get3A_113 = arith.constant 0 : index
          %get3A_114 = tpu.vector_load %arg9[%get3A_112, %get3A_113] {strides = array<i32>} : memref<2048x16xf32, #tpu.memory_space<vmem>>, vector<1x16xf32>,
          %get3A_115 = vector.shape_cast %get3A_114 : vector<1x16xf32> to vector<16xf32>
          %swap3A_116 = arith.index_cast %scan3A_70 : i32 to index
          %swap3A_117 = arith.constant 48 : index
          %swap3A_118 = tpu.vector_load %arg10[%swap3A_116, %swap3A_117] {strides = array<i32>} : memref<256x128xf32, #tpu.memory_space<vmem>>, vector<1x16xf32>,
          %swap3A_119 = vector.shape_cast %swap3A_118 : vector<1x16xf32> to vector<16xf32>
          %swap3A_120 = vector.shape_cast %get3A_115 : vector<16xf32> to vector<1x16xf32>
          tpu.vector_store %arg10[%swap3A_116, %swap3A_117], %swap3A_120 {strides = array<i32>} : memref<256x128xf32, #tpu.memory_space<vmem>>, vector<1x16xf32>,
          %mul3A_121 = arith.constant 8 : i32
          %mul3A_122 = arith.muli %scan3A_70, %mul3A_121 : i32
          %add3A_123 = arith.constant 4 : i32
          %add3A_124 = arith.addi %mul3A_122, %add3A_123 : i32
          %get3A_125 = arith.index_cast %add3A_124 : i32 to index
          %get3A_126 = arith.constant 0 : index
          %get3A_127 = tpu.vector_load %arg9[%get3A_125, %get3A_126] {strides = array<i32>} : memref<2048x16xf32, #tpu.memory_space<vmem>>, vector<1x16xf32>,
          %get3A_128 = vector.shape_cast %get3A_127 : vector<1x16xf32> to vector<16xf32>
          %swap3A_129 = arith.index_cast %scan3A_70 : i32 to index
          %swap3A_130 = arith.constant 64 : index
          %swap3A_131 = tpu.vector_load %arg10[%swap3A_129, %swap3A_130] {strides = array<i32>} : memref<256x128xf32, #tpu.memory_space<vmem>>, vector<1x16xf32>,
          %swap3A_132 = vector.shape_cast %swap3A_131 : vector<1x16xf32> to vector<16xf32>
          %swap3A_133 = vector.shape_cast %get3A_128 : vector<16xf32> to vector<1x16xf32>
          tpu.vector_store %arg10[%swap3A_129, %swap3A_130], %swap3A_133 {strides = array<i32>} : memref<256x128xf32, #tpu.memory_space<vmem>>, vector<1x16xf32>,
          %mul3A_134 = arith.constant 8 : i32
          %mul3A_135 = arith.muli %scan3A_70, %mul3A_134 : i32
          %add3A_136 = arith.constant 5 : i32
          %add3A_137 = arith.addi %mul3A_135, %add3A_136 : i32
          %get3A_138 = arith.index_cast %add3A_137 : i32 to index
          %get3A_139 = arith.constant 0 : index
          %get3A_140 = tpu.vector_load %arg9[%get3A_138, %get3A_139] {strides = array<i32>} : memref<2048x16xf32, #tpu.memory_space<vmem>>, vector<1x16xf32>,
          %get3A_141 = vector.shape_cast %get3A_140 : vector<1x16xf32> to vector<16xf32>
          %swap3A_142 = arith.index_cast %scan3A_70 : i32 to index
          %swap3A_143 = arith.constant 80 : index
          %swap3A_144 = tpu.vector_load %arg10[%swap3A_142, %swap3A_143] {strides = array<i32>} : memref<256x128xf32, #tpu.memory_space<vmem>>, vector<1x16xf32>,
          %swap3A_145 = vector.shape_cast %swap3A_144 : vector<1x16xf32> to vector<16xf32>
          %swap3A_146 = vector.shape_cast %get3A_141 : vector<16xf32> to vector<1x16xf32>
          tpu.vector_store %arg10[%swap3A_142, %swap3A_143], %swap3A_146 {strides = array<i32>} : memref<256x128xf32, #tpu.memory_space<vmem>>, vector<1x16xf32>,
          %mul3A_147 = arith.constant 8 : i32
          %mul3A_148 = arith.muli %scan3A_70, %mul3A_147 : i32
          %add3A_149 = arith.constant 6 : i32
          %add3A_150 = arith.addi %mul3A_148, %add3A_149 : i32
          %get3A_151 = arith.index_cast %add3A_150 : i32 to index
          %get3A_152 = arith.constant 0 : index
          %get3A_153 = tpu.vector_load %arg9[%get3A_151, %get3A_152] {strides = array<i32>} : memref<2048x16xf32, #tpu.memory_space<vmem>>, vector<1x16xf32>,
          %get3A_154 = vector.shape_cast %get3A_153 : vector<1x16xf32> to vector<16xf32>
          %swap3A_155 = arith.index_cast %scan3A_70 : i32 to index
          %swap3A_156 = arith.constant 96 : index
          %swap3A_157 = tpu.vector_load %arg10[%swap3A_155, %swap3A_156] {strides = array<i32>} : memref<256x128xf32, #tpu.memory_space<vmem>>, vector<1x16xf32>,
          %swap3A_158 = vector.shape_cast %swap3A_157 : vector<1x16xf32> to vector<16xf32>
          %swap3A_159 = vector.shape_cast %get3A_154 : vector<16xf32> to vector<1x16xf32>
          tpu.vector_store %arg10[%swap3A_155, %swap3A_156], %swap3A_159 {strides = array<i32>} : memref<256x128xf32, #tpu.memory_space<vmem>>, vector<1x16xf32>,
          %mul3A_160 = arith.constant 8 : i32
          %mul3A_161 = arith.muli %scan3A_70, %mul3A_160 : i32
          %add3A_162 = arith.constant 7 : i32
          %add3A_163 = arith.addi %mul3A_161, %add3A_162 : i32
          %get3A_164 = arith.index_cast %add3A_163 : i32 to index
          %get3A_165 = arith.constant 0 : index
          %get3A_166 = tpu.vector_load %arg9[%get3A_164, %get3A_165] {strides = array<i32>} : memref<2048x16xf32, #tpu.memory_space<vmem>>, vector<1x16xf32>,
          %get3A_167 = vector.shape_cast %get3A_166 : vector<1x16xf32> to vector<16xf32>
          %swap3A_168 = arith.index_cast %scan3A_70 : i32 to index
          %swap3A_169 = arith.constant 112 : index
          %swap3A_170 = tpu.vector_load %arg10[%swap3A_168, %swap3A_169] {strides = array<i32>} : memref<256x128xf32, #tpu.memory_space<vmem>>, vector<1x16xf32>,
          %swap3A_171 = vector.shape_cast %swap3A_170 : vector<1x16xf32> to vector<16xf32>
          %swap3A_172 = vector.shape_cast %get3A_167 : vector<16xf32> to vector<1x16xf32>
          tpu.vector_store %arg10[%swap3A_168, %swap3A_169], %swap3A_172 {strides = array<i32>} : memref<256x128xf32, #tpu.memory_space<vmem>>, vector<1x16xf32>,
        }
        %scan3A_49 = arith.constant 256 : i32
        "tpu.region"() ({
          %run_scoped3A = tpu.sem_alloc : memref<!tpu.dma_semaphore, #tpu.memory_space<semaphore_mem>>
          %dma_start3A_70 = arith.constant 0 : i32
          %dma_start3A_71 = arith.constant 0 : i32
          %dma_start3A_72 = tpu.memref_slice %arg6[%dma_start3A_70, %dma_start3A_71] : memref<512x128xf32, #tpu.memory_space<hbm>> -> memref<256x128xf32, #tpu.memory_space<hbm>>
          %dma_start3A_73 = arith.constant 0 : i32
          %dma_start3A_74 = arith.constant 0 : i32
          %dma_start3A_75 = tpu.memref_slice %arg6[%dma_start3A_73, %dma_start3A_74] : memref<512x128xf32, #tpu.memory_space<hbm>> -> memref<256x128xf32, #tpu.memory_space<hbm>>
          tpu.enqueue_dma source(%arg10 : memref<256x128xf32, #tpu.memory_space<vmem>>) target(%dma_start3A_75 : memref<256x128xf32, #tpu.memory_space<hbm>>) target_semaphore(%run_scoped3A : memref<!tpu.dma_semaphore, #tpu.memory_space<semaphore_mem>>)
          %dma_wait3A_76 = arith.constant 0 : i32
          %dma_wait3A_77 = arith.constant 0 : i32
          %dma_wait3A_78 = tpu.memref_slice %arg6[%dma_wait3A_76, %dma_wait3A_77] : memref<512x128xf32, #tpu.memory_space<hbm>> -> memref<256x128xf32, #tpu.memory_space<hbm>>
          %dma_wait3A_79 = arith.constant 0 : i32
          %dma_wait3A_80 = arith.constant 0 : i32
          %dma_wait3A_81 = tpu.memref_slice %arg6[%dma_wait3A_79, %dma_wait3A_80] : memref<512x128xf32, #tpu.memory_space<hbm>> -> memref<256x128xf32, #tpu.memory_space<hbm>>
          tpu.wait_dma2 semaphore(%run_scoped3A : memref<!tpu.dma_semaphore, #tpu.memory_space<semaphore_mem>>) src(%arg10 : memref<256x128xf32, #tpu.memory_space<vmem>>) dst(%dma_wait3A_81 : memref<256x128xf32, #tpu.memory_space<hbm>>)
          tpu.yield
        }) : () -> ()
        %dma_start3A_50 = arith.constant 0 : i32
        %dma_start3A_51 = arith.constant 2048 : i32
        %dma_start3A_52 = tpu.memref_slice %arg8[%dma_start3A_50, %dma_start3A_51] : memref<1x4096xi32, #tpu.memory_space<vmem>> -> memref<1x2048xi32, #tpu.memory_space<vmem>>
        %dma_start3A_53 = tpu.memref_squeeze %dma_start3A_52 : memref<1x2048xi32, #tpu.memory_space<vmem>> -> memref<2048xi32, #tpu.memory_space<vmem>>
        %dma_start3A_54 = arith.constant 0 : i32
        %dma_start3A_55 = arith.constant 0 : i32
        %dma_start3A_56 = tpu.memref_slice %arg2[%dma_start3A_54, %dma_start3A_55] : memref<5200000x16xf32, #tpu.memory_space<hbm>> -> memref<5200000x16xf32, #tpu.memory_space<hbm>>
        tpu.enqueue_indirect_dma source(%dma_start3A_56 : memref<5200000x16xf32, #tpu.memory_space<hbm>>) target(%arg9 : memref<2048x16xf32, #tpu.memory_space<vmem>>) offsets(%dma_start3A_53 : memref<2048xi32, #tpu.memory_space<vmem>>) semaphore(%arg11 : memref<!tpu.dma_semaphore, #tpu.memory_space<semaphore_mem>>)
        %dma_wait3A_57 = arith.constant 0 : i32
        %dma_wait3A_58 = arith.constant 2048 : i32
        %dma_wait3A_59 = tpu.memref_slice %arg8[%dma_wait3A_57, %dma_wait3A_58] : memref<1x4096xi32, #tpu.memory_space<vmem>> -> memref<1x2048xi32, #tpu.memory_space<vmem>>
        %dma_wait3A_60 = tpu.memref_squeeze %dma_wait3A_59 : memref<1x2048xi32, #tpu.memory_space<vmem>> -> memref<2048xi32, #tpu.memory_space<vmem>>
        %dma_wait3A_61 = arith.constant 0 : i32
        %dma_wait3A_62 = arith.constant 0 : i32
        %dma_wait3A_63 = tpu.memref_slice %arg2[%dma_wait3A_61, %dma_wait3A_62] : memref<5200000x16xf32, #tpu.memory_space<hbm>> -> memref<5200000x16xf32, #tpu.memory_space<hbm>>
        tpu.wait_indirect_dma semaphore(%arg11 : memref<!tpu.dma_semaphore, #tpu.memory_space<semaphore_mem>>) src(%dma_wait3A_63 : memref<5200000x16xf32, #tpu.memory_space<hbm>>) dst(%arg9 : memref<2048x16xf32, #tpu.memory_space<vmem>>)
        %scan3A_64 = arith.constant 0 : i32
        %scan3A_65 = arith.constant 0 : i32
        %scan3A_66 = arith.constant 256 : i32
        %scan3A_67 = arith.addi %scan3A_65, %scan3A_66 : i32
        %scan3A_68 = arith.constant 1 : i32
        scf.for %scan3A_70 = %scan3A_65 to %scan3A_67 step %scan3A_68  : i32 {
          %mul3A_71 = arith.constant 8 : i32
          %mul3A_72 = arith.muli %scan3A_70, %mul3A_71 : i32
          %add3A_73 = arith.constant 0 : i32
          %add3A_74 = arith.addi %mul3A_72, %add3A_73 : i32
          %get3A = arith.index_cast %add3A_74 : i32 to index
          %get3A_75 = arith.constant 0 : index
          %get3A_76 = tpu.vector_load %arg9[%get3A, %get3A_75] {strides = array<i32>} : memref<2048x16xf32, #tpu.memory_space<vmem>>, vector<1x16xf32>,
          %get3A_77 = vector.shape_cast %get3A_76 : vector<1x16xf32> to vector<16xf32>
          %swap3A = arith.index_cast %scan3A_70 : i32 to index
          %swap3A_78 = arith.constant 0 : index
          %swap3A_79 = tpu.vector_load %arg10[%swap3A, %swap3A_78] {strides = array<i32>} : memref<256x128xf32, #tpu.memory_space<vmem>>, vector<1x16xf32>,
          %swap3A_80 = vector.shape_cast %swap3A_79 : vector<1x16xf32> to vector<16xf32>
          %swap3A_81 = vector.shape_cast %get3A_77 : vector<16xf32> to vector<1x16xf32>
          tpu.vector_store %arg10[%swap3A, %swap3A_78], %swap3A_81 {strides = array<i32>} : memref<256x128xf32, #tpu.memory_space<vmem>>, vector<1x16xf32>,
          %mul3A_82 = arith.constant 8 : i32
          %mul3A_83 = arith.muli %scan3A_70, %mul3A_82 : i32
          %add3A_84 = arith.constant 1 : i32
          %add3A_85 = arith.addi %mul3A_83, %add3A_84 : i32
          %get3A_86 = arith.index_cast %add3A_85 : i32 to index
          %get3A_87 = arith.constant 0 : index
          %get3A_88 = tpu.vector_load %arg9[%get3A_86, %get3A_87] {strides = array<i32>} : memref<2048x16xf32, #tpu.memory_space<vmem>>, vector<1x16xf32>,
          %get3A_89 = vector.shape_cast %get3A_88 : vector<1x16xf32> to vector<16xf32>
          %swap3A_90 = arith.index_cast %scan3A_70 : i32 to index
          %swap3A_91 = arith.constant 16 : index
          %swap3A_92 = tpu.vector_load %arg10[%swap3A_90, %swap3A_91] {strides = array<i32>} : memref<256x128xf32, #tpu.memory_space<vmem>>, vector<1x16xf32>,
          %swap3A_93 = vector.shape_cast %swap3A_92 : vector<1x16xf32> to vector<16xf32>
          %swap3A_94 = vector.shape_cast %get3A_89 : vector<16xf32> to vector<1x16xf32>
          tpu.vector_store %arg10[%swap3A_90, %swap3A_91], %swap3A_94 {strides = array<i32>} : memref<256x128xf32, #tpu.memory_space<vmem>>, vector<1x16xf32>,
          %mul3A_95 = arith.constant 8 : i32
          %mul3A_96 = arith.muli %scan3A_70, %mul3A_95 : i32
          %add3A_97 = arith.constant 2 : i32
          %add3A_98 = arith.addi %mul3A_96, %add3A_97 : i32
          %get3A_99 = arith.index_cast %add3A_98 : i32 to index
          %get3A_100 = arith.constant 0 : index
          %get3A_101 = tpu.vector_load %arg9[%get3A_99, %get3A_100] {strides = array<i32>} : memref<2048x16xf32, #tpu.memory_space<vmem>>, vector<1x16xf32>,
          %get3A_102 = vector.shape_cast %get3A_101 : vector<1x16xf32> to vector<16xf32>
          %swap3A_103 = arith.index_cast %scan3A_70 : i32 to index
          %swap3A_104 = arith.constant 32 : index
          %swap3A_105 = tpu.vector_load %arg10[%swap3A_103, %swap3A_104] {strides = array<i32>} : memref<256x128xf32, #tpu.memory_space<vmem>>, vector<1x16xf32>,
          %swap3A_106 = vector.shape_cast %swap3A_105 : vector<1x16xf32> to vector<16xf32>
          %swap3A_107 = vector.shape_cast %get3A_102 : vector<16xf32> to vector<1x16xf32>
          tpu.vector_store %arg10[%swap3A_103, %swap3A_104], %swap3A_107 {strides = array<i32>} : memref<256x128xf32, #tpu.memory_space<vmem>>, vector<1x16xf32>,
          %mul3A_108 = arith.constant 8 : i32
          %mul3A_109 = arith.muli %scan3A_70, %mul3A_108 : i32
          %add3A_110 = arith.constant 3 : i32
          %add3A_111 = arith.addi %mul3A_109, %add3A_110 : i32
          %get3A_112 = arith.index_cast %add3A_111 : i32 to index
          %get3A_113 = arith.constant 0 : index
          %get3A_114 = tpu.vector_load %arg9[%get3A_112, %get3A_113] {strides = array<i32>} : memref<2048x16xf32, #tpu.memory_space<vmem>>, vector<1x16xf32>,
          %get3A_115 = vector.shape_cast %get3A_114 : vector<1x16xf32> to vector<16xf32>
          %swap3A_116 = arith.index_cast %scan3A_70 : i32 to index
          %swap3A_117 = arith.constant 48 : index
          %swap3A_118 = tpu.vector_load %arg10[%swap3A_116, %swap3A_117] {strides = array<i32>} : memref<256x128xf32, #tpu.memory_space<vmem>>, vector<1x16xf32>,
          %swap3A_119 = vector.shape_cast %swap3A_118 : vector<1x16xf32> to vector<16xf32>
          %swap3A_120 = vector.shape_cast %get3A_115 : vector<16xf32> to vector<1x16xf32>
          tpu.vector_store %arg10[%swap3A_116, %swap3A_117], %swap3A_120 {strides = array<i32>} : memref<256x128xf32, #tpu.memory_space<vmem>>, vector<1x16xf32>,
          %mul3A_121 = arith.constant 8 : i32
          %mul3A_122 = arith.muli %scan3A_70, %mul3A_121 : i32
          %add3A_123 = arith.constant 4 : i32
          %add3A_124 = arith.addi %mul3A_122, %add3A_123 : i32
          %get3A_125 = arith.index_cast %add3A_124 : i32 to index
          %get3A_126 = arith.constant 0 : index
          %get3A_127 = tpu.vector_load %arg9[%get3A_125, %get3A_126] {strides = array<i32>} : memref<2048x16xf32, #tpu.memory_space<vmem>>, vector<1x16xf32>,
          %get3A_128 = vector.shape_cast %get3A_127 : vector<1x16xf32> to vector<16xf32>
          %swap3A_129 = arith.index_cast %scan3A_70 : i32 to index
          %swap3A_130 = arith.constant 64 : index
          %swap3A_131 = tpu.vector_load %arg10[%swap3A_129, %swap3A_130] {strides = array<i32>} : memref<256x128xf32, #tpu.memory_space<vmem>>, vector<1x16xf32>,
          %swap3A_132 = vector.shape_cast %swap3A_131 : vector<1x16xf32> to vector<16xf32>
          %swap3A_133 = vector.shape_cast %get3A_128 : vector<16xf32> to vector<1x16xf32>
          tpu.vector_store %arg10[%swap3A_129, %swap3A_130], %swap3A_133 {strides = array<i32>} : memref<256x128xf32, #tpu.memory_space<vmem>>, vector<1x16xf32>,
          %mul3A_134 = arith.constant 8 : i32
          %mul3A_135 = arith.muli %scan3A_70, %mul3A_134 : i32
          %add3A_136 = arith.constant 5 : i32
          %add3A_137 = arith.addi %mul3A_135, %add3A_136 : i32
          %get3A_138 = arith.index_cast %add3A_137 : i32 to index
          %get3A_139 = arith.constant 0 : index
          %get3A_140 = tpu.vector_load %arg9[%get3A_138, %get3A_139] {strides = array<i32>} : memref<2048x16xf32, #tpu.memory_space<vmem>>, vector<1x16xf32>,
          %get3A_141 = vector.shape_cast %get3A_140 : vector<1x16xf32> to vector<16xf32>
          %swap3A_142 = arith.index_cast %scan3A_70 : i32 to index
          %swap3A_143 = arith.constant 80 : index
          %swap3A_144 = tpu.vector_load %arg10[%swap3A_142, %swap3A_143] {strides = array<i32>} : memref<256x128xf32, #tpu.memory_space<vmem>>, vector<1x16xf32>,
          %swap3A_145 = vector.shape_cast %swap3A_144 : vector<1x16xf32> to vector<16xf32>
          %swap3A_146 = vector.shape_cast %get3A_141 : vector<16xf32> to vector<1x16xf32>
          tpu.vector_store %arg10[%swap3A_142, %swap3A_143], %swap3A_146 {strides = array<i32>} : memref<256x128xf32, #tpu.memory_space<vmem>>, vector<1x16xf32>,
          %mul3A_147 = arith.constant 8 : i32
          %mul3A_148 = arith.muli %scan3A_70, %mul3A_147 : i32
          %add3A_149 = arith.constant 6 : i32
          %add3A_150 = arith.addi %mul3A_148, %add3A_149 : i32
          %get3A_151 = arith.index_cast %add3A_150 : i32 to index
          %get3A_152 = arith.constant 0 : index
          %get3A_153 = tpu.vector_load %arg9[%get3A_151, %get3A_152] {strides = array<i32>} : memref<2048x16xf32, #tpu.memory_space<vmem>>, vector<1x16xf32>,
          %get3A_154 = vector.shape_cast %get3A_153 : vector<1x16xf32> to vector<16xf32>
          %swap3A_155 = arith.index_cast %scan3A_70 : i32 to index
          %swap3A_156 = arith.constant 96 : index
          %swap3A_157 = tpu.vector_load %arg10[%swap3A_155, %swap3A_156] {strides = array<i32>} : memref<256x128xf32, #tpu.memory_space<vmem>>, vector<1x16xf32>,
          %swap3A_158 = vector.shape_cast %swap3A_157 : vector<1x16xf32> to vector<16xf32>
          %swap3A_159 = vector.shape_cast %get3A_154 : vector<16xf32> to vector<1x16xf32>
          tpu.vector_store %arg10[%swap3A_155, %swap3A_156], %swap3A_159 {strides = array<i32>} : memref<256x128xf32, #tpu.memory_space<vmem>>, vector<1x16xf32>,
          %mul3A_160 = arith.constant 8 : i32
          %mul3A_161 = arith.muli %scan3A_70, %mul3A_160 : i32
          %add3A_162 = arith.constant 7 : i32
          %add3A_163 = arith.addi %mul3A_161, %add3A_162 : i32
          %get3A_164 = arith.index_cast %add3A_163 : i32 to index
          %get3A_165 = arith.constant 0 : index
          %get3A_166 = tpu.vector_load %arg9[%get3A_164, %get3A_165] {strides = array<i32>} : memref<2048x16xf32, #tpu.memory_space<vmem>>, vector<1x16xf32>,
          %get3A_167 = vector.shape_cast %get3A_166 : vector<1x16xf32> to vector<16xf32>
          %swap3A_168 = arith.index_cast %scan3A_70 : i32 to index
          %swap3A_169 = arith.constant 112 : index
          %swap3A_170 = tpu.vector_load %arg10[%swap3A_168, %swap3A_169] {strides = array<i32>} : memref<256x128xf32, #tpu.memory_space<vmem>>, vector<1x16xf32>,
          %swap3A_171 = vector.shape_cast %swap3A_170 : vector<1x16xf32> to vector<16xf32>
          %swap3A_172 = vector.shape_cast %get3A_167 : vector<16xf32> to vector<1x16xf32>
          tpu.vector_store %arg10[%swap3A_168, %swap3A_169], %swap3A_172 {strides = array<i32>} : memref<256x128xf32, #tpu.memory_space<vmem>>, vector<1x16xf32>,
        }
        %scan3A_69 = arith.constant 256 : i32
        "tpu.region"() ({
          %run_scoped3A = tpu.sem_alloc : memref<!tpu.dma_semaphore, #tpu.memory_space<semaphore_mem>>
          %dma_start3A_70 = arith.constant 256 : i32
          %dma_start3A_71 = arith.constant 0 : i32
          %dma_start3A_72 = tpu.memref_slice %arg6[%dma_start3A_70, %dma_start3A_71] : memref<512x128xf32, #tpu.memory_space<hbm>> -> memref<256x128xf32, #tpu.memory_space<hbm>>
          %dma_start3A_73 = arith.constant 256 : i32
          %dma_start3A_74 = arith.constant 0 : i32
          %dma_start3A_75 = tpu.memref_slice %arg6[%dma_start3A_73, %dma_start3A_74] : memref<512x128xf32, #tpu.memory_space<hbm>> -> memref<256x128xf32, #tpu.memory_space<hbm>>
          tpu.enqueue_dma source(%arg10 : memref<256x128xf32, #tpu.memory_space<vmem>>) target(%dma_start3A_75 : memref<256x128xf32, #tpu.memory_space<hbm>>) target_semaphore(%run_scoped3A : memref<!tpu.dma_semaphore, #tpu.memory_space<semaphore_mem>>)
          %dma_wait3A_76 = arith.constant 256 : i32
          %dma_wait3A_77 = arith.constant 0 : i32
          %dma_wait3A_78 = tpu.memref_slice %arg6[%dma_wait3A_76, %dma_wait3A_77] : memref<512x128xf32, #tpu.memory_space<hbm>> -> memref<256x128xf32, #tpu.memory_space<hbm>>
          %dma_wait3A_79 = arith.constant 256 : i32
          %dma_wait3A_80 = arith.constant 0 : i32
          %dma_wait3A_81 = tpu.memref_slice %arg6[%dma_wait3A_79, %dma_wait3A_80] : memref<512x128xf32, #tpu.memory_space<hbm>> -> memref<256x128xf32, #tpu.memory_space<hbm>>
          tpu.wait_dma2 semaphore(%run_scoped3A : memref<!tpu.dma_semaphore, #tpu.memory_space<semaphore_mem>>) src(%arg10 : memref<256x128xf32, #tpu.memory_space<vmem>>) dst(%dma_wait3A_81 : memref<256x128xf32, #tpu.memory_space<hbm>>)
          tpu.yield
        }) : () -> ()
      } else {
      }
      %eq3A_27 = arith.constant 251 : i32
      %eq3A_28 = arith.cmpi eq, %add3A_9, %eq3A_27 : i32
      %convert_element_type3A_29 = arith.extui %eq3A_28 : i1 to i32
      %cond3A_30 = arith.constant 0 : i32
      %cond3A_31 = arith.cmpi ne, %convert_element_type3A_29, %cond3A_30 : i32
      scf.if %cond3A_31 {
        %dma_start3A = arith.constant 0 : i32
        %dma_start3A_32 = arith.constant 0 : i32
        %dma_start3A_33 = tpu.memref_slice %arg8[%dma_start3A, %dma_start3A_32] : memref<1x4096xi32, #tpu.memory_space<vmem>> -> memref<1x2048xi32, #tpu.memory_space<vmem>>
        %dma_start3A_34 = tpu.memref_squeeze %dma_start3A_33 : memref<1x2048xi32, #tpu.memory_space<vmem>> -> memref<2048xi32, #tpu.memory_space<vmem>>
        %dma_start3A_35 = arith.constant 0 : i32
        %dma_start3A_36 = arith.constant 0 : i32
        %dma_start3A_37 = tpu.memref_slice %arg2[%dma_start3A_35, %dma_start3A_36] : memref<5200000x16xf32, #tpu.memory_space<hbm>> -> memref<5200000x16xf32, #tpu.memory_space<hbm>>
        tpu.enqueue_indirect_dma source(%dma_start3A_37 : memref<5200000x16xf32, #tpu.memory_space<hbm>>) target(%arg9 : memref<2048x16xf32, #tpu.memory_space<vmem>>) offsets(%dma_start3A_34 : memref<2048xi32, #tpu.memory_space<vmem>>) semaphore(%arg11 : memref<!tpu.dma_semaphore, #tpu.memory_space<semaphore_mem>>)
        %dma_wait3A = arith.constant 0 : i32
        %dma_wait3A_38 = arith.constant 0 : i32
        %dma_wait3A_39 = tpu.memref_slice %arg8[%dma_wait3A, %dma_wait3A_38] : memref<1x4096xi32, #tpu.memory_space<vmem>> -> memref<1x2048xi32, #tpu.memory_space<vmem>>
        %dma_wait3A_40 = tpu.memref_squeeze %dma_wait3A_39 : memref<1x2048xi32, #tpu.memory_space<vmem>> -> memref<2048xi32, #tpu.memory_space<vmem>>
        %dma_wait3A_41 = arith.constant 0 : i32
        %dma_wait3A_42 = arith.constant 0 : i32
        %dma_wait3A_43 = tpu.memref_slice %arg2[%dma_wait3A_41, %dma_wait3A_42] : memref<5200000x16xf32, #tpu.memory_space<hbm>> -> memref<5200000x16xf32, #tpu.memory_space<hbm>>
        tpu.wait_indirect_dma semaphore(%arg11 : memref<!tpu.dma_semaphore, #tpu.memory_space<semaphore_mem>>) src(%dma_wait3A_43 : memref<5200000x16xf32, #tpu.memory_space<hbm>>) dst(%arg9 : memref<2048x16xf32, #tpu.memory_space<vmem>>)
        %scan3A_44 = arith.constant 0 : i32
        %scan3A_45 = arith.constant 0 : i32
        %scan3A_46 = arith.constant 256 : i32
        %scan3A_47 = arith.addi %scan3A_45, %scan3A_46 : i32
        %scan3A_48 = arith.constant 1 : i32
        scf.for %scan3A_70 = %scan3A_45 to %scan3A_47 step %scan3A_48  : i32 {
          %mul3A_71 = arith.constant 8 : i32
          %mul3A_72 = arith.muli %scan3A_70, %mul3A_71 : i32
          %add3A_73 = arith.constant 0 : i32
          %add3A_74 = arith.addi %mul3A_72, %add3A_73 : i32
          %get3A = arith.index_cast %add3A_74 : i32 to index
          %get3A_75 = arith.constant 0 : index
          %get3A_76 = tpu.vector_load %arg9[%get3A, %get3A_75] {strides = array<i32>} : memref<2048x16xf32, #tpu.memory_space<vmem>>, vector<1x16xf32>,
          %get3A_77 = vector.shape_cast %get3A_76 : vector<1x16xf32> to vector<16xf32>
          %swap3A = arith.index_cast %scan3A_70 : i32 to index
          %swap3A_78 = arith.constant 0 : index
          %swap3A_79 = tpu.vector_load %arg10[%swap3A, %swap3A_78] {strides = array<i32>} : memref<256x128xf32, #tpu.memory_space<vmem>>, vector<1x16xf32>,
          %swap3A_80 = vector.shape_cast %swap3A_79 : vector<1x16xf32> to vector<16xf32>
          %swap3A_81 = vector.shape_cast %get3A_77 : vector<16xf32> to vector<1x16xf32>
          tpu.vector_store %arg10[%swap3A, %swap3A_78], %swap3A_81 {strides = array<i32>} : memref<256x128xf32, #tpu.memory_space<vmem>>, vector<1x16xf32>,
          %mul3A_82 = arith.constant 8 : i32
          %mul3A_83 = arith.muli %scan3A_70, %mul3A_82 : i32
          %add3A_84 = arith.constant 1 : i32
          %add3A_85 = arith.addi %mul3A_83, %add3A_84 : i32
          %get3A_86 = arith.index_cast %add3A_85 : i32 to index
          %get3A_87 = arith.constant 0 : index
          %get3A_88 = tpu.vector_load %arg9[%get3A_86, %get3A_87] {strides = array<i32>} : memref<2048x16xf32, #tpu.memory_space<vmem>>, vector<1x16xf32>,
          %get3A_89 = vector.shape_cast %get3A_88 : vector<1x16xf32> to vector<16xf32>
          %swap3A_90 = arith.index_cast %scan3A_70 : i32 to index
          %swap3A_91 = arith.constant 16 : index
          %swap3A_92 = tpu.vector_load %arg10[%swap3A_90, %swap3A_91] {strides = array<i32>} : memref<256x128xf32, #tpu.memory_space<vmem>>, vector<1x16xf32>,
          %swap3A_93 = vector.shape_cast %swap3A_92 : vector<1x16xf32> to vector<16xf32>
          %swap3A_94 = vector.shape_cast %get3A_89 : vector<16xf32> to vector<1x16xf32>
          tpu.vector_store %arg10[%swap3A_90, %swap3A_91], %swap3A_94 {strides = array<i32>} : memref<256x128xf32, #tpu.memory_space<vmem>>, vector<1x16xf32>,
          %mul3A_95 = arith.constant 8 : i32
          %mul3A_96 = arith.muli %scan3A_70, %mul3A_95 : i32
          %add3A_97 = arith.constant 2 : i32
          %add3A_98 = arith.addi %mul3A_96, %add3A_97 : i32
          %get3A_99 = arith.index_cast %add3A_98 : i32 to index
          %get3A_100 = arith.constant 0 : index
          %get3A_101 = tpu.vector_load %arg9[%get3A_99, %get3A_100] {strides = array<i32>} : memref<2048x16xf32, #tpu.memory_space<vmem>>, vector<1x16xf32>,
          %get3A_102 = vector.shape_cast %get3A_101 : vector<1x16xf32> to vector<16xf32>
          %swap3A_103 = arith.index_cast %scan3A_70 : i32 to index
          %swap3A_104 = arith.constant 32 : index
          %swap3A_105 = tpu.vector_load %arg10[%swap3A_103, %swap3A_104] {strides = array<i32>} : memref<256x128xf32, #tpu.memory_space<vmem>>, vector<1x16xf32>,
          %swap3A_106 = vector.shape_cast %swap3A_105 : vector<1x16xf32> to vector<16xf32>
          %swap3A_107 = vector.shape_cast %get3A_102 : vector<16xf32> to vector<1x16xf32>
          tpu.vector_store %arg10[%swap3A_103, %swap3A_104], %swap3A_107 {strides = array<i32>} : memref<256x128xf32, #tpu.memory_space<vmem>>, vector<1x16xf32>,
          %mul3A_108 = arith.constant 8 : i32
          %mul3A_109 = arith.muli %scan3A_70, %mul3A_108 : i32
          %add3A_110 = arith.constant 3 : i32
          %add3A_111 = arith.addi %mul3A_109, %add3A_110 : i32
          %get3A_112 = arith.index_cast %add3A_111 : i32 to index
          %get3A_113 = arith.constant 0 : index
          %get3A_114 = tpu.vector_load %arg9[%get3A_112, %get3A_113] {strides = array<i32>} : memref<2048x16xf32, #tpu.memory_space<vmem>>, vector<1x16xf32>,
          %get3A_115 = vector.shape_cast %get3A_114 : vector<1x16xf32> to vector<16xf32>
          %swap3A_116 = arith.index_cast %scan3A_70 : i32 to index
          %swap3A_117 = arith.constant 48 : index
          %swap3A_118 = tpu.vector_load %arg10[%swap3A_116, %swap3A_117] {strides = array<i32>} : memref<256x128xf32, #tpu.memory_space<vmem>>, vector<1x16xf32>,
          %swap3A_119 = vector.shape_cast %swap3A_118 : vector<1x16xf32> to vector<16xf32>
          %swap3A_120 = vector.shape_cast %get3A_115 : vector<16xf32> to vector<1x16xf32>
          tpu.vector_store %arg10[%swap3A_116, %swap3A_117], %swap3A_120 {strides = array<i32>} : memref<256x128xf32, #tpu.memory_space<vmem>>, vector<1x16xf32>,
          %mul3A_121 = arith.constant 8 : i32
          %mul3A_122 = arith.muli %scan3A_70, %mul3A_121 : i32
          %add3A_123 = arith.constant 4 : i32
          %add3A_124 = arith.addi %mul3A_122, %add3A_123 : i32
          %get3A_125 = arith.index_cast %add3A_124 : i32 to index
          %get3A_126 = arith.constant 0 : index
          %get3A_127 = tpu.vector_load %arg9[%get3A_125, %get3A_126] {strides = array<i32>} : memref<2048x16xf32, #tpu.memory_space<vmem>>, vector<1x16xf32>,
          %get3A_128 = vector.shape_cast %get3A_127 : vector<1x16xf32> to vector<16xf32>
          %swap3A_129 = arith.index_cast %scan3A_70 : i32 to index
          %swap3A_130 = arith.constant 64 : index
          %swap3A_131 = tpu.vector_load %arg10[%swap3A_129, %swap3A_130] {strides = array<i32>} : memref<256x128xf32, #tpu.memory_space<vmem>>, vector<1x16xf32>,
          %swap3A_132 = vector.shape_cast %swap3A_131 : vector<1x16xf32> to vector<16xf32>
          %swap3A_133 = vector.shape_cast %get3A_128 : vector<16xf32> to vector<1x16xf32>
          tpu.vector_store %arg10[%swap3A_129, %swap3A_130], %swap3A_133 {strides = array<i32>} : memref<256x128xf32, #tpu.memory_space<vmem>>, vector<1x16xf32>,
          %mul3A_134 = arith.constant 8 : i32
          %mul3A_135 = arith.muli %scan3A_70, %mul3A_134 : i32
          %add3A_136 = arith.constant 5 : i32
          %add3A_137 = arith.addi %mul3A_135, %add3A_136 : i32
          %get3A_138 = arith.index_cast %add3A_137 : i32 to index
          %get3A_139 = arith.constant 0 : index
          %get3A_140 = tpu.vector_load %arg9[%get3A_138, %get3A_139] {strides = array<i32>} : memref<2048x16xf32, #tpu.memory_space<vmem>>, vector<1x16xf32>,
          %get3A_141 = vector.shape_cast %get3A_140 : vector<1x16xf32> to vector<16xf32>
          %swap3A_142 = arith.index_cast %scan3A_70 : i32 to index
          %swap3A_143 = arith.constant 80 : index
          %swap3A_144 = tpu.vector_load %arg10[%swap3A_142, %swap3A_143] {strides = array<i32>} : memref<256x128xf32, #tpu.memory_space<vmem>>, vector<1x16xf32>,
          %swap3A_145 = vector.shape_cast %swap3A_144 : vector<1x16xf32> to vector<16xf32>
          %swap3A_146 = vector.shape_cast %get3A_141 : vector<16xf32> to vector<1x16xf32>
          tpu.vector_store %arg10[%swap3A_142, %swap3A_143], %swap3A_146 {strides = array<i32>} : memref<256x128xf32, #tpu.memory_space<vmem>>, vector<1x16xf32>,
          %mul3A_147 = arith.constant 8 : i32
          %mul3A_148 = arith.muli %scan3A_70, %mul3A_147 : i32
          %add3A_149 = arith.constant 6 : i32
          %add3A_150 = arith.addi %mul3A_148, %add3A_149 : i32
          %get3A_151 = arith.index_cast %add3A_150 : i32 to index
          %get3A_152 = arith.constant 0 : index
          %get3A_153 = tpu.vector_load %arg9[%get3A_151, %get3A_152] {strides = array<i32>} : memref<2048x16xf32, #tpu.memory_space<vmem>>, vector<1x16xf32>,
          %get3A_154 = vector.shape_cast %get3A_153 : vector<1x16xf32> to vector<16xf32>
          %swap3A_155 = arith.index_cast %scan3A_70 : i32 to index
          %swap3A_156 = arith.constant 96 : index
          %swap3A_157 = tpu.vector_load %arg10[%swap3A_155, %swap3A_156] {strides = array<i32>} : memref<256x128xf32, #tpu.memory_space<vmem>>, vector<1x16xf32>,
          %swap3A_158 = vector.shape_cast %swap3A_157 : vector<1x16xf32> to vector<16xf32>
          %swap3A_159 = vector.shape_cast %get3A_154 : vector<16xf32> to vector<1x16xf32>
          tpu.vector_store %arg10[%swap3A_155, %swap3A_156], %swap3A_159 {strides = array<i32>} : memref<256x128xf32, #tpu.memory_space<vmem>>, vector<1x16xf32>,
          %mul3A_160 = arith.constant 8 : i32
          %mul3A_161 = arith.muli %scan3A_70, %mul3A_160 : i32
          %add3A_162 = arith.constant 7 : i32
          %add3A_163 = arith.addi %mul3A_161, %add3A_162 : i32
          %get3A_164 = arith.index_cast %add3A_163 : i32 to index
          %get3A_165 = arith.constant 0 : index
          %get3A_166 = tpu.vector_load %arg9[%get3A_164, %get3A_165] {strides = array<i32>} : memref<2048x16xf32, #tpu.memory_space<vmem>>, vector<1x16xf32>,
          %get3A_167 = vector.shape_cast %get3A_166 : vector<1x16xf32> to vector<16xf32>
          %swap3A_168 = arith.index_cast %scan3A_70 : i32 to index
          %swap3A_169 = arith.constant 112 : index
          %swap3A_170 = tpu.vector_load %arg10[%swap3A_168, %swap3A_169] {strides = array<i32>} : memref<256x128xf32, #tpu.memory_space<vmem>>, vector<1x16xf32>,
          %swap3A_171 = vector.shape_cast %swap3A_170 : vector<1x16xf32> to vector<16xf32>
          %swap3A_172 = vector.shape_cast %get3A_167 : vector<16xf32> to vector<1x16xf32>
          tpu.vector_store %arg10[%swap3A_168, %swap3A_169], %swap3A_172 {strides = array<i32>} : memref<256x128xf32, #tpu.memory_space<vmem>>, vector<1x16xf32>,
        }
        %scan3A_49 = arith.constant 256 : i32
        "tpu.region"() ({
          %run_scoped3A = tpu.sem_alloc : memref<!tpu.dma_semaphore, #tpu.memory_space<semaphore_mem>>
          %dma_start3A_70 = arith.constant 0 : i32
          %dma_start3A_71 = arith.constant 0 : i32
          %dma_start3A_72 = tpu.memref_slice %arg7[%dma_start3A_70, %dma_start3A_71] : memref<512x128xf32, #tpu.memory_space<hbm>> -> memref<256x128xf32, #tpu.memory_space<hbm>>
          %dma_start3A_73 = arith.constant 0 : i32
          %dma_start3A_74 = arith.constant 0 : i32
          %dma_start3A_75 = tpu.memref_slice %arg7[%dma_start3A_73, %dma_start3A_74] : memref<512x128xf32, #tpu.memory_space<hbm>> -> memref<256x128xf32, #tpu.memory_space<hbm>>
          tpu.enqueue_dma source(%arg10 : memref<256x128xf32, #tpu.memory_space<vmem>>) target(%dma_start3A_75 : memref<256x128xf32, #tpu.memory_space<hbm>>) target_semaphore(%run_scoped3A : memref<!tpu.dma_semaphore, #tpu.memory_space<semaphore_mem>>)
          %dma_wait3A_76 = arith.constant 0 : i32
          %dma_wait3A_77 = arith.constant 0 : i32
          %dma_wait3A_78 = tpu.memref_slice %arg7[%dma_wait3A_76, %dma_wait3A_77] : memref<512x128xf32, #tpu.memory_space<hbm>> -> memref<256x128xf32, #tpu.memory_space<hbm>>
          %dma_wait3A_79 = arith.constant 0 : i32
          %dma_wait3A_80 = arith.constant 0 : i32
          %dma_wait3A_81 = tpu.memref_slice %arg7[%dma_wait3A_79, %dma_wait3A_80] : memref<512x128xf32, #tpu.memory_space<hbm>> -> memref<256x128xf32, #tpu.memory_space<hbm>>
          tpu.wait_dma2 semaphore(%run_scoped3A : memref<!tpu.dma_semaphore, #tpu.memory_space<semaphore_mem>>) src(%arg10 : memref<256x128xf32, #tpu.memory_space<vmem>>) dst(%dma_wait3A_81 : memref<256x128xf32, #tpu.memory_space<hbm>>)
          tpu.yield
        }) : () -> ()
        %dma_start3A_50 = arith.constant 0 : i32
        %dma_start3A_51 = arith.constant 2048 : i32
        %dma_start3A_52 = tpu.memref_slice %arg8[%dma_start3A_50, %dma_start3A_51] : memref<1x4096xi32, #tpu.memory_space<vmem>> -> memref<1x2048xi32, #tpu.memory_space<vmem>>
        %dma_start3A_53 = tpu.memref_squeeze %dma_start3A_52 : memref<1x2048xi32, #tpu.memory_space<vmem>> -> memref<2048xi32, #tpu.memory_space<vmem>>
        %dma_start3A_54 = arith.constant 0 : i32
        %dma_start3A_55 = arith.constant 0 : i32
        %dma_start3A_56 = tpu.memref_slice %arg2[%dma_start3A_54, %dma_start3A_55] : memref<5200000x16xf32, #tpu.memory_space<hbm>> -> memref<5200000x16xf32, #tpu.memory_space<hbm>>
        tpu.enqueue_indirect_dma source(%dma_start3A_56 : memref<5200000x16xf32, #tpu.memory_space<hbm>>) target(%arg9 : memref<2048x16xf32, #tpu.memory_space<vmem>>) offsets(%dma_start3A_53 : memref<2048xi32, #tpu.memory_space<vmem>>) semaphore(%arg11 : memref<!tpu.dma_semaphore, #tpu.memory_space<semaphore_mem>>)
        %dma_wait3A_57 = arith.constant 0 : i32
        %dma_wait3A_58 = arith.constant 2048 : i32
        %dma_wait3A_59 = tpu.memref_slice %arg8[%dma_wait3A_57, %dma_wait3A_58] : memref<1x4096xi32, #tpu.memory_space<vmem>> -> memref<1x2048xi32, #tpu.memory_space<vmem>>
        %dma_wait3A_60 = tpu.memref_squeeze %dma_wait3A_59 : memref<1x2048xi32, #tpu.memory_space<vmem>> -> memref<2048xi32, #tpu.memory_space<vmem>>
        %dma_wait3A_61 = arith.constant 0 : i32
        %dma_wait3A_62 = arith.constant 0 : i32
        %dma_wait3A_63 = tpu.memref_slice %arg2[%dma_wait3A_61, %dma_wait3A_62] : memref<5200000x16xf32, #tpu.memory_space<hbm>> -> memref<5200000x16xf32, #tpu.memory_space<hbm>>
        tpu.wait_indirect_dma semaphore(%arg11 : memref<!tpu.dma_semaphore, #tpu.memory_space<semaphore_mem>>) src(%dma_wait3A_63 : memref<5200000x16xf32, #tpu.memory_space<hbm>>) dst(%arg9 : memref<2048x16xf32, #tpu.memory_space<vmem>>)
        %scan3A_64 = arith.constant 0 : i32
        %scan3A_65 = arith.constant 0 : i32
        %scan3A_66 = arith.constant 256 : i32
        %scan3A_67 = arith.addi %scan3A_65, %scan3A_66 : i32
        %scan3A_68 = arith.constant 1 : i32
        scf.for %scan3A_70 = %scan3A_65 to %scan3A_67 step %scan3A_68  : i32 {
          %mul3A_71 = arith.constant 8 : i32
          %mul3A_72 = arith.muli %scan3A_70, %mul3A_71 : i32
          %add3A_73 = arith.constant 0 : i32
          %add3A_74 = arith.addi %mul3A_72, %add3A_73 : i32
          %get3A = arith.index_cast %add3A_74 : i32 to index
          %get3A_75 = arith.constant 0 : index
          %get3A_76 = tpu.vector_load %arg9[%get3A, %get3A_75] {strides = array<i32>} : memref<2048x16xf32, #tpu.memory_space<vmem>>, vector<1x16xf32>,
          %get3A_77 = vector.shape_cast %get3A_76 : vector<1x16xf32> to vector<16xf32>
          %swap3A = arith.index_cast %scan3A_70 : i32 to index
          %swap3A_78 = arith.constant 0 : index
          %swap3A_79 = tpu.vector_load %arg10[%swap3A, %swap3A_78] {strides = array<i32>} : memref<256x128xf32, #tpu.memory_space<vmem>>, vector<1x16xf32>,
          %swap3A_80 = vector.shape_cast %swap3A_79 : vector<1x16xf32> to vector<16xf32>
          %swap3A_81 = vector.shape_cast %get3A_77 : vector<16xf32> to vector<1x16xf32>
          tpu.vector_store %arg10[%swap3A, %swap3A_78], %swap3A_81 {strides = array<i32>} : memref<256x128xf32, #tpu.memory_space<vmem>>, vector<1x16xf32>,
          %mul3A_82 = arith.constant 8 : i32
          %mul3A_83 = arith.muli %scan3A_70, %mul3A_82 : i32
          %add3A_84 = arith.constant 1 : i32
          %add3A_85 = arith.addi %mul3A_83, %add3A_84 : i32
          %get3A_86 = arith.index_cast %add3A_85 : i32 to index
          %get3A_87 = arith.constant 0 : index
          %get3A_88 = tpu.vector_load %arg9[%get3A_86, %get3A_87] {strides = array<i32>} : memref<2048x16xf32, #tpu.memory_space<vmem>>, vector<1x16xf32>,
          %get3A_89 = vector.shape_cast %get3A_88 : vector<1x16xf32> to vector<16xf32>
          %swap3A_90 = arith.index_cast %scan3A_70 : i32 to index
          %swap3A_91 = arith.constant 16 : index
          %swap3A_92 = tpu.vector_load %arg10[%swap3A_90, %swap3A_91] {strides = array<i32>} : memref<256x128xf32, #tpu.memory_space<vmem>>, vector<1x16xf32>,
          %swap3A_93 = vector.shape_cast %swap3A_92 : vector<1x16xf32> to vector<16xf32>
          %swap3A_94 = vector.shape_cast %get3A_89 : vector<16xf32> to vector<1x16xf32>
          tpu.vector_store %arg10[%swap3A_90, %swap3A_91], %swap3A_94 {strides = array<i32>} : memref<256x128xf32, #tpu.memory_space<vmem>>, vector<1x16xf32>,
          %mul3A_95 = arith.constant 8 : i32
          %mul3A_96 = arith.muli %scan3A_70, %mul3A_95 : i32
          %add3A_97 = arith.constant 2 : i32
          %add3A_98 = arith.addi %mul3A_96, %add3A_97 : i32
          %get3A_99 = arith.index_cast %add3A_98 : i32 to index
          %get3A_100 = arith.constant 0 : index
          %get3A_101 = tpu.vector_load %arg9[%get3A_99, %get3A_100] {strides = array<i32>} : memref<2048x16xf32, #tpu.memory_space<vmem>>, vector<1x16xf32>,
          %get3A_102 = vector.shape_cast %get3A_101 : vector<1x16xf32> to vector<16xf32>
          %swap3A_103 = arith.index_cast %scan3A_70 : i32 to index
          %swap3A_104 = arith.constant 32 : index
          %swap3A_105 = tpu.vector_load %arg10[%swap3A_103, %swap3A_104] {strides = array<i32>} : memref<256x128xf32, #tpu.memory_space<vmem>>, vector<1x16xf32>,
          %swap3A_106 = vector.shape_cast %swap3A_105 : vector<1x16xf32> to vector<16xf32>
          %swap3A_107 = vector.shape_cast %get3A_102 : vector<16xf32> to vector<1x16xf32>
          tpu.vector_store %arg10[%swap3A_103, %swap3A_104], %swap3A_107 {strides = array<i32>} : memref<256x128xf32, #tpu.memory_space<vmem>>, vector<1x16xf32>,
          %mul3A_108 = arith.constant 8 : i32
          %mul3A_109 = arith.muli %scan3A_70, %mul3A_108 : i32
          %add3A_110 = arith.constant 3 : i32
          %add3A_111 = arith.addi %mul3A_109, %add3A_110 : i32
          %get3A_112 = arith.index_cast %add3A_111 : i32 to index
          %get3A_113 = arith.constant 0 : index
          %get3A_114 = tpu.vector_load %arg9[%get3A_112, %get3A_113] {strides = array<i32>} : memref<2048x16xf32, #tpu.memory_space<vmem>>, vector<1x16xf32>,
          %get3A_115 = vector.shape_cast %get3A_114 : vector<1x16xf32> to vector<16xf32>
          %swap3A_116 = arith.index_cast %scan3A_70 : i32 to index
          %swap3A_117 = arith.constant 48 : index
          %swap3A_118 = tpu.vector_load %arg10[%swap3A_116, %swap3A_117] {strides = array<i32>} : memref<256x128xf32, #tpu.memory_space<vmem>>, vector<1x16xf32>,
          %swap3A_119 = vector.shape_cast %swap3A_118 : vector<1x16xf32> to vector<16xf32>
          %swap3A_120 = vector.shape_cast %get3A_115 : vector<16xf32> to vector<1x16xf32>
          tpu.vector_store %arg10[%swap3A_116, %swap3A_117], %swap3A_120 {strides = array<i32>} : memref<256x128xf32, #tpu.memory_space<vmem>>, vector<1x16xf32>,
          %mul3A_121 = arith.constant 8 : i32
          %mul3A_122 = arith.muli %scan3A_70, %mul3A_121 : i32
          %add3A_123 = arith.constant 4 : i32
          %add3A_124 = arith.addi %mul3A_122, %add3A_123 : i32
          %get3A_125 = arith.index_cast %add3A_124 : i32 to index
          %get3A_126 = arith.constant 0 : index
          %get3A_127 = tpu.vector_load %arg9[%get3A_125, %get3A_126] {strides = array<i32>} : memref<2048x16xf32, #tpu.memory_space<vmem>>, vector<1x16xf32>,
          %get3A_128 = vector.shape_cast %get3A_127 : vector<1x16xf32> to vector<16xf32>
          %swap3A_129 = arith.index_cast %scan3A_70 : i32 to index
          %swap3A_130 = arith.constant 64 : index
          %swap3A_131 = tpu.vector_load %arg10[%swap3A_129, %swap3A_130] {strides = array<i32>} : memref<256x128xf32, #tpu.memory_space<vmem>>, vector<1x16xf32>,
          %swap3A_132 = vector.shape_cast %swap3A_131 : vector<1x16xf32> to vector<16xf32>
          %swap3A_133 = vector.shape_cast %get3A_128 : vector<16xf32> to vector<1x16xf32>
          tpu.vector_store %arg10[%swap3A_129, %swap3A_130], %swap3A_133 {strides = array<i32>} : memref<256x128xf32, #tpu.memory_space<vmem>>, vector<1x16xf32>,
          %mul3A_134 = arith.constant 8 : i32
          %mul3A_135 = arith.muli %scan3A_70, %mul3A_134 : i32
          %add3A_136 = arith.constant 5 : i32
          %add3A_137 = arith.addi %mul3A_135, %add3A_136 : i32
          %get3A_138 = arith.index_cast %add3A_137 : i32 to index
          %get3A_139 = arith.constant 0 : index
          %get3A_140 = tpu.vector_load %arg9[%get3A_138, %get3A_139] {strides = array<i32>} : memref<2048x16xf32, #tpu.memory_space<vmem>>, vector<1x16xf32>,
          %get3A_141 = vector.shape_cast %get3A_140 : vector<1x16xf32> to vector<16xf32>
          %swap3A_142 = arith.index_cast %scan3A_70 : i32 to index
          %swap3A_143 = arith.constant 80 : index
          %swap3A_144 = tpu.vector_load %arg10[%swap3A_142, %swap3A_143] {strides = array<i32>} : memref<256x128xf32, #tpu.memory_space<vmem>>, vector<1x16xf32>,
          %swap3A_145 = vector.shape_cast %swap3A_144 : vector<1x16xf32> to vector<16xf32>
          %swap3A_146 = vector.shape_cast %get3A_141 : vector<16xf32> to vector<1x16xf32>
          tpu.vector_store %arg10[%swap3A_142, %swap3A_143], %swap3A_146 {strides = array<i32>} : memref<256x128xf32, #tpu.memory_space<vmem>>, vector<1x16xf32>,
          %mul3A_147 = arith.constant 8 : i32
          %mul3A_148 = arith.muli %scan3A_70, %mul3A_147 : i32
          %add3A_149 = arith.constant 6 : i32
          %add3A_150 = arith.addi %mul3A_148, %add3A_149 : i32
          %get3A_151 = arith.index_cast %add3A_150 : i32 to index
          %get3A_152 = arith.constant 0 : index
          %get3A_153 = tpu.vector_load %arg9[%get3A_151, %get3A_152] {strides = array<i32>} : memref<2048x16xf32, #tpu.memory_space<vmem>>, vector<1x16xf32>,
          %get3A_154 = vector.shape_cast %get3A_153 : vector<1x16xf32> to vector<16xf32>
          %swap3A_155 = arith.index_cast %scan3A_70 : i32 to index
          %swap3A_156 = arith.constant 96 : index
          %swap3A_157 = tpu.vector_load %arg10[%swap3A_155, %swap3A_156] {strides = array<i32>} : memref<256x128xf32, #tpu.memory_space<vmem>>, vector<1x16xf32>,
          %swap3A_158 = vector.shape_cast %swap3A_157 : vector<1x16xf32> to vector<16xf32>
          %swap3A_159 = vector.shape_cast %get3A_154 : vector<16xf32> to vector<1x16xf32>
          tpu.vector_store %arg10[%swap3A_155, %swap3A_156], %swap3A_159 {strides = array<i32>} : memref<256x128xf32, #tpu.memory_space<vmem>>, vector<1x16xf32>,
          %mul3A_160 = arith.constant 8 : i32
          %mul3A_161 = arith.muli %scan3A_70, %mul3A_160 : i32
          %add3A_162 = arith.constant 7 : i32
          %add3A_163 = arith.addi %mul3A_161, %add3A_162 : i32
          %get3A_164 = arith.index_cast %add3A_163 : i32 to index
          %get3A_165 = arith.constant 0 : index
          %get3A_166 = tpu.vector_load %arg9[%get3A_164, %get3A_165] {strides = array<i32>} : memref<2048x16xf32, #tpu.memory_space<vmem>>, vector<1x16xf32>,
          %get3A_167 = vector.shape_cast %get3A_166 : vector<1x16xf32> to vector<16xf32>
          %swap3A_168 = arith.index_cast %scan3A_70 : i32 to index
          %swap3A_169 = arith.constant 112 : index
          %swap3A_170 = tpu.vector_load %arg10[%swap3A_168, %swap3A_169] {strides = array<i32>} : memref<256x128xf32, #tpu.memory_space<vmem>>, vector<1x16xf32>,
          %swap3A_171 = vector.shape_cast %swap3A_170 : vector<1x16xf32> to vector<16xf32>
          %swap3A_172 = vector.shape_cast %get3A_167 : vector<16xf32> to vector<1x16xf32>
          tpu.vector_store %arg10[%swap3A_168, %swap3A_169], %swap3A_172 {strides = array<i32>} : memref<256x128xf32, #tpu.memory_space<vmem>>, vector<1x16xf32>,
        }
        %scan3A_69 = arith.constant 256 : i32
        "tpu.region"() ({
          %run_scoped3A = tpu.sem_alloc : memref<!tpu.dma_semaphore, #tpu.memory_space<semaphore_mem>>
          %dma_start3A_70 = arith.constant 256 : i32
          %dma_start3A_71 = arith.constant 0 : i32
          %dma_start3A_72 = tpu.memref_slice %arg7[%dma_start3A_70, %dma_start3A_71] : memref<512x128xf32, #tpu.memory_space<hbm>> -> memref<256x128xf32, #tpu.memory_space<hbm>>
          %dma_start3A_73 = arith.constant 256 : i32
          %dma_start3A_74 = arith.constant 0 : i32
          %dma_start3A_75 = tpu.memref_slice %arg7[%dma_start3A_73, %dma_start3A_74] : memref<512x128xf32, #tpu.memory_space<hbm>> -> memref<256x128xf32, #tpu.memory_space<hbm>>
          tpu.enqueue_dma source(%arg10 : memref<256x128xf32, #tpu.memory_space<vmem>>) target(%dma_start3A_75 : memref<256x128xf32, #tpu.memory_space<hbm>>) target_semaphore(%run_scoped3A : memref<!tpu.dma_semaphore, #tpu.memory_space<semaphore_mem>>)
          %dma_wait3A_76 = arith.constant 256 : i32
          %dma_wait3A_77 = arith.constant 0 : i32
          %dma_wait3A_78 = tpu.memref_slice %arg7[%dma_wait3A_76, %dma_wait3A_77] : memref<512x128xf32, #tpu.memory_space<hbm>> -> memref<256x128xf32, #tpu.memory_space<hbm>>
          %dma_wait3A_79 = arith.constant 256 : i32
          %dma_wait3A_80 = arith.constant 0 : i32
          %dma_wait3A_81 = tpu.memref_slice %arg7[%dma_wait3A_79, %dma_wait3A_80] : memref<512x128xf32, #tpu.memory_space<hbm>> -> memref<256x128xf32, #tpu.memory_space<hbm>>
          tpu.wait_dma2 semaphore(%run_scoped3A : memref<!tpu.dma_semaphore, #tpu.memory_space<semaphore_mem>>) src(%arg10 : memref<256x128xf32, #tpu.memory_space<vmem>>) dst(%dma_wait3A_81 : memref<256x128xf32, #tpu.memory_space<hbm>>)
          tpu.yield
        }) : () -> ()
      } else {
      }
    }
    %scan3A_5 = arith.constant 8 : i32
    return
  }
}

module attributes {stable_mosaic.version = 14 : i64} {
  func.func @_tc_body(%arg0: i32, %arg1: memref<50x16x128xf32, #tpu.memory_space<vmem>>, %arg2: memref<200x16x128xf32, #tpu.memory_space<vmem>>, %arg3: memref<200x16x8xf32, #tpu.memory_space<vmem>>, %arg4: memref<16x128xf32, #tpu.memory_space<vmem>>, %arg5: memref<16x128xf32, #tpu.memory_space<vmem>>, %arg6: memref<16x8xf32, #tpu.memory_space<vmem>>, %arg7: memref<16x8xf32, #tpu.memory_space<vmem>>, %arg8: memref<1x128xf32, #tpu.memory_space<vmem>>, %arg9: memref<1x128xf32, #tpu.memory_space<vmem>>, %arg10: memref<128x128xf32, #tpu.memory_space<vmem>>, %arg11: memref<128x128xf32, #tpu.memory_space<vmem>>, %arg12: memref<128x128xf32, #tpu.memory_space<vmem>>, %arg13: memref<128x128xf32, #tpu.memory_space<vmem>>, %arg14: memref<128x128xf32, #tpu.memory_space<vmem>>, %arg15: memref<128x128xf32, #tpu.memory_space<vmem>>, %arg16: memref<1x128xf32, #tpu.memory_space<vmem>>, %arg17: memref<1x128xf32, #tpu.memory_space<vmem>>, %arg18: memref<1x128xf32, #tpu.memory_space<vmem>>, %arg19: memref<1x128xf32, #tpu.memory_space<vmem>>, %arg20: memref<1x128xf32, #tpu.memory_space<vmem>>, %arg21: memref<1x128xf32, #tpu.memory_space<vmem>>, %arg22: memref<128x128xf32, #tpu.memory_space<vmem>>, %arg23: memref<1x128xf32, #tpu.memory_space<vmem>>, %arg24: memref<128x128xf32, #tpu.memory_space<vmem>>, %arg25: memref<1x128xf32, #tpu.memory_space<vmem>>, %arg26: memref<128x128xf32, #tpu.memory_space<vmem>>, %arg27: memref<1x128xf32, #tpu.memory_space<vmem>>, %arg28: memref<128x128xf32, #tpu.memory_space<vmem>>, %arg29: memref<1x128xf32, #tpu.memory_space<vmem>>, %arg30: memref<128x1600xf32, #tpu.memory_space<vmem>>, %arg31: memref<128x1600xf32, #tpu.memory_space<vmem>>, %arg32: memref<128x1600xf32, #tpu.memory_space<vmem>>, %arg33: memref<1x1600xf32, #tpu.memory_space<vmem>>, %arg34: memref<1x1xf32, #tpu.memory_space<vmem>>, %arg35: memref<1600x640xf32, #tpu.memory_space<vmem>>, %arg36: memref<1x640xf32, #tpu.memory_space<vmem>>, %arg37: memref<1x1xf32, #tpu.memory_space<vmem>>, %arg38: memref<640x16xf32, #tpu.memory_space<vmem>>, %arg39: memref<1x16xf32, #tpu.memory_space<vmem>>, %arg40: memref<16x16xf32, #tpu.memory_space<vmem>>, %arg41: memref<16x16xf32, #tpu.memory_space<vmem>>, %arg42: memref<50x16x128xf32, #tpu.memory_space<vmem>>, %arg43: memref<50x16x128xf32, #tpu.memory_space<vmem>>, %arg44: memref<50x16x128xf32, #tpu.memory_space<vmem>>, %arg45: memref<50x16x128xf32, #tpu.memory_space<vmem>>) attributes {dimension_semantics = [#tpu.dimension_semantics<arbitrary>], iteration_bounds = array<i64: 32>, scalar_prefetch = 0 : i64, scratch_operands = 4 : i64, tpu.core_type = #tpu.core_type<tc>, window_params = [{transform_indices = @transform_0, window_bounds = array<i64: 50, 16, 128>}, {transform_indices = @transform_1, window_bounds = array<i64: 200, 16, 128>}, {transform_indices = @transform_2, window_bounds = array<i64: 200, 16, 8>}, {transform_indices = @transform_3, window_bounds = array<i64: 16, 128>}, {transform_indices = @transform_4, window_bounds = array<i64: 16, 128>}, {transform_indices = @transform_5, window_bounds = array<i64: 16, 8>}, {transform_indices = @transform_6, window_bounds = array<i64: 16, 8>}, {pipeline_mode = #tpu.pipeline_mode<synchronous>, transform_indices = @transform_7, window_bounds = array<i64: 1, 128>}, {pipeline_mode = #tpu.pipeline_mode<synchronous>, transform_indices = @transform_8, window_bounds = array<i64: 1, 128>}, {pipeline_mode = #tpu.pipeline_mode<synchronous>, transform_indices = @transform_9, window_bounds = array<i64: 128, 128>}, {pipeline_mode = #tpu.pipeline_mode<synchronous>, transform_indices = @transform_10, window_bounds = array<i64: 128, 128>}, {pipeline_mode = #tpu.pipeline_mode<synchronous>, transform_indices = @transform_11, window_bounds = array<i64: 128, 128>}, {pipeline_mode = #tpu.pipeline_mode<synchronous>, transform_indices = @transform_12, window_bounds = array<i64: 128, 128>}, {pipeline_mode = #tpu.pipeline_mode<synchronous>, transform_indices = @transform_13, window_bounds = array<i64: 128, 128>}, {pipeline_mode = #tpu.pipeline_mode<synchronous>, transform_indices = @transform_14, window_bounds = array<i64: 128, 128>}, {pipeline_mode = #tpu.pipeline_mode<synchronous>, transform_indices = @transform_15, window_bounds = array<i64: 1, 128>}, {pipeline_mode = #tpu.pipeline_mode<synchronous>, transform_indices = @transform_16, window_bounds = array<i64: 1, 128>}, {pipeline_mode = #tpu.pipeline_mode<synchronous>, transform_indices = @transform_17, window_bounds = array<i64: 1, 128>}, {pipeline_mode = #tpu.pipeline_mode<synchronous>, transform_indices = @transform_18, window_bounds = array<i64: 1, 128>}, {pipeline_mode = #tpu.pipeline_mode<synchronous>, transform_indices = @transform_19, window_bounds = array<i64: 1, 128>}, {pipeline_mode = #tpu.pipeline_mode<synchronous>, transform_indices = @transform_20, window_bounds = array<i64: 1, 128>}, {pipeline_mode = #tpu.pipeline_mode<synchronous>, transform_indices = @transform_21, window_bounds = array<i64: 128, 128>}, {transform_indices = @transform_22, window_bounds = array<i64: 1, 128>}, {pipeline_mode = #tpu.pipeline_mode<synchronous>, transform_indices = @transform_23, window_bounds = array<i64: 128, 128>}, {transform_indices = @transform_24, window_bounds = array<i64: 1, 128>}, {transform_indices = @transform_25, window_bounds = array<i64: 128, 128>}, {pipeline_mode = #tpu.pipeline_mode<synchronous>, transform_indices = @transform_26, window_bounds = array<i64: 1, 128>}, {transform_indices = @transform_27, window_bounds = array<i64: 128, 128>}, {pipeline_mode = #tpu.pipeline_mode<synchronous>, transform_indices = @transform_28, window_bounds = array<i64: 1, 128>}, {pipeline_mode = #tpu.pipeline_mode<synchronous>, transform_indices = @transform_29, window_bounds = array<i64: 128, 1600>}, {pipeline_mode = #tpu.pipeline_mode<synchronous>, transform_indices = @transform_30, window_bounds = array<i64: 128, 1600>}, {pipeline_mode = #tpu.pipeline_mode<synchronous>, transform_indices = @transform_31, window_bounds = array<i64: 128, 1600>}, {pipeline_mode = #tpu.pipeline_mode<synchronous>, transform_indices = @transform_32, window_bounds = array<i64: 1, 1600>}, {pipeline_mode = #tpu.pipeline_mode<synchronous>, transform_indices = @transform_33, window_bounds = array<i64: 1, 1>}, {pipeline_mode = #tpu.pipeline_mode<synchronous>, transform_indices = @transform_34, window_bounds = array<i64: 1600, 640>}, {pipeline_mode = #tpu.pipeline_mode<synchronous>, transform_indices = @transform_35, window_bounds = array<i64: 1, 640>}, {pipeline_mode = #tpu.pipeline_mode<synchronous>, transform_indices = @transform_36, window_bounds = array<i64: 1, 1>}, {pipeline_mode = #tpu.pipeline_mode<synchronous>, transform_indices = @transform_37, window_bounds = array<i64: 640, 16>}, {pipeline_mode = #tpu.pipeline_mode<synchronous>, transform_indices = @transform_38, window_bounds = array<i64: 1, 16>}, {transform_indices = @transform_39, window_bounds = array<i64: 16, 16>}, {transform_indices = @transform_40, window_bounds = array<i64: 16, 16>}]} {
    %get3A = arith.constant 0 : index
    %get3A_0 = arith.constant 0 : index
    %get3A_1 = vector.load %arg4[%get3A, %get3A_0] : memref<16x128xf32, #tpu.memory_space<vmem>>, vector<16x128xf32>
    %get3A_2 = arith.constant 0 : index
    %get3A_3 = arith.constant 0 : index
    %get3A_4 = vector.load %arg5[%get3A_2, %get3A_3] : memref<16x128xf32, #tpu.memory_space<vmem>>, vector<16x128xf32>
    %iota3A = tpu.iota {dimensions = array<i32: 0>} : vector<128x128xi32>
    %iota3A_5 = tpu.iota {dimensions = array<i32: 1>} : vector<128x128xi32>
    %jit3A = arith.constant 16 : i32
    %div3A = vector.broadcast %jit3A : i32 to vector<128x128xi32>
    %div3A_6 = arith.divsi %iota3A, %div3A : vector<128x128xi32>
    %sign3A = arith.constant 0 : i32
    %sign3A_7 = vector.broadcast %sign3A : i32 to vector<128x128xi32>
    %sign3A_8 = arith.cmpi sgt, %iota3A, %sign3A_7 : vector<128x128xi32>
    %sign3A_9 = arith.extui %sign3A_8 : vector<128x128xi1> to vector<128x128xi32>
    %sign3A_10 = arith.constant 0 : i32
    %sign3A_11 = vector.broadcast %sign3A_10 : i32 to vector<128x128xi32>
    %sign3A_12 = arith.cmpi slt, %iota3A, %sign3A_11 : vector<128x128xi32>
    %sign3A_13 = arith.extui %sign3A_12 : vector<128x128xi1> to vector<128x128xi32>
    %sign3A_14 = arith.subi %sign3A_9, %sign3A_13 : vector<128x128xi32>
    %sign3A_15 = arith.constant 0 : i32
    %sign3A_16 = arith.cmpi sgt, %jit3A, %sign3A_15 : i32
    %sign3A_17 = arith.extui %sign3A_16 : i1 to i32
    %sign3A_18 = arith.constant 0 : i32
    %sign3A_19 = arith.cmpi slt, %jit3A, %sign3A_18 : i32
    %sign3A_20 = arith.extui %sign3A_19 : i1 to i32
    %sign3A_21 = arith.subi %sign3A_17, %sign3A_20 : i32
    %ne3A = vector.broadcast %sign3A_21 : i32 to vector<128x128xi32>
    %ne3A_22 = arith.cmpi ne, %sign3A_14, %ne3A : vector<128x128xi32>
    %rem3A = vector.broadcast %jit3A : i32 to vector<128x128xi32>
    %rem3A_23 = arith.remsi %iota3A, %rem3A : vector<128x128xi32>
    %ne3A_24 = arith.constant 0 : i32
    %ne3A_25 = vector.broadcast %ne3A_24 : i32 to vector<128x128xi32>
    %ne3A_26 = arith.cmpi ne, %rem3A_23, %ne3A_25 : vector<128x128xi32>
    %and3A = arith.andi %ne3A_22, %ne3A_26 : vector<128x128xi1>
    %sub3A = arith.constant 1 : i32
    %sub3A_27 = vector.broadcast %sub3A : i32 to vector<128x128xi32>
    %sub3A_28 = arith.subi %div3A_6, %sub3A_27 : vector<128x128xi32>
    %select_n3A = arith.select %and3A, %sub3A_28, %div3A_6 : vector<128x128xi1>, vector<128x128xi32>
    %jit3A_29 = arith.constant 16 : i32
    %div3A_30 = vector.broadcast %jit3A_29 : i32 to vector<128x128xi32>
    %div3A_31 = arith.divsi %iota3A_5, %div3A_30 : vector<128x128xi32>
    %sign3A_32 = arith.constant 0 : i32
    %sign3A_33 = vector.broadcast %sign3A_32 : i32 to vector<128x128xi32>
    %sign3A_34 = arith.cmpi sgt, %iota3A_5, %sign3A_33 : vector<128x128xi32>
    %sign3A_35 = arith.extui %sign3A_34 : vector<128x128xi1> to vector<128x128xi32>
    %sign3A_36 = arith.constant 0 : i32
    %sign3A_37 = vector.broadcast %sign3A_36 : i32 to vector<128x128xi32>
    %sign3A_38 = arith.cmpi slt, %iota3A_5, %sign3A_37 : vector<128x128xi32>
    %sign3A_39 = arith.extui %sign3A_38 : vector<128x128xi1> to vector<128x128xi32>
    %sign3A_40 = arith.subi %sign3A_35, %sign3A_39 : vector<128x128xi32>
    %sign3A_41 = arith.constant 0 : i32
    %sign3A_42 = arith.cmpi sgt, %jit3A_29, %sign3A_41 : i32
    %sign3A_43 = arith.extui %sign3A_42 : i1 to i32
    %sign3A_44 = arith.constant 0 : i32
    %sign3A_45 = arith.cmpi slt, %jit3A_29, %sign3A_44 : i32
    %sign3A_46 = arith.extui %sign3A_45 : i1 to i32
    %sign3A_47 = arith.subi %sign3A_43, %sign3A_46 : i32
    %ne3A_48 = vector.broadcast %sign3A_47 : i32 to vector<128x128xi32>
    %ne3A_49 = arith.cmpi ne, %sign3A_40, %ne3A_48 : vector<128x128xi32>
    %rem3A_50 = vector.broadcast %jit3A_29 : i32 to vector<128x128xi32>
    %rem3A_51 = arith.remsi %iota3A_5, %rem3A_50 : vector<128x128xi32>
    %ne3A_52 = arith.constant 0 : i32
    %ne3A_53 = vector.broadcast %ne3A_52 : i32 to vector<128x128xi32>
    %ne3A_54 = arith.cmpi ne, %rem3A_51, %ne3A_53 : vector<128x128xi32>
    %and3A_55 = arith.andi %ne3A_49, %ne3A_54 : vector<128x128xi1>
    %sub3A_56 = arith.constant 1 : i32
    %sub3A_57 = vector.broadcast %sub3A_56 : i32 to vector<128x128xi32>
    %sub3A_58 = arith.subi %div3A_31, %sub3A_57 : vector<128x128xi32>
    %select_n3A_59 = arith.select %and3A_55, %sub3A_58, %div3A_31 : vector<128x128xi1>, vector<128x128xi32>
    %eq3A = arith.cmpi eq, %select_n3A, %select_n3A_59 : vector<128x128xi32>
    %convert_element_type3A = arith.extui %eq3A : vector<128x128xi1> to vector<128x128xi32>
    %convert_element_type3A_60 = arith.sitofp %convert_element_type3A : vector<128x128xi32> to vector<128x128xf32>
    %jit3A_61 = arith.constant 4 : i32
    %div3A_62 = vector.broadcast %jit3A_61 : i32 to vector<128x128xi32>
    %div3A_63 = arith.divsi %iota3A, %div3A_62 : vector<128x128xi32>
    %sign3A_64 = arith.constant 0 : i32
    %sign3A_65 = vector.broadcast %sign3A_64 : i32 to vector<128x128xi32>
    %sign3A_66 = arith.cmpi sgt, %iota3A, %sign3A_65 : vector<128x128xi32>
    %sign3A_67 = arith.extui %sign3A_66 : vector<128x128xi1> to vector<128x128xi32>
    %sign3A_68 = arith.constant 0 : i32
    %sign3A_69 = vector.broadcast %sign3A_68 : i32 to vector<128x128xi32>
    %sign3A_70 = arith.cmpi slt, %iota3A, %sign3A_69 : vector<128x128xi32>
    %sign3A_71 = arith.extui %sign3A_70 : vector<128x128xi1> to vector<128x128xi32>
    %sign3A_72 = arith.subi %sign3A_67, %sign3A_71 : vector<128x128xi32>
    %sign3A_73 = arith.constant 0 : i32
    %sign3A_74 = arith.cmpi sgt, %jit3A_61, %sign3A_73 : i32
    %sign3A_75 = arith.extui %sign3A_74 : i1 to i32
    %sign3A_76 = arith.constant 0 : i32
    %sign3A_77 = arith.cmpi slt, %jit3A_61, %sign3A_76 : i32
    %sign3A_78 = arith.extui %sign3A_77 : i1 to i32
    %sign3A_79 = arith.subi %sign3A_75, %sign3A_78 : i32
    %ne3A_80 = vector.broadcast %sign3A_79 : i32 to vector<128x128xi32>
    %ne3A_81 = arith.cmpi ne, %sign3A_72, %ne3A_80 : vector<128x128xi32>
    %rem3A_82 = vector.broadcast %jit3A_61 : i32 to vector<128x128xi32>
    %rem3A_83 = arith.remsi %iota3A, %rem3A_82 : vector<128x128xi32>
    %ne3A_84 = arith.constant 0 : i32
    %ne3A_85 = vector.broadcast %ne3A_84 : i32 to vector<128x128xi32>
    %ne3A_86 = arith.cmpi ne, %rem3A_83, %ne3A_85 : vector<128x128xi32>
    %and3A_87 = arith.andi %ne3A_81, %ne3A_86 : vector<128x128xi1>
    %sub3A_88 = arith.constant 1 : i32
    %sub3A_89 = vector.broadcast %sub3A_88 : i32 to vector<128x128xi32>
    %sub3A_90 = arith.subi %div3A_63, %sub3A_89 : vector<128x128xi32>
    %select_n3A_91 = arith.select %and3A_87, %sub3A_90, %div3A_63 : vector<128x128xi1>, vector<128x128xi32>
    %jit3A_92 = arith.constant 4 : i32
    %div3A_93 = vector.broadcast %jit3A_92 : i32 to vector<128x128xi32>
    %div3A_94 = arith.divsi %iota3A_5, %div3A_93 : vector<128x128xi32>
    %sign3A_95 = arith.constant 0 : i32
    %sign3A_96 = vector.broadcast %sign3A_95 : i32 to vector<128x128xi32>
    %sign3A_97 = arith.cmpi sgt, %iota3A_5, %sign3A_96 : vector<128x128xi32>
    %sign3A_98 = arith.extui %sign3A_97 : vector<128x128xi1> to vector<128x128xi32>
    %sign3A_99 = arith.constant 0 : i32
    %sign3A_100 = vector.broadcast %sign3A_99 : i32 to vector<128x128xi32>
    %sign3A_101 = arith.cmpi slt, %iota3A_5, %sign3A_100 : vector<128x128xi32>
    %sign3A_102 = arith.extui %sign3A_101 : vector<128x128xi1> to vector<128x128xi32>
    %sign3A_103 = arith.subi %sign3A_98, %sign3A_102 : vector<128x128xi32>
    %sign3A_104 = arith.constant 0 : i32
    %sign3A_105 = arith.cmpi sgt, %jit3A_92, %sign3A_104 : i32
    %sign3A_106 = arith.extui %sign3A_105 : i1 to i32
    %sign3A_107 = arith.constant 0 : i32
    %sign3A_108 = arith.cmpi slt, %jit3A_92, %sign3A_107 : i32
    %sign3A_109 = arith.extui %sign3A_108 : i1 to i32
    %sign3A_110 = arith.subi %sign3A_106, %sign3A_109 : i32
    %ne3A_111 = vector.broadcast %sign3A_110 : i32 to vector<128x128xi32>
    %ne3A_112 = arith.cmpi ne, %sign3A_103, %ne3A_111 : vector<128x128xi32>
    %rem3A_113 = vector.broadcast %jit3A_92 : i32 to vector<128x128xi32>
    %rem3A_114 = arith.remsi %iota3A_5, %rem3A_113 : vector<128x128xi32>
    %ne3A_115 = arith.constant 0 : i32
    %ne3A_116 = vector.broadcast %ne3A_115 : i32 to vector<128x128xi32>
    %ne3A_117 = arith.cmpi ne, %rem3A_114, %ne3A_116 : vector<128x128xi32>
    %and3A_118 = arith.andi %ne3A_112, %ne3A_117 : vector<128x128xi1>
    %sub3A_119 = arith.constant 1 : i32
    %sub3A_120 = vector.broadcast %sub3A_119 : i32 to vector<128x128xi32>
    %sub3A_121 = arith.subi %div3A_94, %sub3A_120 : vector<128x128xi32>
    %select_n3A_122 = arith.select %and3A_118, %sub3A_121, %div3A_94 : vector<128x128xi1>, vector<128x128xi32>
    %eq3A_123 = arith.cmpi eq, %select_n3A_91, %select_n3A_122 : vector<128x128xi32>
    %convert_element_type3A_124 = arith.extui %eq3A_123 : vector<128x128xi1> to vector<128x128xi32>
    %convert_element_type3A_125 = arith.sitofp %convert_element_type3A_124 : vector<128x128xi32> to vector<128x128xf32>
    %iota3A_126 = tpu.iota {dimensions = array<i32: 0>} : vector<8x128xi32>
    %iota3A_127 = tpu.iota {dimensions = array<i32: 1>} : vector<8x128xi32>
    %jit3A_128 = arith.constant 16 : i32
    %div3A_129 = vector.broadcast %jit3A_128 : i32 to vector<8x128xi32>
    %div3A_130 = arith.divsi %iota3A_127, %div3A_129 : vector<8x128xi32>
    %sign3A_131 = arith.constant 0 : i32
    %sign3A_132 = vector.broadcast %sign3A_131 : i32 to vector<8x128xi32>
    %sign3A_133 = arith.cmpi sgt, %iota3A_127, %sign3A_132 : vector<8x128xi32>
    %sign3A_134 = arith.extui %sign3A_133 : vector<8x128xi1> to vector<8x128xi32>
    %sign3A_135 = arith.constant 0 : i32
    %sign3A_136 = vector.broadcast %sign3A_135 : i32 to vector<8x128xi32>
    %sign3A_137 = arith.cmpi slt, %iota3A_127, %sign3A_136 : vector<8x128xi32>
    %sign3A_138 = arith.extui %sign3A_137 : vector<8x128xi1> to vector<8x128xi32>
    %sign3A_139 = arith.subi %sign3A_134, %sign3A_138 : vector<8x128xi32>
    %sign3A_140 = arith.constant 0 : i32
    %sign3A_141 = arith.cmpi sgt, %jit3A_128, %sign3A_140 : i32
    %sign3A_142 = arith.extui %sign3A_141 : i1 to i32
    %sign3A_143 = arith.constant 0 : i32
    %sign3A_144 = arith.cmpi slt, %jit3A_128, %sign3A_143 : i32
    %sign3A_145 = arith.extui %sign3A_144 : i1 to i32
    %sign3A_146 = arith.subi %sign3A_142, %sign3A_145 : i32
    %ne3A_147 = vector.broadcast %sign3A_146 : i32 to vector<8x128xi32>
    %ne3A_148 = arith.cmpi ne, %sign3A_139, %ne3A_147 : vector<8x128xi32>
    %rem3A_149 = vector.broadcast %jit3A_128 : i32 to vector<8x128xi32>
    %rem3A_150 = arith.remsi %iota3A_127, %rem3A_149 : vector<8x128xi32>
    %ne3A_151 = arith.constant 0 : i32
    %ne3A_152 = vector.broadcast %ne3A_151 : i32 to vector<8x128xi32>
    %ne3A_153 = arith.cmpi ne, %rem3A_150, %ne3A_152 : vector<8x128xi32>
    %and3A_154 = arith.andi %ne3A_148, %ne3A_153 : vector<8x128xi1>
    %sub3A_155 = arith.constant 1 : i32
    %sub3A_156 = vector.broadcast %sub3A_155 : i32 to vector<8x128xi32>
    %sub3A_157 = arith.subi %div3A_130, %sub3A_156 : vector<8x128xi32>
    %select_n3A_158 = arith.select %and3A_154, %sub3A_157, %div3A_130 : vector<8x128xi1>, vector<8x128xi32>
    %eq3A_159 = arith.cmpi eq, %iota3A_126, %select_n3A_158 : vector<8x128xi32>
    %convert_element_type3A_160 = arith.extui %eq3A_159 : vector<8x128xi1> to vector<8x128xi32>
    %convert_element_type3A_161 = arith.sitofp %convert_element_type3A_160 : vector<8x128xi32> to vector<8x128xf32>
    %get3A_162 = arith.constant 0 : index
    %get3A_163 = arith.constant 0 : index
    %get3A_164 = arith.constant 0 : index
    %get3A_165 = vector.load %arg1[%get3A_162, %get3A_163, %get3A_164] : memref<50x16x128xf32, #tpu.memory_space<vmem>>, vector<50x16x128xf32>
    %reshape3A = vector.shape_cast %get3A_165 : vector<50x16x128xf32> to vector<800x128xf32>
    %get3A_166 = arith.constant 0 : index
    %get3A_167 = arith.constant 0 : index
    %get3A_168 = vector.load %arg10[%get3A_166, %get3A_167] : memref<128x128xf32, #tpu.memory_space<vmem>>, vector<128x128xf32>
    %dot_general3A = arith.constant dense<0.000000e+00> : vector<800x128xf32>
    %dot_general3A_169 = tpu.matmul %reshape3A, %get3A_168, %dot_general3A {dimension_numbers = #tpu.dot_dimension_numbers<[1], [0], [0], [1], [0, 0, 1, 1], [], []>, transpose_lhs_hint = false} : vector<800x128xf32>, vector<128x128xf32>, vector<800x128xf32> -> vector<800x128xf32>
    %get3A_170 = arith.constant 0 : index
    %get3A_171 = arith.constant 0 : index
    %get3A_172 = vector.load %arg16[%get3A_170, %get3A_171] : memref<1x128xf32, #tpu.memory_space<vmem>>, vector<1x128xf32>
    %add3A = vector.broadcast %get3A_172 : vector<1x128xf32> to vector<800x128xf32>
    %add3A_173 = arith.addf %dot_general3A_169, %add3A : vector<800x128xf32>
    %reshape3A_174 = vector.shape_cast %add3A_173 : vector<800x128xf32> to vector<50x16x128xf32>
    %swap3A = arith.constant 0 : index
    %swap3A_175 = arith.constant 0 : index
    %swap3A_176 = arith.constant 0 : index
    %swap3A_177 = vector.load %arg42[%swap3A, %swap3A_175, %swap3A_176] : memref<50x16x128xf32, #tpu.memory_space<vmem>>, vector<50x16x128xf32>
    tpu.vector_store %arg42[%swap3A, %swap3A_175, %swap3A_176], %reshape3A_174 {strides = array<i32>} : memref<50x16x128xf32, #tpu.memory_space<vmem>>, vector<50x16x128xf32>,
    %get3A_178 = arith.constant 0 : index
    %get3A_179 = arith.constant 0 : index
    %get3A_180 = vector.load %arg11[%get3A_178, %get3A_179] : memref<128x128xf32, #tpu.memory_space<vmem>>, vector<128x128xf32>
    %dot_general3A_181 = arith.constant dense<0.000000e+00> : vector<800x128xf32>
    %dot_general3A_182 = tpu.matmul %reshape3A, %get3A_180, %dot_general3A_181 {dimension_numbers = #tpu.dot_dimension_numbers<[1], [0], [0], [1], [0, 0, 1, 1], [], []>, transpose_lhs_hint = false} : vector<800x128xf32>, vector<128x128xf32>, vector<800x128xf32> -> vector<800x128xf32>
    %get3A_183 = arith.constant 0 : index
    %get3A_184 = arith.constant 0 : index
    %get3A_185 = vector.load %arg17[%get3A_183, %get3A_184] : memref<1x128xf32, #tpu.memory_space<vmem>>, vector<1x128xf32>
    %add3A_186 = vector.broadcast %get3A_185 : vector<1x128xf32> to vector<800x128xf32>
    %add3A_187 = arith.addf %dot_general3A_182, %add3A_186 : vector<800x128xf32>
    %reshape3A_188 = vector.shape_cast %add3A_187 : vector<800x128xf32> to vector<50x16x128xf32>
    %swap3A_189 = arith.constant 0 : index
    %swap3A_190 = arith.constant 0 : index
    %swap3A_191 = arith.constant 0 : index
    %swap3A_192 = vector.load %arg43[%swap3A_189, %swap3A_190, %swap3A_191] : memref<50x16x128xf32, #tpu.memory_space<vmem>>, vector<50x16x128xf32>
    tpu.vector_store %arg43[%swap3A_189, %swap3A_190, %swap3A_191], %reshape3A_188 {strides = array<i32>} : memref<50x16x128xf32, #tpu.memory_space<vmem>>, vector<50x16x128xf32>,
    %get3A_193 = arith.constant 0 : index
    %get3A_194 = arith.constant 0 : index
    %get3A_195 = vector.load %arg12[%get3A_193, %get3A_194] : memref<128x128xf32, #tpu.memory_space<vmem>>, vector<128x128xf32>
    %dot_general3A_196 = arith.constant dense<0.000000e+00> : vector<800x128xf32>
    %dot_general3A_197 = tpu.matmul %reshape3A, %get3A_195, %dot_general3A_196 {dimension_numbers = #tpu.dot_dimension_numbers<[1], [0], [0], [1], [0, 0, 1, 1], [], []>, transpose_lhs_hint = false} : vector<800x128xf32>, vector<128x128xf32>, vector<800x128xf32> -> vector<800x128xf32>
    %get3A_198 = arith.constant 0 : index
    %get3A_199 = arith.constant 0 : index
    %get3A_200 = vector.load %arg18[%get3A_198, %get3A_199] : memref<1x128xf32, #tpu.memory_space<vmem>>, vector<1x128xf32>
    %add3A_201 = vector.broadcast %get3A_200 : vector<1x128xf32> to vector<800x128xf32>
    %add3A_202 = arith.addf %dot_general3A_197, %add3A_201 : vector<800x128xf32>
    %reshape3A_203 = vector.shape_cast %add3A_202 : vector<800x128xf32> to vector<50x16x128xf32>
    %swap3A_204 = arith.constant 0 : index
    %swap3A_205 = arith.constant 0 : index
    %swap3A_206 = arith.constant 0 : index
    %swap3A_207 = vector.load %arg44[%swap3A_204, %swap3A_205, %swap3A_206] : memref<50x16x128xf32, #tpu.memory_space<vmem>>, vector<50x16x128xf32>
    tpu.vector_store %arg44[%swap3A_204, %swap3A_205, %swap3A_206], %reshape3A_203 {strides = array<i32>} : memref<50x16x128xf32, #tpu.memory_space<vmem>>, vector<50x16x128xf32>,
    %get3A_208 = arith.constant 0 : index
    %get3A_209 = arith.constant 0 : index
    %get3A_210 = vector.load %arg13[%get3A_208, %get3A_209] : memref<128x128xf32, #tpu.memory_space<vmem>>, vector<128x128xf32>
    %get3A_211 = arith.constant 0 : index
    %get3A_212 = arith.constant 0 : index
    %get3A_213 = vector.load %arg14[%get3A_211, %get3A_212] : memref<128x128xf32, #tpu.memory_space<vmem>>, vector<128x128xf32>
    %get3A_214 = arith.constant 0 : index
    %get3A_215 = arith.constant 0 : index
    %get3A_216 = vector.load %arg15[%get3A_214, %get3A_215] : memref<128x128xf32, #tpu.memory_space<vmem>>, vector<128x128xf32>
    %get3A_217 = arith.constant 0 : index
    %get3A_218 = arith.constant 0 : index
    %get3A_219 = vector.load %arg19[%get3A_217, %get3A_218] : memref<1x128xf32, #tpu.memory_space<vmem>>, vector<1x128xf32>
    %get3A_220 = arith.constant 0 : index
    %get3A_221 = arith.constant 0 : index
    %get3A_222 = vector.load %arg20[%get3A_220, %get3A_221] : memref<1x128xf32, #tpu.memory_space<vmem>>, vector<1x128xf32>
    %get3A_223 = arith.constant 0 : index
    %get3A_224 = arith.constant 0 : index
    %get3A_225 = vector.load %arg21[%get3A_223, %get3A_224] : memref<1x128xf32, #tpu.memory_space<vmem>>, vector<1x128xf32>
    %broadcast_in_dim3A = arith.constant 0.000000e+00 : f32
    %broadcast_in_dim3A_226 = vector.broadcast %broadcast_in_dim3A : f32 to vector<16x128xf32>
    %scan3A = arith.constant 0 : i32
    %scan3A_227 = arith.constant 50 : i32
    %scan3A_228 = arith.addi %scan3A, %scan3A_227 : i32
    %scan3A_229 = arith.constant 1 : i32
    %scan3A_230 = scf.for %scan3A_585 = %scan3A to %scan3A_228 step %scan3A_229 iter_args(%scan3A_586 = %broadcast_in_dim3A_226) -> (vector<16x128xf32>)  : i32 {
      %get3A_587 = arith.index_cast %scan3A_585 : i32 to index
      %get3A_588 = arith.constant 0 : index
      %get3A_589 = arith.constant 0 : index
      %get3A_590 = vector.load %arg42[%get3A_587, %get3A_588, %get3A_589] : memref<50x16x128xf32, #tpu.memory_space<vmem>>, vector<1x16x128xf32>
      %reshape3A_591 = vector.shape_cast %get3A_590 : vector<1x16x128xf32> to vector<16x128xf32>
      %get3A_592 = arith.index_cast %scan3A_585 : i32 to index
      %get3A_593 = arith.constant 0 : index
      %get3A_594 = arith.constant 0 : index
      %get3A_595 = vector.load %arg43[%get3A_592, %get3A_593, %get3A_594] : memref<50x16x128xf32, #tpu.memory_space<vmem>>, vector<1x16x128xf32>
      %reshape3A_596 = vector.shape_cast %get3A_595 : vector<1x16x128xf32> to vector<16x128xf32>
      %get3A_597 = arith.index_cast %scan3A_585 : i32 to index
      %get3A_598 = arith.constant 0 : index
      %get3A_599 = arith.constant 0 : index
      %get3A_600 = vector.load %arg44[%get3A_597, %get3A_598, %get3A_599] : memref<50x16x128xf32, #tpu.memory_space<vmem>>, vector<1x16x128xf32>
      %reshape3A_601 = vector.shape_cast %get3A_600 : vector<1x16x128xf32> to vector<16x128xf32>
      %dot_general3A_602 = arith.constant dense<0.000000e+00> : vector<16x128xf32>
      %dot_general3A_603 = tpu.matmul %scan3A_586, %get3A_210, %dot_general3A_602 {dimension_numbers = #tpu.dot_dimension_numbers<[1], [0], [0], [1], [0, 0, 1, 1], [], []>, transpose_lhs_hint = false} : vector<16x128xf32>, vector<128x128xf32>, vector<16x128xf32> -> vector<16x128xf32>
      %add3A_604 = vector.broadcast %get3A_219 : vector<1x128xf32> to vector<16x128xf32>
      %add3A_605 = arith.addf %dot_general3A_603, %add3A_604 : vector<16x128xf32>
      %dot_general3A_606 = arith.constant dense<0.000000e+00> : vector<16x128xf32>
      %dot_general3A_607 = tpu.matmul %scan3A_586, %get3A_213, %dot_general3A_606 {dimension_numbers = #tpu.dot_dimension_numbers<[1], [0], [0], [1], [0, 0, 1, 1], [], []>, transpose_lhs_hint = false} : vector<16x128xf32>, vector<128x128xf32>, vector<16x128xf32> -> vector<16x128xf32>
      %add3A_608 = vector.broadcast %get3A_222 : vector<1x128xf32> to vector<16x128xf32>
      %add3A_609 = arith.addf %dot_general3A_607, %add3A_608 : vector<16x128xf32>
      %dot_general3A_610 = arith.constant dense<0.000000e+00> : vector<16x128xf32>
      %dot_general3A_611 = tpu.matmul %scan3A_586, %get3A_216, %dot_general3A_610 {dimension_numbers = #tpu.dot_dimension_numbers<[1], [0], [0], [1], [0, 0, 1, 1], [], []>, transpose_lhs_hint = false} : vector<16x128xf32>, vector<128x128xf32>, vector<16x128xf32> -> vector<16x128xf32>
      %add3A_612 = vector.broadcast %get3A_225 : vector<1x128xf32> to vector<16x128xf32>
      %add3A_613 = arith.addf %dot_general3A_611, %add3A_612 : vector<16x128xf32>
      %add3A_614 = arith.addf %reshape3A_591, %add3A_605 : vector<16x128xf32>
      %logistic3A = arith.negf %add3A_614 : vector<16x128xf32>
      %logistic3A_615 = math.exp %logistic3A : vector<16x128xf32>
      %logistic3A_616 = arith.constant 1.000000e+00 : f32
      %logistic3A_617 = vector.broadcast %logistic3A_616 : f32 to vector<16x128xf32>
      %logistic3A_618 = arith.addf %logistic3A_617, %logistic3A_615 : vector<16x128xf32>
      %logistic3A_619 = arith.divf %logistic3A_617, %logistic3A_618 : vector<16x128xf32>
      %add3A_620 = arith.addf %reshape3A_596, %add3A_609 : vector<16x128xf32>
      %logistic3A_621 = arith.negf %add3A_620 : vector<16x128xf32>
      %logistic3A_622 = math.exp %logistic3A_621 : vector<16x128xf32>
      %logistic3A_623 = arith.constant 1.000000e+00 : f32
      %logistic3A_624 = vector.broadcast %logistic3A_623 : f32 to vector<16x128xf32>
      %logistic3A_625 = arith.addf %logistic3A_624, %logistic3A_622 : vector<16x128xf32>
      %logistic3A_626 = arith.divf %logistic3A_624, %logistic3A_625 : vector<16x128xf32>
      %mul3A_627 = arith.mulf %logistic3A_619, %add3A_613 : vector<16x128xf32>
      %add3A_628 = arith.addf %reshape3A_601, %mul3A_627 : vector<16x128xf32>
      %tanh3A = math.tanh %add3A_628 : vector<16x128xf32>
      %sub3A_629 = arith.constant 1.000000e+00 : f32
      %sub3A_630 = vector.broadcast %sub3A_629 : f32 to vector<16x128xf32>
      %sub3A_631 = arith.subf %sub3A_630, %logistic3A_626 : vector<16x128xf32>
      %mul3A_632 = arith.mulf %sub3A_631, %tanh3A : vector<16x128xf32>
      %mul3A_633 = arith.mulf %logistic3A_626, %scan3A_586 : vector<16x128xf32>
      %add3A_634 = arith.addf %mul3A_632, %mul3A_633 : vector<16x128xf32>
      %reshape3A_635 = vector.shape_cast %add3A_634 : vector<16x128xf32> to vector<1x16x128xf32>
      %swap3A_636 = arith.index_cast %scan3A_585 : i32 to index
      %swap3A_637 = arith.constant 0 : index
      %swap3A_638 = arith.constant 0 : index
      %swap3A_639 = vector.load %arg45[%swap3A_636, %swap3A_637, %swap3A_638] : memref<50x16x128xf32, #tpu.memory_space<vmem>>, vector<1x16x128xf32>
      tpu.vector_store %arg45[%swap3A_636, %swap3A_637, %swap3A_638], %reshape3A_635 {strides = array<i32>} : memref<50x16x128xf32, #tpu.memory_space<vmem>>, vector<1x16x128xf32>,
      scf.yield %add3A_634 : vector<16x128xf32>
    }
    %scan3A_231 = arith.constant 50 : i32
    %get3A_232 = arith.constant 0 : index
    %get3A_233 = arith.constant 0 : index
    %get3A_234 = arith.constant 0 : index
    %get3A_235 = vector.load %arg45[%get3A_232, %get3A_233, %get3A_234] : memref<50x16x128xf32, #tpu.memory_space<vmem>>, vector<50x16x128xf32>
    %get3A_236 = arith.constant 0 : index
    %get3A_237 = arith.constant 0 : index
    %get3A_238 = vector.load %arg6[%get3A_236, %get3A_237] : memref<16x8xf32, #tpu.memory_space<vmem>>, vector<16x8xf32>
    %max3A = arith.constant 1.000000e+00 : f32
    %max3A_239 = vector.broadcast %max3A : f32 to vector<16x8xf32>
    %max3A_240 = arith.maximumf %get3A_238, %max3A_239 : vector<16x8xf32>
    %dot_general3A_241 = arith.constant dense<0.000000e+00> : vector<16x128xf32>
    %dot_general3A_242 = tpu.matmul %max3A_240, %convert_element_type3A_161, %dot_general3A_241 {dimension_numbers = #tpu.dot_dimension_numbers<[1], [0], [0], [1], [0, 0, 1, 1], [], []>, transpose_lhs_hint = false} : vector<16x8xf32>, vector<8x128xf32>, vector<16x128xf32> -> vector<16x128xf32>
    %iota3A_243 = tpu.iota {dimensions = array<i32: 0>} : vector<50x16x128xi32>
    %convert_element_type3A_244 = arith.sitofp %iota3A_243 : vector<50x16x128xi32> to vector<50x16x128xf32>
    %broadcast_in_dim3A_245 = vector.shape_cast %dot_general3A_242 : vector<16x128xf32> to vector<1x16x128xf32>
    %lt3A = vector.broadcast %broadcast_in_dim3A_245 : vector<1x16x128xf32> to vector<50x16x128xf32>
    %lt3A_246 = arith.cmpf olt, %convert_element_type3A_244, %lt3A : vector<50x16x128xf32>
    %broadcast_in_dim3A_247 = vector.shape_cast %get3A_1 : vector<16x128xf32> to vector<1x16x128xf32>
    %mul3A = vector.broadcast %broadcast_in_dim3A_247 : vector<1x16x128xf32> to vector<50x16x128xf32>
    %mul3A_248 = arith.mulf %get3A_235, %mul3A : vector<50x16x128xf32>
    %reshape3A_249 = vector.shape_cast %mul3A_248 : vector<50x16x128xf32> to vector<800x128xf32>
    %dot_general3A_250 = arith.constant dense<0.000000e+00> : vector<800x128xf32>
    %dot_general3A_251 = tpu.matmul %reshape3A_249, %convert_element_type3A_60, %dot_general3A_250 {dimension_numbers = #tpu.dot_dimension_numbers<[1], [0], [0], [1], [0, 0, 1, 1], [], []>, transpose_lhs_hint = false} : vector<800x128xf32>, vector<128x128xf32>, vector<800x128xf32> -> vector<800x128xf32>
    %mul3A_252 = arith.constant 2.500000e-01 : f32
    %mul3A_253 = vector.broadcast %mul3A_252 : f32 to vector<800x128xf32>
    %mul3A_254 = arith.mulf %dot_general3A_251, %mul3A_253 : vector<800x128xf32>
    %reshape3A_255 = vector.shape_cast %mul3A_254 : vector<800x128xf32> to vector<50x16x128xf32>
    %jit3A_256 = arith.constant -1.000000e+09 : f32
    %broadcast_in_dim3A_257 = vector.broadcast %jit3A_256 : f32 to vector<50x16x128xf32>
    %select_n3A_258 = arith.select %lt3A_246, %reshape3A_255, %broadcast_in_dim3A_257 : vector<50x16x128xi1>, vector<50x16x128xf32>
    %reduce_max3A = arith.constant dense<0xFF800000> : vector<16x128xf32>
    %reduce_max3A_259 = vector.multi_reduction <maximumf>, %select_n3A_258, %reduce_max3A [0] : vector<50x16x128xf32> to vector<16x128xf32>
    %broadcast_in_dim3A_260 = vector.shape_cast %reduce_max3A_259 : vector<16x128xf32> to vector<1x16x128xf32>
    %sub3A_261 = vector.broadcast %broadcast_in_dim3A_260 : vector<1x16x128xf32> to vector<50x16x128xf32>
    %sub3A_262 = arith.subf %select_n3A_258, %sub3A_261 : vector<50x16x128xf32>
    %exp3A = math.exp %sub3A_262 : vector<50x16x128xf32>
    %reduce_sum3A = arith.constant dense<0.000000e+00> : vector<16x128xf32>
    %reduce_sum3A_263 = vector.multi_reduction <add>, %exp3A, %reduce_sum3A [0] : vector<50x16x128xf32> to vector<16x128xf32>
    %broadcast_in_dim3A_264 = vector.shape_cast %reduce_sum3A_263 : vector<16x128xf32> to vector<1x16x128xf32>
    %div3A_265 = vector.broadcast %broadcast_in_dim3A_264 : vector<1x16x128xf32> to vector<50x16x128xf32>
    %div3A_266 = arith.divf %exp3A, %div3A_265 : vector<50x16x128xf32>
    %mul3A_267 = arith.mulf %div3A_266, %get3A_235 : vector<50x16x128xf32>
    %reduce_sum3A_268 = arith.constant dense<0.000000e+00> : vector<16x128xf32>
    %reduce_sum3A_269 = vector.multi_reduction <add>, %mul3A_267, %reduce_sum3A_268 [0] : vector<50x16x128xf32> to vector<16x128xf32>
    %broadcast_in_dim3A_270 = vector.shape_cast %get3A_4 : vector<16x128xf32> to vector<1x16x128xf32>
    %mul3A_271 = vector.broadcast %broadcast_in_dim3A_270 : vector<1x16x128xf32> to vector<50x16x128xf32>
    %mul3A_272 = arith.mulf %get3A_235, %mul3A_271 : vector<50x16x128xf32>
    %reshape3A_273 = vector.shape_cast %mul3A_272 : vector<50x16x128xf32> to vector<800x128xf32>
    %dot_general3A_274 = arith.constant dense<0.000000e+00> : vector<800x128xf32>
    %dot_general3A_275 = tpu.matmul %reshape3A_273, %convert_element_type3A_60, %dot_general3A_274 {dimension_numbers = #tpu.dot_dimension_numbers<[1], [0], [0], [1], [0, 0, 1, 1], [], []>, transpose_lhs_hint = false} : vector<800x128xf32>, vector<128x128xf32>, vector<800x128xf32> -> vector<800x128xf32>
    %mul3A_276 = arith.constant 2.500000e-01 : f32
    %mul3A_277 = vector.broadcast %mul3A_276 : f32 to vector<800x128xf32>
    %mul3A_278 = arith.mulf %dot_general3A_275, %mul3A_277 : vector<800x128xf32>
    %reshape3A_279 = vector.shape_cast %mul3A_278 : vector<800x128xf32> to vector<50x16x128xf32>
    %jit3A_280 = arith.constant -1.000000e+09 : f32
    %broadcast_in_dim3A_281 = vector.broadcast %jit3A_280 : f32 to vector<50x16x128xf32>
    %select_n3A_282 = arith.select %lt3A_246, %reshape3A_279, %broadcast_in_dim3A_281 : vector<50x16x128xi1>, vector<50x16x128xf32>
    %reduce_max3A_283 = arith.constant dense<0xFF800000> : vector<16x128xf32>
    %reduce_max3A_284 = vector.multi_reduction <maximumf>, %select_n3A_282, %reduce_max3A_283 [0] : vector<50x16x128xf32> to vector<16x128xf32>
    %broadcast_in_dim3A_285 = vector.shape_cast %reduce_max3A_284 : vector<16x128xf32> to vector<1x16x128xf32>
    %sub3A_286 = vector.broadcast %broadcast_in_dim3A_285 : vector<1x16x128xf32> to vector<50x16x128xf32>
    %sub3A_287 = arith.subf %select_n3A_282, %sub3A_286 : vector<50x16x128xf32>
    %exp3A_288 = math.exp %sub3A_287 : vector<50x16x128xf32>
    %reduce_sum3A_289 = arith.constant dense<0.000000e+00> : vector<16x128xf32>
    %reduce_sum3A_290 = vector.multi_reduction <add>, %exp3A_288, %reduce_sum3A_289 [0] : vector<50x16x128xf32> to vector<16x128xf32>
    %broadcast_in_dim3A_291 = vector.shape_cast %reduce_sum3A_290 : vector<16x128xf32> to vector<1x16x128xf32>
    %div3A_292 = vector.broadcast %broadcast_in_dim3A_291 : vector<1x16x128xf32> to vector<50x16x128xf32>
    %div3A_293 = arith.divf %exp3A_288, %div3A_292 : vector<50x16x128xf32>
    %mul3A_294 = arith.mulf %div3A_293, %get3A_235 : vector<50x16x128xf32>
    %reduce_sum3A_295 = arith.constant dense<0.000000e+00> : vector<16x128xf32>
    %reduce_sum3A_296 = vector.multi_reduction <add>, %mul3A_294, %reduce_sum3A_295 [0] : vector<50x16x128xf32> to vector<16x128xf32>
    %get3A_297 = arith.constant 0 : index
    %get3A_298 = arith.constant 0 : index
    %get3A_299 = arith.constant 0 : index
    %get3A_300 = vector.load %arg3[%get3A_297, %get3A_298, %get3A_299] : memref<200x16x8xf32, #tpu.memory_space<vmem>>, vector<200x16x8xf32>
    %reshape3A_301 = vector.shape_cast %get3A_300 : vector<200x16x8xf32> to vector<3200x8xf32>
    %dot_general3A_302 = arith.constant dense<0.000000e+00> : vector<3200x128xf32>
    %dot_general3A_303 = tpu.matmul %reshape3A_301, %convert_element_type3A_161, %dot_general3A_302 {dimension_numbers = #tpu.dot_dimension_numbers<[1], [0], [0], [1], [0, 0, 1, 1], [], []>, transpose_lhs_hint = false} : vector<3200x8xf32>, vector<8x128xf32>, vector<3200x128xf32> -> vector<3200x128xf32>
    %reshape3A_304 = vector.shape_cast %dot_general3A_303 : vector<3200x128xf32> to vector<200x16x128xf32>
    %get3A_305 = arith.constant 0 : index
    %get3A_306 = arith.constant 0 : index
    %get3A_307 = arith.constant 0 : index
    %get3A_308 = vector.load %arg2[%get3A_305, %get3A_306, %get3A_307] : memref<200x16x128xf32, #tpu.memory_space<vmem>>, vector<200x16x128xf32>
    %get3A_309 = arith.constant 0 : index
    %get3A_310 = arith.constant 0 : index
    %get3A_311 = vector.load %arg8[%get3A_309, %get3A_310] : memref<1x128xf32, #tpu.memory_space<vmem>>, vector<1x128xf32>
    %broadcast_in_dim3A_312 = vector.shape_cast %get3A_311 : vector<1x128xf32> to vector<1x1x128xf32>
    %mul3A_313 = vector.broadcast %broadcast_in_dim3A_312 : vector<1x1x128xf32> to vector<200x16x128xf32>
    %mul3A_314 = arith.mulf %reshape3A_304, %mul3A_313 : vector<200x16x128xf32>
    %add3A_315 = arith.addf %get3A_308, %mul3A_314 : vector<200x16x128xf32>
    %get3A_316 = arith.constant 0 : index
    %get3A_317 = arith.constant 0 : index
    %get3A_318 = vector.load %arg9[%get3A_316, %get3A_317] : memref<1x128xf32, #tpu.memory_space<vmem>>, vector<1x128xf32>
    %broadcast_in_dim3A_319 = vector.shape_cast %get3A_318 : vector<1x128xf32> to vector<1x1x128xf32>
    %add3A_320 = vector.broadcast %broadcast_in_dim3A_319 : vector<1x1x128xf32> to vector<200x16x128xf32>
    %add3A_321 = arith.addf %add3A_315, %add3A_320 : vector<200x16x128xf32>
    %reshape3A_322 = vector.shape_cast %add3A_321 : vector<200x16x128xf32> to vector<3200x128xf32>
    %get3A_323 = arith.constant 0 : index
    %get3A_324 = arith.constant 0 : index
    %get3A_325 = vector.load %arg24[%get3A_323, %get3A_324] : memref<128x128xf32, #tpu.memory_space<vmem>>, vector<128x128xf32>
    %dot_general3A_326 = arith.constant dense<0.000000e+00> : vector<3200x128xf32>
    %dot_general3A_327 = tpu.matmul %reshape3A_322, %get3A_325, %dot_general3A_326 {dimension_numbers = #tpu.dot_dimension_numbers<[1], [0], [0], [1], [0, 0, 1, 1], [], []>, transpose_lhs_hint = false} : vector<3200x128xf32>, vector<128x128xf32>, vector<3200x128xf32> -> vector<3200x128xf32>
    %get3A_328 = arith.constant 0 : index
    %get3A_329 = arith.constant 0 : index
    %get3A_330 = vector.load %arg25[%get3A_328, %get3A_329] : memref<1x128xf32, #tpu.memory_space<vmem>>, vector<1x128xf32>
    %add3A_331 = vector.broadcast %get3A_330 : vector<1x128xf32> to vector<3200x128xf32>
    %add3A_332 = arith.addf %dot_general3A_327, %add3A_331 : vector<3200x128xf32>
    %reshape3A_333 = vector.shape_cast %add3A_332 : vector<3200x128xf32> to vector<200x16x128xf32>
    %get3A_334 = arith.constant 0 : index
    %get3A_335 = arith.constant 0 : index
    %get3A_336 = vector.load %arg26[%get3A_334, %get3A_335] : memref<128x128xf32, #tpu.memory_space<vmem>>, vector<128x128xf32>
    %dot_general3A_337 = arith.constant dense<0.000000e+00> : vector<3200x128xf32>
    %dot_general3A_338 = tpu.matmul %reshape3A_322, %get3A_336, %dot_general3A_337 {dimension_numbers = #tpu.dot_dimension_numbers<[1], [0], [0], [1], [0, 0, 1, 1], [], []>, transpose_lhs_hint = false} : vector<3200x128xf32>, vector<128x128xf32>, vector<3200x128xf32> -> vector<3200x128xf32>
    %get3A_339 = arith.constant 0 : index
    %get3A_340 = arith.constant 0 : index
    %get3A_341 = vector.load %arg27[%get3A_339, %get3A_340] : memref<1x128xf32, #tpu.memory_space<vmem>>, vector<1x128xf32>
    %add3A_342 = vector.broadcast %get3A_341 : vector<1x128xf32> to vector<3200x128xf32>
    %add3A_343 = arith.addf %dot_general3A_338, %add3A_342 : vector<3200x128xf32>
    %reshape3A_344 = vector.shape_cast %add3A_343 : vector<3200x128xf32> to vector<200x16x128xf32>
    %get3A_345 = arith.constant 0 : index
    %get3A_346 = arith.constant 0 : index
    %get3A_347 = vector.load %arg7[%get3A_345, %get3A_346] : memref<16x8xf32, #tpu.memory_space<vmem>>, vector<16x8xf32>
    %max3A_348 = arith.constant 1.000000e+00 : f32
    %max3A_349 = vector.broadcast %max3A_348 : f32 to vector<16x8xf32>
    %max3A_350 = arith.maximumf %get3A_347, %max3A_349 : vector<16x8xf32>
    %dot_general3A_351 = arith.constant dense<0.000000e+00> : vector<16x128xf32>
    %dot_general3A_352 = tpu.matmul %max3A_350, %convert_element_type3A_161, %dot_general3A_351 {dimension_numbers = #tpu.dot_dimension_numbers<[1], [0], [0], [1], [0, 0, 1, 1], [], []>, transpose_lhs_hint = false} : vector<16x8xf32>, vector<8x128xf32>, vector<16x128xf32> -> vector<16x128xf32>
    %iota3A_353 = tpu.iota {dimensions = array<i32: 0>} : vector<200x16x128xi32>
    %convert_element_type3A_354 = arith.sitofp %iota3A_353 : vector<200x16x128xi32> to vector<200x16x128xf32>
    %broadcast_in_dim3A_355 = vector.shape_cast %dot_general3A_352 : vector<16x128xf32> to vector<1x16x128xf32>
    %lt3A_356 = vector.broadcast %broadcast_in_dim3A_355 : vector<1x16x128xf32> to vector<200x16x128xf32>
    %lt3A_357 = arith.cmpf olt, %convert_element_type3A_354, %lt3A_356 : vector<200x16x128xf32>
    %get3A_358 = arith.constant 0 : index
    %get3A_359 = arith.constant 0 : index
    %get3A_360 = vector.load %arg22[%get3A_358, %get3A_359] : memref<128x128xf32, #tpu.memory_space<vmem>>, vector<128x128xf32>
    %dot_general3A_361 = arith.constant dense<0.000000e+00> : vector<16x128xf32>
    %dot_general3A_362 = tpu.matmul %get3A_1, %get3A_360, %dot_general3A_361 {dimension_numbers = #tpu.dot_dimension_numbers<[1], [0], [0], [1], [0, 0, 1, 1], [], []>, transpose_lhs_hint = false} : vector<16x128xf32>, vector<128x128xf32>, vector<16x128xf32> -> vector<16x128xf32>
    %get3A_363 = arith.constant 0 : index
    %get3A_364 = arith.constant 0 : index
    %get3A_365 = vector.load %arg23[%get3A_363, %get3A_364] : memref<1x128xf32, #tpu.memory_space<vmem>>, vector<1x128xf32>
    %add3A_366 = vector.broadcast %get3A_365 : vector<1x128xf32> to vector<16x128xf32>
    %add3A_367 = arith.addf %dot_general3A_362, %add3A_366 : vector<16x128xf32>
    %broadcast_in_dim3A_368 = vector.shape_cast %add3A_367 : vector<16x128xf32> to vector<1x16x128xf32>
    %mul3A_369 = vector.broadcast %broadcast_in_dim3A_368 : vector<1x16x128xf32> to vector<200x16x128xf32>
    %mul3A_370 = arith.mulf %reshape3A_333, %mul3A_369 : vector<200x16x128xf32>
    %reshape3A_371 = vector.shape_cast %mul3A_370 : vector<200x16x128xf32> to vector<3200x128xf32>
    %dot_general3A_372 = arith.constant dense<0.000000e+00> : vector<3200x128xf32>
    %dot_general3A_373 = tpu.matmul %reshape3A_371, %convert_element_type3A_125, %dot_general3A_372 {dimension_numbers = #tpu.dot_dimension_numbers<[1], [0], [0], [1], [0, 0, 1, 1], [], []>, transpose_lhs_hint = false} : vector<3200x128xf32>, vector<128x128xf32>, vector<3200x128xf32> -> vector<3200x128xf32>
    %mul3A_374 = arith.constant 5.000000e-01 : f32
    %mul3A_375 = vector.broadcast %mul3A_374 : f32 to vector<3200x128xf32>
    %mul3A_376 = arith.mulf %dot_general3A_373, %mul3A_375 : vector<3200x128xf32>
    %reshape3A_377 = vector.shape_cast %mul3A_376 : vector<3200x128xf32> to vector<200x16x128xf32>
    %jit3A_378 = arith.constant -1.000000e+09 : f32
    %broadcast_in_dim3A_379 = vector.broadcast %jit3A_378 : f32 to vector<200x16x128xf32>
    %select_n3A_380 = arith.select %lt3A_357, %reshape3A_377, %broadcast_in_dim3A_379 : vector<200x16x128xi1>, vector<200x16x128xf32>
    %reduce_max3A_381 = arith.constant dense<0xFF800000> : vector<16x128xf32>
    %reduce_max3A_382 = vector.multi_reduction <maximumf>, %select_n3A_380, %reduce_max3A_381 [0] : vector<200x16x128xf32> to vector<16x128xf32>
    %broadcast_in_dim3A_383 = vector.shape_cast %reduce_max3A_382 : vector<16x128xf32> to vector<1x16x128xf32>
    %sub3A_384 = vector.broadcast %broadcast_in_dim3A_383 : vector<1x16x128xf32> to vector<200x16x128xf32>
    %sub3A_385 = arith.subf %select_n3A_380, %sub3A_384 : vector<200x16x128xf32>
    %exp3A_386 = math.exp %sub3A_385 : vector<200x16x128xf32>
    %reduce_sum3A_387 = arith.constant dense<0.000000e+00> : vector<16x128xf32>
    %reduce_sum3A_388 = vector.multi_reduction <add>, %exp3A_386, %reduce_sum3A_387 [0] : vector<200x16x128xf32> to vector<16x128xf32>
    %broadcast_in_dim3A_389 = vector.shape_cast %reduce_sum3A_388 : vector<16x128xf32> to vector<1x16x128xf32>
    %div3A_390 = vector.broadcast %broadcast_in_dim3A_389 : vector<1x16x128xf32> to vector<200x16x128xf32>
    %div3A_391 = arith.divf %exp3A_386, %div3A_390 : vector<200x16x128xf32>
    %mul3A_392 = arith.mulf %div3A_391, %reshape3A_344 : vector<200x16x128xf32>
    %reduce_sum3A_393 = arith.constant dense<0.000000e+00> : vector<16x128xf32>
    %reduce_sum3A_394 = vector.multi_reduction <add>, %mul3A_392, %reduce_sum3A_393 [0] : vector<200x16x128xf32> to vector<16x128xf32>
    %get3A_395 = arith.constant 0 : index
    %get3A_396 = arith.constant 0 : index
    %get3A_397 = vector.load %arg28[%get3A_395, %get3A_396] : memref<128x128xf32, #tpu.memory_space<vmem>>, vector<128x128xf32>
    %dot_general3A_398 = arith.constant dense<0.000000e+00> : vector<16x128xf32>
    %dot_general3A_399 = tpu.matmul %reduce_sum3A_394, %get3A_397, %dot_general3A_398 {dimension_numbers = #tpu.dot_dimension_numbers<[1], [0], [0], [1], [0, 0, 1, 1], [], []>, transpose_lhs_hint = false} : vector<16x128xf32>, vector<128x128xf32>, vector<16x128xf32> -> vector<16x128xf32>
    %get3A_400 = arith.constant 0 : index
    %get3A_401 = arith.constant 0 : index
    %get3A_402 = vector.load %arg29[%get3A_400, %get3A_401] : memref<1x128xf32, #tpu.memory_space<vmem>>, vector<1x128xf32>
    %add3A_403 = vector.broadcast %get3A_402 : vector<1x128xf32> to vector<16x128xf32>
    %add3A_404 = arith.addf %dot_general3A_399, %add3A_403 : vector<16x128xf32>
    %get3A_405 = arith.constant 0 : index
    %get3A_406 = arith.constant 0 : index
    %get3A_407 = vector.load %arg22[%get3A_405, %get3A_406] : memref<128x128xf32, #tpu.memory_space<vmem>>, vector<128x128xf32>
    %dot_general3A_408 = arith.constant dense<0.000000e+00> : vector<16x128xf32>
    %dot_general3A_409 = tpu.matmul %get3A_4, %get3A_407, %dot_general3A_408 {dimension_numbers = #tpu.dot_dimension_numbers<[1], [0], [0], [1], [0, 0, 1, 1], [], []>, transpose_lhs_hint = false} : vector<16x128xf32>, vector<128x128xf32>, vector<16x128xf32> -> vector<16x128xf32>
    %get3A_410 = arith.constant 0 : index
    %get3A_411 = arith.constant 0 : index
    %get3A_412 = vector.load %arg23[%get3A_410, %get3A_411] : memref<1x128xf32, #tpu.memory_space<vmem>>, vector<1x128xf32>
    %add3A_413 = vector.broadcast %get3A_412 : vector<1x128xf32> to vector<16x128xf32>
    %add3A_414 = arith.addf %dot_general3A_409, %add3A_413 : vector<16x128xf32>
    %broadcast_in_dim3A_415 = vector.shape_cast %add3A_414 : vector<16x128xf32> to vector<1x16x128xf32>
    %mul3A_416 = vector.broadcast %broadcast_in_dim3A_415 : vector<1x16x128xf32> to vector<200x16x128xf32>
    %mul3A_417 = arith.mulf %reshape3A_333, %mul3A_416 : vector<200x16x128xf32>
    %reshape3A_418 = vector.shape_cast %mul3A_417 : vector<200x16x128xf32> to vector<3200x128xf32>
    %dot_general3A_419 = arith.constant dense<0.000000e+00> : vector<3200x128xf32>
    %dot_general3A_420 = tpu.matmul %reshape3A_418, %convert_element_type3A_125, %dot_general3A_419 {dimension_numbers = #tpu.dot_dimension_numbers<[1], [0], [0], [1], [0, 0, 1, 1], [], []>, transpose_lhs_hint = false} : vector<3200x128xf32>, vector<128x128xf32>, vector<3200x128xf32> -> vector<3200x128xf32>
    %mul3A_421 = arith.constant 5.000000e-01 : f32
    %mul3A_422 = vector.broadcast %mul3A_421 : f32 to vector<3200x128xf32>
    %mul3A_423 = arith.mulf %dot_general3A_420, %mul3A_422 : vector<3200x128xf32>
    %reshape3A_424 = vector.shape_cast %mul3A_423 : vector<3200x128xf32> to vector<200x16x128xf32>
    %jit3A_425 = arith.constant -1.000000e+09 : f32
    %broadcast_in_dim3A_426 = vector.broadcast %jit3A_425 : f32 to vector<200x16x128xf32>
    %select_n3A_427 = arith.select %lt3A_357, %reshape3A_424, %broadcast_in_dim3A_426 : vector<200x16x128xi1>, vector<200x16x128xf32>
    %reduce_max3A_428 = arith.constant dense<0xFF800000> : vector<16x128xf32>
    %reduce_max3A_429 = vector.multi_reduction <maximumf>, %select_n3A_427, %reduce_max3A_428 [0] : vector<200x16x128xf32> to vector<16x128xf32>
    %broadcast_in_dim3A_430 = vector.shape_cast %reduce_max3A_429 : vector<16x128xf32> to vector<1x16x128xf32>
    %sub3A_431 = vector.broadcast %broadcast_in_dim3A_430 : vector<1x16x128xf32> to vector<200x16x128xf32>
    %sub3A_432 = arith.subf %select_n3A_427, %sub3A_431 : vector<200x16x128xf32>
    %exp3A_433 = math.exp %sub3A_432 : vector<200x16x128xf32>
    %reduce_sum3A_434 = arith.constant dense<0.000000e+00> : vector<16x128xf32>
    %reduce_sum3A_435 = vector.multi_reduction <add>, %exp3A_433, %reduce_sum3A_434 [0] : vector<200x16x128xf32> to vector<16x128xf32>
    %broadcast_in_dim3A_436 = vector.shape_cast %reduce_sum3A_435 : vector<16x128xf32> to vector<1x16x128xf32>
    %div3A_437 = vector.broadcast %broadcast_in_dim3A_436 : vector<1x16x128xf32> to vector<200x16x128xf32>
    %div3A_438 = arith.divf %exp3A_433, %div3A_437 : vector<200x16x128xf32>
    %mul3A_439 = arith.mulf %div3A_438, %reshape3A_344 : vector<200x16x128xf32>
    %reduce_sum3A_440 = arith.constant dense<0.000000e+00> : vector<16x128xf32>
    %reduce_sum3A_441 = vector.multi_reduction <add>, %mul3A_439, %reduce_sum3A_440 [0] : vector<200x16x128xf32> to vector<16x128xf32>
    %get3A_442 = arith.constant 0 : index
    %get3A_443 = arith.constant 0 : index
    %get3A_444 = vector.load %arg28[%get3A_442, %get3A_443] : memref<128x128xf32, #tpu.memory_space<vmem>>, vector<128x128xf32>
    %dot_general3A_445 = arith.constant dense<0.000000e+00> : vector<16x128xf32>
    %dot_general3A_446 = tpu.matmul %reduce_sum3A_441, %get3A_444, %dot_general3A_445 {dimension_numbers = #tpu.dot_dimension_numbers<[1], [0], [0], [1], [0, 0, 1, 1], [], []>, transpose_lhs_hint = false} : vector<16x128xf32>, vector<128x128xf32>, vector<16x128xf32> -> vector<16x128xf32>
    %get3A_447 = arith.constant 0 : index
    %get3A_448 = arith.constant 0 : index
    %get3A_449 = vector.load %arg29[%get3A_447, %get3A_448] : memref<1x128xf32, #tpu.memory_space<vmem>>, vector<1x128xf32>
    %add3A_450 = vector.broadcast %get3A_449 : vector<1x128xf32> to vector<16x128xf32>
    %add3A_451 = arith.addf %dot_general3A_446, %add3A_450 : vector<16x128xf32>
    %get3A_452 = arith.constant 0 : index
    %get3A_453 = arith.constant 0 : index
    %get3A_454 = vector.load %arg34[%get3A_452, %get3A_453] : memref<1x1xf32, #tpu.memory_space<vmem>>, vector<1x1xf32>
    %get3A_455 = vector.extract %get3A_454[0, 0] : f32 from vector<1x1xf32>
    %get3A_456 = arith.constant 0 : index
    %get3A_457 = arith.constant 0 : index
    %get3A_458 = vector.load %arg37[%get3A_456, %get3A_457] : memref<1x1xf32, #tpu.memory_space<vmem>>, vector<1x1xf32>
    %get3A_459 = vector.extract %get3A_458[0, 0] : f32 from vector<1x1xf32>
    %get3A_460 = arith.constant 0 : index
    %get3A_461 = arith.constant 0 : index
    %get3A_462 = vector.load %arg30[%get3A_460, %get3A_461] : memref<128x1600xf32, #tpu.memory_space<vmem>>, vector<128x1600xf32>
    %dot_general3A_463 = arith.constant dense<0.000000e+00> : vector<16x1600xf32>
    %dot_general3A_464 = tpu.matmul %get3A_1, %get3A_462, %dot_general3A_463 {dimension_numbers = #tpu.dot_dimension_numbers<[1], [0], [0], [1], [0, 0, 1, 1], [], []>, transpose_lhs_hint = false} : vector<16x128xf32>, vector<128x1600xf32>, vector<16x1600xf32> -> vector<16x1600xf32>
    %get3A_465 = arith.constant 0 : index
    %get3A_466 = arith.constant 0 : index
    %get3A_467 = vector.load %arg31[%get3A_465, %get3A_466] : memref<128x1600xf32, #tpu.memory_space<vmem>>, vector<128x1600xf32>
    %dot_general3A_468 = arith.constant dense<0.000000e+00> : vector<16x1600xf32>
    %dot_general3A_469 = tpu.matmul %reduce_sum3A_269, %get3A_467, %dot_general3A_468 {dimension_numbers = #tpu.dot_dimension_numbers<[1], [0], [0], [1], [0, 0, 1, 1], [], []>, transpose_lhs_hint = false} : vector<16x128xf32>, vector<128x1600xf32>, vector<16x1600xf32> -> vector<16x1600xf32>
    %add3A_470 = arith.addf %dot_general3A_464, %dot_general3A_469 : vector<16x1600xf32>
    %get3A_471 = arith.constant 0 : index
    %get3A_472 = arith.constant 0 : index
    %get3A_473 = vector.load %arg32[%get3A_471, %get3A_472] : memref<128x1600xf32, #tpu.memory_space<vmem>>, vector<128x1600xf32>
    %dot_general3A_474 = arith.constant dense<0.000000e+00> : vector<16x1600xf32>
    %dot_general3A_475 = tpu.matmul %add3A_404, %get3A_473, %dot_general3A_474 {dimension_numbers = #tpu.dot_dimension_numbers<[1], [0], [0], [1], [0, 0, 1, 1], [], []>, transpose_lhs_hint = false} : vector<16x128xf32>, vector<128x1600xf32>, vector<16x1600xf32> -> vector<16x1600xf32>
    %add3A_476 = arith.addf %add3A_470, %dot_general3A_475 : vector<16x1600xf32>
    %get3A_477 = arith.constant 0 : index
    %get3A_478 = arith.constant 0 : index
    %get3A_479 = vector.load %arg33[%get3A_477, %get3A_478] : memref<1x1600xf32, #tpu.memory_space<vmem>>, vector<1x1600xf32>
    %add3A_480 = vector.broadcast %get3A_479 : vector<1x1600xf32> to vector<16x1600xf32>
    %add3A_481 = arith.addf %add3A_476, %add3A_480 : vector<16x1600xf32>
    %max3A_482 = arith.constant 0.000000e+00 : f32
    %max3A_483 = vector.broadcast %max3A_482 : f32 to vector<16x1600xf32>
    %max3A_484 = arith.maximumf %add3A_481, %max3A_483 : vector<16x1600xf32>
    %min3A = arith.constant 0.000000e+00 : f32
    %min3A_485 = vector.broadcast %min3A : f32 to vector<16x1600xf32>
    %min3A_486 = arith.minimumf %add3A_481, %min3A_485 : vector<16x1600xf32>
    %mul3A_487 = vector.broadcast %get3A_455 : f32 to vector<16x1600xf32>
    %mul3A_488 = arith.mulf %mul3A_487, %min3A_486 : vector<16x1600xf32>
    %add3A_489 = arith.addf %max3A_484, %mul3A_488 : vector<16x1600xf32>
    %get3A_490 = arith.constant 0 : index
    %get3A_491 = arith.constant 0 : index
    %get3A_492 = vector.load %arg35[%get3A_490, %get3A_491] : memref<1600x640xf32, #tpu.memory_space<vmem>>, vector<1600x640xf32>
    %dot_general3A_493 = arith.constant dense<0.000000e+00> : vector<16x640xf32>
    %dot_general3A_494 = tpu.matmul %add3A_489, %get3A_492, %dot_general3A_493 {dimension_numbers = #tpu.dot_dimension_numbers<[1], [0], [0], [1], [0, 0, 1, 1], [], []>, transpose_lhs_hint = false} : vector<16x1600xf32>, vector<1600x640xf32>, vector<16x640xf32> -> vector<16x640xf32>
    %get3A_495 = arith.constant 0 : index
    %get3A_496 = arith.constant 0 : index
    %get3A_497 = vector.load %arg36[%get3A_495, %get3A_496] : memref<1x640xf32, #tpu.memory_space<vmem>>, vector<1x640xf32>
    %add3A_498 = vector.broadcast %get3A_497 : vector<1x640xf32> to vector<16x640xf32>
    %add3A_499 = arith.addf %dot_general3A_494, %add3A_498 : vector<16x640xf32>
    %max3A_500 = arith.constant 0.000000e+00 : f32
    %max3A_501 = vector.broadcast %max3A_500 : f32 to vector<16x640xf32>
    %max3A_502 = arith.maximumf %add3A_499, %max3A_501 : vector<16x640xf32>
    %min3A_503 = arith.constant 0.000000e+00 : f32
    %min3A_504 = vector.broadcast %min3A_503 : f32 to vector<16x640xf32>
    %min3A_505 = arith.minimumf %add3A_499, %min3A_504 : vector<16x640xf32>
    %mul3A_506 = vector.broadcast %get3A_459 : f32 to vector<16x640xf32>
    %mul3A_507 = arith.mulf %mul3A_506, %min3A_505 : vector<16x640xf32>
    %add3A_508 = arith.addf %max3A_502, %mul3A_507 : vector<16x640xf32>
    %get3A_509 = arith.constant 0 : index
    %get3A_510 = arith.constant 0 : index
    %get3A_511 = vector.load %arg38[%get3A_509, %get3A_510] : memref<640x16xf32, #tpu.memory_space<vmem>>, vector<640x16xf32>
    %dot_general3A_512 = arith.constant dense<0.000000e+00> : vector<16x16xf32>
    %dot_general3A_513 = tpu.matmul %add3A_508, %get3A_511, %dot_general3A_512 {dimension_numbers = #tpu.dot_dimension_numbers<[1], [0], [0], [1], [0, 0, 1, 1], [], []>, transpose_lhs_hint = false} : vector<16x640xf32>, vector<640x16xf32>, vector<16x16xf32> -> vector<16x16xf32>
    %get3A_514 = arith.constant 0 : index
    %get3A_515 = arith.constant 0 : index
    %get3A_516 = vector.load %arg39[%get3A_514, %get3A_515] : memref<1x16xf32, #tpu.memory_space<vmem>>, vector<1x16xf32>
    %add3A_517 = vector.broadcast %get3A_516 : vector<1x16xf32> to vector<16x16xf32>
    %add3A_518 = arith.addf %dot_general3A_513, %add3A_517 : vector<16x16xf32>
    %swap3A_519 = arith.constant 0 : index
    %swap3A_520 = arith.constant 0 : index
    %swap3A_521 = vector.load %arg40[%swap3A_519, %swap3A_520] : memref<16x16xf32, #tpu.memory_space<vmem>>, vector<16x16xf32>
    tpu.vector_store %arg40[%swap3A_519, %swap3A_520], %add3A_518 {strides = array<i32>} : memref<16x16xf32, #tpu.memory_space<vmem>>, vector<16x16xf32>,
    %get3A_522 = arith.constant 0 : index
    %get3A_523 = arith.constant 0 : index
    %get3A_524 = vector.load %arg30[%get3A_522, %get3A_523] : memref<128x1600xf32, #tpu.memory_space<vmem>>, vector<128x1600xf32>
    %dot_general3A_525 = arith.constant dense<0.000000e+00> : vector<16x1600xf32>
    %dot_general3A_526 = tpu.matmul %get3A_4, %get3A_524, %dot_general3A_525 {dimension_numbers = #tpu.dot_dimension_numbers<[1], [0], [0], [1], [0, 0, 1, 1], [], []>, transpose_lhs_hint = false} : vector<16x128xf32>, vector<128x1600xf32>, vector<16x1600xf32> -> vector<16x1600xf32>
    %get3A_527 = arith.constant 0 : index
    %get3A_528 = arith.constant 0 : index
    %get3A_529 = vector.load %arg31[%get3A_527, %get3A_528] : memref<128x1600xf32, #tpu.memory_space<vmem>>, vector<128x1600xf32>
    %dot_general3A_530 = arith.constant dense<0.000000e+00> : vector<16x1600xf32>
    %dot_general3A_531 = tpu.matmul %reduce_sum3A_296, %get3A_529, %dot_general3A_530 {dimension_numbers = #tpu.dot_dimension_numbers<[1], [0], [0], [1], [0, 0, 1, 1], [], []>, transpose_lhs_hint = false} : vector<16x128xf32>, vector<128x1600xf32>, vector<16x1600xf32> -> vector<16x1600xf32>
    %add3A_532 = arith.addf %dot_general3A_526, %dot_general3A_531 : vector<16x1600xf32>
    %get3A_533 = arith.constant 0 : index
    %get3A_534 = arith.constant 0 : index
    %get3A_535 = vector.load %arg32[%get3A_533, %get3A_534] : memref<128x1600xf32, #tpu.memory_space<vmem>>, vector<128x1600xf32>
    %dot_general3A_536 = arith.constant dense<0.000000e+00> : vector<16x1600xf32>
    %dot_general3A_537 = tpu.matmul %add3A_451, %get3A_535, %dot_general3A_536 {dimension_numbers = #tpu.dot_dimension_numbers<[1], [0], [0], [1], [0, 0, 1, 1], [], []>, transpose_lhs_hint = false} : vector<16x128xf32>, vector<128x1600xf32>, vector<16x1600xf32> -> vector<16x1600xf32>
    %add3A_538 = arith.addf %add3A_532, %dot_general3A_537 : vector<16x1600xf32>
    %get3A_539 = arith.constant 0 : index
    %get3A_540 = arith.constant 0 : index
    %get3A_541 = vector.load %arg33[%get3A_539, %get3A_540] : memref<1x1600xf32, #tpu.memory_space<vmem>>, vector<1x1600xf32>
    %add3A_542 = vector.broadcast %get3A_541 : vector<1x1600xf32> to vector<16x1600xf32>
    %add3A_543 = arith.addf %add3A_538, %add3A_542 : vector<16x1600xf32>
    %max3A_544 = arith.constant 0.000000e+00 : f32
    %max3A_545 = vector.broadcast %max3A_544 : f32 to vector<16x1600xf32>
    %max3A_546 = arith.maximumf %add3A_543, %max3A_545 : vector<16x1600xf32>
    %min3A_547 = arith.constant 0.000000e+00 : f32
    %min3A_548 = vector.broadcast %min3A_547 : f32 to vector<16x1600xf32>
    %min3A_549 = arith.minimumf %add3A_543, %min3A_548 : vector<16x1600xf32>
    %mul3A_550 = vector.broadcast %get3A_455 : f32 to vector<16x1600xf32>
    %mul3A_551 = arith.mulf %mul3A_550, %min3A_549 : vector<16x1600xf32>
    %add3A_552 = arith.addf %max3A_546, %mul3A_551 : vector<16x1600xf32>
    %get3A_553 = arith.constant 0 : index
    %get3A_554 = arith.constant 0 : index
    %get3A_555 = vector.load %arg35[%get3A_553, %get3A_554] : memref<1600x640xf32, #tpu.memory_space<vmem>>, vector<1600x640xf32>
    %dot_general3A_556 = arith.constant dense<0.000000e+00> : vector<16x640xf32>
    %dot_general3A_557 = tpu.matmul %add3A_552, %get3A_555, %dot_general3A_556 {dimension_numbers = #tpu.dot_dimension_numbers<[1], [0], [0], [1], [0, 0, 1, 1], [], []>, transpose_lhs_hint = false} : vector<16x1600xf32>, vector<1600x640xf32>, vector<16x640xf32> -> vector<16x640xf32>
    %get3A_558 = arith.constant 0 : index
    %get3A_559 = arith.constant 0 : index
    %get3A_560 = vector.load %arg36[%get3A_558, %get3A_559] : memref<1x640xf32, #tpu.memory_space<vmem>>, vector<1x640xf32>
    %add3A_561 = vector.broadcast %get3A_560 : vector<1x640xf32> to vector<16x640xf32>
    %add3A_562 = arith.addf %dot_general3A_557, %add3A_561 : vector<16x640xf32>
    %max3A_563 = arith.constant 0.000000e+00 : f32
    %max3A_564 = vector.broadcast %max3A_563 : f32 to vector<16x640xf32>
    %max3A_565 = arith.maximumf %add3A_562, %max3A_564 : vector<16x640xf32>
    %min3A_566 = arith.constant 0.000000e+00 : f32
    %min3A_567 = vector.broadcast %min3A_566 : f32 to vector<16x640xf32>
    %min3A_568 = arith.minimumf %add3A_562, %min3A_567 : vector<16x640xf32>
    %mul3A_569 = vector.broadcast %get3A_459 : f32 to vector<16x640xf32>
    %mul3A_570 = arith.mulf %mul3A_569, %min3A_568 : vector<16x640xf32>
    %add3A_571 = arith.addf %max3A_565, %mul3A_570 : vector<16x640xf32>
    %get3A_572 = arith.constant 0 : index
    %get3A_573 = arith.constant 0 : index
    %get3A_574 = vector.load %arg38[%get3A_572, %get3A_573] : memref<640x16xf32, #tpu.memory_space<vmem>>, vector<640x16xf32>
    %dot_general3A_575 = arith.constant dense<0.000000e+00> : vector<16x16xf32>
    %dot_general3A_576 = tpu.matmul %add3A_571, %get3A_574, %dot_general3A_575 {dimension_numbers = #tpu.dot_dimension_numbers<[1], [0], [0], [1], [0, 0, 1, 1], [], []>, transpose_lhs_hint = false} : vector<16x640xf32>, vector<640x16xf32>, vector<16x16xf32> -> vector<16x16xf32>
    %get3A_577 = arith.constant 0 : index
    %get3A_578 = arith.constant 0 : index
    %get3A_579 = vector.load %arg39[%get3A_577, %get3A_578] : memref<1x16xf32, #tpu.memory_space<vmem>>, vector<1x16xf32>
    %add3A_580 = vector.broadcast %get3A_579 : vector<1x16xf32> to vector<16x16xf32>
    %add3A_581 = arith.addf %dot_general3A_576, %add3A_580 : vector<16x16xf32>
    %swap3A_582 = arith.constant 0 : index
    %swap3A_583 = arith.constant 0 : index
    %swap3A_584 = vector.load %arg41[%swap3A_582, %swap3A_583] : memref<16x16xf32, #tpu.memory_space<vmem>>, vector<16x16xf32>
    tpu.vector_store %arg41[%swap3A_582, %swap3A_583], %add3A_581 {strides = array<i32>} : memref<16x16xf32, #tpu.memory_space<vmem>>, vector<16x16xf32>,
    return
  }
  func.func @transform_0(%arg0: i32) -> (i32, i32, i32) {
    %c0_i32 = arith.constant 0 : i32
    %c0_i32_0 = arith.constant 0 : i32
    %c0_i32_1 = arith.constant 0 : i32
    return %c0_i32, %arg0, %c0_i32_0 : i32, i32, i32
  }
  func.func @transform_1(%arg0: i32) -> (i32, i32, i32) {
    %c0_i32 = arith.constant 0 : i32
    %c0_i32_0 = arith.constant 0 : i32
    %c0_i32_1 = arith.constant 0 : i32
    return %c0_i32, %arg0, %c0_i32_0 : i32, i32, i32
  }
  func.func @transform_2(%arg0: i32) -> (i32, i32, i32) {
    %c0_i32 = arith.constant 0 : i32
    %c0_i32_0 = arith.constant 0 : i32
    %c0_i32_1 = arith.constant 0 : i32
    return %c0_i32, %arg0, %c0_i32_0 : i32, i32, i32
  }
  func.func @transform_3(%arg0: i32) -> (i32, i32) {
    %c0_i32 = arith.constant 0 : i32
    %c0_i32_0 = arith.constant 0 : i32
    return %arg0, %c0_i32 : i32, i32
  }
  func.func @transform_4(%arg0: i32) -> (i32, i32) {
    %c0_i32 = arith.constant 0 : i32
    %c0_i32_0 = arith.constant 0 : i32
    return %arg0, %c0_i32 : i32, i32
  }
  func.func @transform_5(%arg0: i32) -> (i32, i32) {
    %c0_i32 = arith.constant 0 : i32
    %c0_i32_0 = arith.constant 0 : i32
    return %arg0, %c0_i32 : i32, i32
  }
  func.func @transform_6(%arg0: i32) -> (i32, i32) {
    %c0_i32 = arith.constant 0 : i32
    %c0_i32_0 = arith.constant 0 : i32
    return %arg0, %c0_i32 : i32, i32
  }
  func.func @transform_7(%arg0: i32) -> (i32, i32) {
    %c0_i32 = arith.constant 0 : i32
    %c0_i32_0 = arith.constant 0 : i32
    %c0_i32_1 = arith.constant 0 : i32
    return %c0_i32, %c0_i32_0 : i32, i32
  }
  func.func @transform_8(%arg0: i32) -> (i32, i32) {
    %c0_i32 = arith.constant 0 : i32
    %c0_i32_0 = arith.constant 0 : i32
    %c0_i32_1 = arith.constant 0 : i32
    return %c0_i32, %c0_i32_0 : i32, i32
  }
  func.func @transform_9(%arg0: i32) -> (i32, i32) {
    %c0_i32 = arith.constant 0 : i32
    %c0_i32_0 = arith.constant 0 : i32
    %c0_i32_1 = arith.constant 0 : i32
    return %c0_i32, %c0_i32_0 : i32, i32
  }
  func.func @transform_10(%arg0: i32) -> (i32, i32) {
    %c0_i32 = arith.constant 0 : i32
    %c0_i32_0 = arith.constant 0 : i32
    %c0_i32_1 = arith.constant 0 : i32
    return %c0_i32, %c0_i32_0 : i32, i32
  }
  func.func @transform_11(%arg0: i32) -> (i32, i32) {
    %c0_i32 = arith.constant 0 : i32
    %c0_i32_0 = arith.constant 0 : i32
    %c0_i32_1 = arith.constant 0 : i32
    return %c0_i32, %c0_i32_0 : i32, i32
  }
  func.func @transform_12(%arg0: i32) -> (i32, i32) {
    %c0_i32 = arith.constant 0 : i32
    %c0_i32_0 = arith.constant 0 : i32
    %c0_i32_1 = arith.constant 0 : i32
    return %c0_i32, %c0_i32_0 : i32, i32
  }
  func.func @transform_13(%arg0: i32) -> (i32, i32) {
    %c0_i32 = arith.constant 0 : i32
    %c0_i32_0 = arith.constant 0 : i32
    %c0_i32_1 = arith.constant 0 : i32
    return %c0_i32, %c0_i32_0 : i32, i32
  }
  func.func @transform_14(%arg0: i32) -> (i32, i32) {
    %c0_i32 = arith.constant 0 : i32
    %c0_i32_0 = arith.constant 0 : i32
    %c0_i32_1 = arith.constant 0 : i32
    return %c0_i32, %c0_i32_0 : i32, i32
  }
  func.func @transform_15(%arg0: i32) -> (i32, i32) {
    %c0_i32 = arith.constant 0 : i32
    %c0_i32_0 = arith.constant 0 : i32
    %c0_i32_1 = arith.constant 0 : i32
    return %c0_i32, %c0_i32_0 : i32, i32
  }
  func.func @transform_16(%arg0: i32) -> (i32, i32) {
    %c0_i32 = arith.constant 0 : i32
    %c0_i32_0 = arith.constant 0 : i32
    %c0_i32_1 = arith.constant 0 : i32
    return %c0_i32, %c0_i32_0 : i32, i32
  }
  func.func @transform_17(%arg0: i32) -> (i32, i32) {
    %c0_i32 = arith.constant 0 : i32
    %c0_i32_0 = arith.constant 0 : i32
    %c0_i32_1 = arith.constant 0 : i32
    return %c0_i32, %c0_i32_0 : i32, i32
  }
  func.func @transform_18(%arg0: i32) -> (i32, i32) {
    %c0_i32 = arith.constant 0 : i32
    %c0_i32_0 = arith.constant 0 : i32
    %c0_i32_1 = arith.constant 0 : i32
    return %c0_i32, %c0_i32_0 : i32, i32
  }
  func.func @transform_19(%arg0: i32) -> (i32, i32) {
    %c0_i32 = arith.constant 0 : i32
    %c0_i32_0 = arith.constant 0 : i32
    %c0_i32_1 = arith.constant 0 : i32
    return %c0_i32, %c0_i32_0 : i32, i32
  }
  func.func @transform_20(%arg0: i32) -> (i32, i32) {
    %c0_i32 = arith.constant 0 : i32
    %c0_i32_0 = arith.constant 0 : i32
    %c0_i32_1 = arith.constant 0 : i32
    return %c0_i32, %c0_i32_0 : i32, i32
  }
  func.func @transform_21(%arg0: i32) -> (i32, i32) {
    %c0_i32 = arith.constant 0 : i32
    %c0_i32_0 = arith.constant 0 : i32
    %c0_i32_1 = arith.constant 0 : i32
    return %c0_i32, %c0_i32_0 : i32, i32
  }
  func.func @transform_22(%arg0: i32) -> (i32, i32) {
    %c0_i32 = arith.constant 0 : i32
    %c0_i32_0 = arith.constant 0 : i32
    %c0_i32_1 = arith.constant 0 : i32
    return %c0_i32, %c0_i32_0 : i32, i32
  }
  func.func @transform_23(%arg0: i32) -> (i32, i32) {
    %c0_i32 = arith.constant 0 : i32
    %c0_i32_0 = arith.constant 0 : i32
    %c0_i32_1 = arith.constant 0 : i32
    return %c0_i32, %c0_i32_0 : i32, i32
  }
  func.func @transform_24(%arg0: i32) -> (i32, i32) {
    %c0_i32 = arith.constant 0 : i32
    %c0_i32_0 = arith.constant 0 : i32
    %c0_i32_1 = arith.constant 0 : i32
    return %c0_i32, %c0_i32_0 : i32, i32
  }
  func.func @transform_25(%arg0: i32) -> (i32, i32) {
    %c0_i32 = arith.constant 0 : i32
    %c0_i32_0 = arith.constant 0 : i32
    %c0_i32_1 = arith.constant 0 : i32
    return %c0_i32, %c0_i32_0 : i32, i32
  }
  func.func @transform_26(%arg0: i32) -> (i32, i32) {
    %c0_i32 = arith.constant 0 : i32
    %c0_i32_0 = arith.constant 0 : i32
    %c0_i32_1 = arith.constant 0 : i32
    return %c0_i32, %c0_i32_0 : i32, i32
  }
  func.func @transform_27(%arg0: i32) -> (i32, i32) {
    %c0_i32 = arith.constant 0 : i32
    %c0_i32_0 = arith.constant 0 : i32
    %c0_i32_1 = arith.constant 0 : i32
    return %c0_i32, %c0_i32_0 : i32, i32
  }
  func.func @transform_28(%arg0: i32) -> (i32, i32) {
    %c0_i32 = arith.constant 0 : i32
    %c0_i32_0 = arith.constant 0 : i32
    %c0_i32_1 = arith.constant 0 : i32
    return %c0_i32, %c0_i32_0 : i32, i32
  }
  func.func @transform_29(%arg0: i32) -> (i32, i32) {
    %c0_i32 = arith.constant 0 : i32
    %c0_i32_0 = arith.constant 0 : i32
    %c0_i32_1 = arith.constant 0 : i32
    return %c0_i32, %c0_i32_0 : i32, i32
  }
  func.func @transform_30(%arg0: i32) -> (i32, i32) {
    %c0_i32 = arith.constant 0 : i32
    %c0_i32_0 = arith.constant 0 : i32
    %c0_i32_1 = arith.constant 0 : i32
    return %c0_i32, %c0_i32_0 : i32, i32
  }
  func.func @transform_31(%arg0: i32) -> (i32, i32) {
    %c0_i32 = arith.constant 0 : i32
    %c0_i32_0 = arith.constant 0 : i32
    %c0_i32_1 = arith.constant 0 : i32
    return %c0_i32, %c0_i32_0 : i32, i32
  }
  func.func @transform_32(%arg0: i32) -> (i32, i32) {
    %c0_i32 = arith.constant 0 : i32
    %c0_i32_0 = arith.constant 0 : i32
    %c0_i32_1 = arith.constant 0 : i32
    return %c0_i32, %c0_i32_0 : i32, i32
  }
  func.func @transform_33(%arg0: i32) -> (i32, i32) {
    %c0_i32 = arith.constant 0 : i32
    %c0_i32_0 = arith.constant 0 : i32
    %c0_i32_1 = arith.constant 0 : i32
    return %c0_i32, %c0_i32_0 : i32, i32
  }
  func.func @transform_34(%arg0: i32) -> (i32, i32) {
    %c0_i32 = arith.constant 0 : i32
    %c0_i32_0 = arith.constant 0 : i32
    %c0_i32_1 = arith.constant 0 : i32
    return %c0_i32, %c0_i32_0 : i32, i32
  }
  func.func @transform_35(%arg0: i32) -> (i32, i32) {
    %c0_i32 = arith.constant 0 : i32
    %c0_i32_0 = arith.constant 0 : i32
    %c0_i32_1 = arith.constant 0 : i32
    return %c0_i32, %c0_i32_0 : i32, i32
  }
  func.func @transform_36(%arg0: i32) -> (i32, i32) {
    %c0_i32 = arith.constant 0 : i32
    %c0_i32_0 = arith.constant 0 : i32
    %c0_i32_1 = arith.constant 0 : i32
    return %c0_i32, %c0_i32_0 : i32, i32
  }
  func.func @transform_37(%arg0: i32) -> (i32, i32) {
    %c0_i32 = arith.constant 0 : i32
    %c0_i32_0 = arith.constant 0 : i32
    %c0_i32_1 = arith.constant 0 : i32
    return %c0_i32, %c0_i32_0 : i32, i32
  }
  func.func @transform_38(%arg0: i32) -> (i32, i32) {
    %c0_i32 = arith.constant 0 : i32
    %c0_i32_0 = arith.constant 0 : i32
    %c0_i32_1 = arith.constant 0 : i32
    return %c0_i32, %c0_i32_0 : i32, i32
  }
  func.func @transform_39(%arg0: i32) -> (i32, i32) {
    %c0_i32 = arith.constant 0 : i32
    %c0_i32_0 = arith.constant 0 : i32
    return %arg0, %c0_i32 : i32, i32
  }
  func.func @transform_40(%arg0: i32) -> (i32, i32) {
    %c0_i32 = arith.constant 0 : i32
    %c0_i32_0 = arith.constant 0 : i32
    return %arg0, %c0_i32 : i32, i32
  }
}

</mosaic_0001>

<sc_bundles>
// kernel: kernel.4.cloned.1.call-start
scs
__scs_entry_jumppad:
0x0: {  	(pc) =	sbr.rel $0x88, $3  }
0x1: {  	(tag) =	ssettag $0x0;
	lr =	simm.s32 $0x1  }
0x2: {  	[smem:$0x3F84] =	sst lr;
	_ =	strace $0xD0000000  }
0x3: {  	_ = 	snop  }
0x4: {  	_ = 	snop  }
0x5: {  	_ = 	snop  }
0x6: {  	_ = 	snop  }
0x7: {  	_ = 	snop  }
__scs_overlays_trampoline_lowered:
0x8: {  	[smem:$0x3F93] =	sst s0  }
0x9: {  	[smem:$0x3F94] =	sst s1  }
0xa: {  	[smem:$0x3F95] =	sst s2  }
0xb: {  	[smem:$0x3F96] =	sst s3  }
0xc: {  	[smem:$0x3F97] =	sst s4  }
0xd: {  	[smem:$0x3F98] =	sst s5  }
0xe: {  	[smem:$0x3F99] =	sst s6  }
0xf: {  	[smem:$0x3F9A] =	sst s7  }
0x10: {  	[smem:$0x3F9B] =	sst s8  }
0x11: {  	[smem:$0x3F9C] =	sst s9;
	s0 =	simm.s32 @!p0 $0x0  }
0x12: {  	s1 =	sld [smem:$0x3F82];
	s0 =	simm.s32 @p0 $0x1  }
0x13: {  	[smem:$0x3F9D] =	sst s0;
	s0 =	simm.s32 @!p1 $0x0  }
0x14: {  	s2 =	sld [smem:$0x3F81];
	s0 =	simm.s32 @p1 $0x1  }
0x15: {  	[smem:$0x3F9E] =	sst s0;
	s0 =	simm.s32 @!p2 $0x0  }
0x16: {  	s3 =	sld [smem:$0x3FDB];
	s0 =	simm.s32 @p2 $0x1  }
0x17: {  	s4 =	simm.s32 $0x1BF5;
	[smem:$0x3FA0] =	sst s0  }
0x18: {  	s0 =	sld [smem:$0x3F83];
	_ =	swait.ge [sflag:s4], $0x0  }
0x19: {  	s7 =	sld [smem:$0x3F84]  }
0x1a: {  	s8 =	sadd.s32 $0xFFFFE003, lr  }
0x1b: {  	s9 =	sadd.s32 $0xFFFFFEF7, lr;
	s5 =	simm.s32 $0xFFFFFFFF;
	p2 =	slt.u32 s8, $0xFFFFF086  }
0x1c: {  	p1 =	slt.u32 s9, $0xF7A;
	s5 =	simm.s32 @!p2 $0x0  }
0x1d: {  	s5 =	simm.s32 @p1 $0x1;
	p0 =	seq.s32 s7, s2  }
0x1e: {  	s7 =	smul.u32 @!p0 $0xF7A, s2;
	p2 =	seq.s32 @!p0 s5, $0x0  }
0x1f: {  	s9 =	smul.u32 $0xF7A, s1;
	s8 =	simm.s32 @!p0 $0x1BF5;
	p2 =	por !p2, p0  }
0x20: {  	[sflag:s8] =	ssyncset.s32 @!p0 $0xFFFFF086;
	s6 =	sadd.s32 @!p0 s3, s7;
	s7 =	simm.s32 @!p0 $0x108  }
0x21: {  	s3 =	sadd.s32 s3, s9;
	s6 =	sadd.s32 @!p0 $0x88, s6;
	s7 =	simm.s32 @p2 $0x1082  }
0x22: {  	[simem:s7], [sflag:s8] =	dma.local @!p0 [hbm:s6], $0xF7A  }
0x23: {  	s9 =	sor.u32 $0xD0000000, s2;
	s6 =	simm.s32 $0x108;
	_ =	swait.ge @!p0 [sflag:s8], $0x0  }
0x24: {  	s3 =	sadd.s32 $0x88, s3;
	s6 =	simm.s32 @!p1 $0x1082;
	[sflag:s4] =	ssyncset.s32 $0xFFFFF086  }
0x25: {  	[simem:s6], [sflag:s4] =	dma.local [hbm:s3], $0xF7A  }
0x26: {  	[smem:$0x3F84] =	sst s1;
	(tag) =	ssettag s2;
	_ =	strace s9  }
0x27: {  	s1 =	sld [smem:$0x3F94]  }
0x28: {  	s2 =	sld [smem:$0x3F95]  }
0x29: {  	s4 =	sld [smem:$0x3F97]  }
0x2a: {  	p0 =	seq.s32 s5, $0x0;
	s5 =	sld [smem:$0x3F98]  }
0x2b: {  	s6 =	sld [smem:$0x3F99]  }
0x2c: {  	s7 =	sld [smem:$0x3F9A]  }
0x2d: {  	s3 =	simm.s32 $0x108;
	s8 =	sld [smem:$0x3F9B]  }
0x2e: {  	s3 =	simm.s32 @!p0 $0x1082;
	s9 =	sld [smem:$0x3F9C]  }
0x2f: {  	lr =	sadd.s32 s0, s3;
	s0 =	sld [smem:$0x3F93]  }
0x30: {  	s3 =	sld [smem:$0x3F96]  }
0x31: {  	[smem:$0x3F9F] =	sst s10  }
0x32: {  	s10 =	sld [smem:$0x3F9D];
	_ =	sdelay $0x3  }
0x33: {  	p0 =	seq.s32 s10, $0x1;
	s10 =	sld [smem:$0x3F9F];
	_ =	sdelay $0x3  }
0x34: {  	[smem:$0x3F9F] =	sst s10  }
0x35: {  	s10 =	sld [smem:$0x3F9E];
	_ =	sdelay $0x3  }
0x36: {  	p1 =	seq.s32 s10, $0x1;
	s10 =	sld [smem:$0x3F9F];
	_ =	sdelay $0x3  }
0x37: {  	[smem:$0x3F9F] =	sst s10  }
0x38: {  	s10 =	sld [smem:$0x3FA0]  }
0x39: {  	_ = 	snop;
	(pc) =	sbr.ind lr, $3  }
0x3a: {  	_ = 	snop  }
0x3b: {  	_ = 	snop  }
0x3c: {  	p2 =	seq.s32 s10, $0x1;
	s10 =	sld [smem:$0x3F9F]  }
0x3d: {  	_ =	shalt  }
0x3e: {  	_ =	shalt  }
0x3f: {  	_ =	shalt  }
0x40: {  	_ =	shalt  }
0x41: {  	_ =	shalt  }
0x42: {  	_ =	shalt  }
0x43: {  	_ =	shalt  }
0x44: {  	_ =	shalt  }
0x45: {  	_ =	shalt  }
0x46: {  	_ =	shalt  }
0x47: {  	_ =	shalt  }
0x48: {  	_ =	shalt  }
0x49: {  	_ =	shalt  }
0x4a: {  	_ =	shalt  }
0x4b: {  	_ =	shalt  }
0x4c: {  	_ =	shalt  }
0x4d: {  	_ =	shalt  }
0x4e: {  	_ =	shalt  }
0x4f: {  	_ =	shalt  }
0x50: {  	_ =	shalt  }
0x51: {  	_ =	shalt  }
0x52: {  	_ =	shalt  }
0x53: {  	_ =	shalt  }
0x54: {  	_ =	shalt  }
0x55: {  	_ =	shalt  }
0x56: {  	_ =	shalt  }
0x57: {  	_ =	shalt  }
0x58: {  	_ =	shalt  }
0x59: {  	_ =	shalt  }
0x5a: {  	_ =	shalt  }
0x5b: {  	_ =	shalt  }
0x5c: {  	_ =	shalt  }
0x5d: {  	_ =	shalt  }
0x5e: {  	_ =	shalt  }
0x5f: {  	_ =	shalt  }
0x60: {  	_ =	shalt  }
0x61: {  	_ =	shalt  }
0x62: {  	_ =	shalt  }
0x63: {  	_ =	shalt  }
0x64: {  	_ =	shalt  }
0x65: {  	_ =	shalt  }
0x66: {  	_ =	shalt  }
0x67: {  	_ =	shalt  }
0x68: {  	_ =	shalt  }
0x69: {  	_ =	shalt  }
0x6a: {  	_ =	shalt  }
0x6b: {  	_ =	shalt  }
0x6c: {  	_ =	shalt  }
0x6d: {  	_ =	shalt  }
0x6e: {  	_ =	shalt  }
0x6f: {  	_ =	shalt  }
0x70: {  	_ =	shalt  }
0x71: {  	_ =	shalt  }
0x72: {  	_ =	shalt  }
0x73: {  	_ =	shalt  }
0x74: {  	_ =	shalt  }
0x75: {  	_ =	shalt  }
0x76: {  	_ =	shalt  }
0x77: {  	_ =	shalt  }
0x78: {  	_ =	shalt  }
0x79: {  	_ =	shalt  }
0x7a: {  	_ =	shalt  }
0x7b: {  	_ =	shalt  }
0x7c: {  	_ =	shalt  }
0x7d: {  	_ =	shalt  }
0x7e: {  	_ =	shalt  }
0x7f: {  	_ =	shalt  }
0x80: {  	_ =	shalt  }
0x81: {  	_ =	shalt  }
0x82: {  	_ =	shalt  }
0x83: {  	_ =	shalt  }
0x84: {  	_ =	shalt  }
0x85: {  	_ =	shalt  }
0x86: {  	_ =	shalt  }
0x87: {  	_ =	shalt  }
.Lfunc_end0:
.L_simem_size_0:
called_computation_lowered:
.L_overlay_start_0:
0x88: {  	s2 =	sld [smem:$0x3FD9]  }
0x89: {  	s3 =	sld [smem:$0x3FFE];
	_ =	sdelay $0x1  }
0x8a: {  	s1 =	srdreg.scid  }
0x8b: {  	s0 =	sand.u32 $0x1, s1  }
0x8c: {  	s16 =	sshll.u32 s0, $0xA;
	s2 =	sadd.s32 s3, s2  }
0x8d: {  	s2 =	sadd.s32 s2, s16  }
0x8e: {  	[smem:$0x3FAB] =	sst s2  }
0x8f: {  	_ = 	snop  }
0x90: {  	(tm) =	ssettm $0x1  }
0x91: {  	s17 =	sld [smem:$0x3FFB];
	_ =	sdelay $0x3  }
0x92: {  	_ =	strace s17  }
0x93: {  	s2 =	sld [smem:$0x3FFC];
	_ =	sdelay $0x3  }
0x94: {  	_ =	strace s2  }
0x95: {  	s2 =	sld [smem:$0x3FFD];
	_ =	sdelay $0x3  }
0x96: {  	_ =	strace s2  }
0x97: {  	_ =	strace $0x8FFFFFFF  }
0x98: {  	s18 =	sld [smem:$0x3FDB];
	_ =	sdelay $0x1  }
0x99: {  	s19 =	simm.s32 $_scs_section_size  }
0x9a: {  	s4 =	simm.s32 $_size__tile_overlayer_lowered;
	s5 =	simm.s32 $_tile_overlayer_lowered  }
0x9b: {  	s22 =	simm.s32 $0x1BFF;
	s21 =	sshll.u32 s5, $0x1;
	s2 =	sadd.s32 s19, s18  }
0x9c: {  	s6 =	simm.s32 $0x0;
	s20 =	sshll.u32 s4, $0x1;
	s4 =	sadd.s32 s21, s2  }
0x9d: {  	[timem:s6], [sflag:s22] =	dma.local [hbm:s4], s20  }
0x9e: {  	_ =	swait.ge [sflag:s22], s20  }
0x9f: {  	s3 =	ssub.s32 $0x0, s20;
	[sflag:s22] =	ssyncset.done $0x0  }
0xa0: {  	[sflag:s22] =	ssyncadd.s32 s3;
	_ =	sdelay $0x1  }
0xa1: {  	s23 =	simm.s32 $0x1B8B  }
0xa2: {  	_ =	swait.ge [sflag:s23], $0x1  }
0xa3: {  	[sflag:s23] =	ssyncset.done $0x0  }
0xa4: {  	s25 =	simm.s32 $0x1B8E;
	s24 =	sld [smem:$0x3FFE];
	[sflag:s23] =	ssyncadd.s32 $0xFFFFFFFF  }
0xa5: {  	s26 =	simm.s32 $execute0_lowered;
	[smem:$0x3FD2] =	sst s25  }
0xa6: {  	s4 =	sshll.u32 s26, $0x1;
	_ =	strace $0x80000046;
	[dreg:$0x1] =	wrdreg $0xFFFFFFFF  }
0xa7: {  	s28 =	simm.s32 $_size_execute0_lowered;
	s2 =	sadd.s32 s2, s4;
	[dreg:$0x0] =	wrdreg $0x0  }
0xa8: {  	s4 =	sshll.u32 s28, $0x1;
	[dreg:$0x2] =	wrdreg s2  }
0xa9: {  	[dreg:$0x3] =	wrdreg s4  }
0xaa: {  	[dreg:$0x4] =	wrdreg $0xC0  }
0xab: {  	_ =	task [dreg:s6], $0x5FFFF  }
0xac: {  	[dreg:$0x1] =	wrdreg $0xFFFFFFFF  }
0xad: {  	[dreg:$0x0] =	wrdreg $0x60  }
0xae: {  	[dreg:$0x2] =	wrdreg s24  }
0xaf: {  	[dreg:$0x3] =	wrdreg $0x9  }
0xb0: {  	_ =	task.clear_ibuf [dreg:s6], $0x4FFFF;
	_ =	strace $0x90000046  }
0xb1: {  	s29 =	simm.s32 $0x9;
	_ =	strace $0x80000048  }
0xb2: {  	_ =	swait.ge [sflag:s29], $0x1  }
0xb3: {  	[sflag:s29] =	ssyncadd.s32 $0xFFFFFFFF  }
0xb4: {  	_ =	strace $0x90000048  }
0xb5: {  	_ =	sfence  }
0xb6: {  	s30 =	sld [smem:$0x0];
	_ =	sdelay $0x2  }
0xb7: {  	s31 =	sshll.u32 s1, $0xD;
	s1 =	sshrl.u32 s1, $0x2  }
0xb8: {  	s3 =	sand.u32 $0x4000, s31;
	s1 =	sadd.s32 s1, s30  }
0xb9: {  	s0 =	sor.u32 s3, s0;
	s1 =	sshll.u32 s1, $0x11  }
0xba: {  	s0 =	sor.u32 s1, s0  }
0xbb: {  	s0 =	sadd.s32 $0x8F2B, s0  }
0xbc: {  	[sflag:s0] =	ssyncadd.remote.s32 $0x1  }
0xbd: {  	_ =	sfence.sel $0xFFFF  }
0xbe: {  	[dreg:$0x0] =	wrdreg $0xFFFFFFFF;
	(pc) =	sbr.abs _section_cstart, $3  }
0xbf: {  	[dreg:$0x1] =	wrdreg $0xFFFFFFFF  }
0xc0: {  	_ =	task.clear_ibuf [dreg:s6], $0x2FFFF;
	_ =	strace $0x9FFFFFFF  }
0xc1: {  	(tm) =	ssettm $0x7FFFFFFF  }
tec
execute0_lowered:
.L_overlay_start_1:
0x0: {  	(tag) =	ssettag $0x1  }
0x1: {  	s10 =	rddreg [dreg:$0x0]  }
0x2: {  	s0 =	rddreg [dreg:$0x1];
	s1 =	simm.s32 $0x0  }
0x3: {  	s4 =	srdreg.scid;
	s14 =	simm.s32 $0x1000;
	s15 =	simm.s32 $0x1  }
0x4: {  	s16 =	simm.s32 $0x9000;
	s17 =	simm.s32 $0x2;
	s18 =	simm.s32 $0x0  }
0x5: {  	[smem:$0x7FF] =	sst s1;
	s2 =	sadd.s32 $0x4F5DE00, s10;
	s3 =	sadd.s32 $0x1E600, s10  }
0x6: {  	s5 =	sadd.s32 $0x3DE00, s10;
	s6 =	sadd.s32 $0xA5E00, s10;
	s8 =	sand.u32 $0x1, s4  }
.Ltmp0:
0x7: {  	s7 =	sadd.s32 $0xA1E00, s10;
	s4 =	stileid.u32;
	(pc) =	sbr.rel .LBB2_1-.Ltmp0, $4  }
0x8: {  	_ =	strace $0x80000047;
	s9 =	ssub.s32 $0x2, s8;
	s12 =	sshll.u32 s4, $0x4  }
0x9: {  	s13 =	sshll.u32 s8, $0x3;
	s8 =	sadd.s32 $0xA3E00, s10;
	s11 =	sshrl.u32 s9, $0x1  }
0xa: {  	s10 =	sadd.s32 $0xA4E00, s10;
	s11 =	ssub.s32 s9, s11;
	s9 =	sor.u32 s13, s12  }
0xb: {  	s12 =	simm.s32 $0x3;
	s13 =	simm.s32 $0x800;
	s11 =	smax.u32 s11, $0x1  }
.LBB2_28:
0xc: {  	s18 =	sadd.s32 $0x1, s18  }
0xd: {  	p0 =	sne.s32 s18, s11  }
.Ltmp1:
0xe: {  	_ = 	snop;
	(pc) =	sbr.rel @!p0 .LBB2_29-.Ltmp1, $1  }
0xf: {  	_ =	sdelay $0x3  }
.LBB2_1:
.Ltmp2:
0x10: {  	(pc) =	sbr.rel .LBB2_2-.Ltmp2, $2  }
0x11: {  	_ =	sdelay $0x2  }
0x12: {  	s19 =	simm.s32 $0x0  }
.LBB2_21:
0x13: {  	s20 =	sadd.s32 $0x1000, s20  }
0x14: {  	[hbm4b:s20+s1] =	stream.linear.scatter [tilespmem:s16], [sflag:$0x3], $0x8000, $0x38;
	[tilespmem:$0x11000] =	vst v63  }
0x15: {  	_ =	swait.ge [sflag:s12], $0x8000  }
0x16: {  	[sflag:s12] =	ssyncset.done $0x0  }
0x17: {  	[sflag:s12] =	ssyncadd.s32 $0xFFFF8000  }
.LBB2_27:
0x18: {  	s19 =	sadd.s32 $0x1, s19  }
0x19: {  	p0 =	sne.s32 s19, $0x8  }
.Ltmp3:
0x1a: {  	_ = 	snop;
	(pc) =	sbr.rel @!p0 .LBB2_28-.Ltmp3, $1  }
0x1b: {  	_ =	sdelay $0x3  }
.LBB2_2:
0x1c: {  	s20 =	sadd.s32 s9, s19  }
0x1d: {  	p0 =	slt.u32 s20, $0xFC  }
.Ltmp4:
0x1e: {  	_ = 	snop;
	(pc) =	sbr.rel @!p0 .LBB2_27-.Ltmp4, $1  }
0x1f: {  	_ =	sdelay $0x3  }
0x20: {  	s21 =	sshll.u32 s20, $0x9;
	p0 =	sgt.u32 s20, $0x31  }
.Ltmp5:
0x21: {  	s21 =	sadd.s32 s3, s21;
	(pc) =	sbr.rel @p0 .LBB2_9-.Ltmp5, $4  }
0x22: {  	[tilespmem:s1], [sflag:$0x3] =	stream.linear.gather [hbm4b:s21+s1], $0x1000, $0x38;
	[tilespmem:$0x11000] =	vst v63  }
0x23: {  	_ =	swait.ge [sflag:s12], $0x1000  }
0x24: {  	[sflag:s12] =	ssyncset.done $0x0  }
0x25: {  	[sflag:s12] =	ssyncadd.s32 $0xFFFFF000  }
0x26: {  	s21 =	simm.s32 $0x0  }
0x27: {  	[tilespmem:s14], [sflag:$0x1] =	stream.indirect.gather [hbm4b:s2+s13], $0x10, s21, s13, $0xb8;
	[tilespmem:$0x11000] =	vst v63  }
0x28: {  	_ =	swait.ge [sflag:s15], $0x8000  }
0x29: {  	[sflag:s15] =	ssyncset.done $0x0  }
0x2a: {  	s21 =	simm.s32 $0x0;
	[sflag:s15] =	ssyncadd.s32 $0xFFFF8000  }
0x2b: {  	v3 =	vld [tilespmem:s21+$0x1070]  }
0x2c: {  	v4 =	vld [tilespmem:s21+$0x1000]  }
0x2d: {  	v5 =	vld [tilespmem:s21+$0x1010]  }
0x2e: {  	v2 =	vld [tilespmem:s21+$0x1020]  }
0x2f: {  	v0 =	vld [tilespmem:s21+$0x1030]  }
0x30: {  	v1 =	vld [tilespmem:s21+$0x1040];
	[tilespmem:s21+$0x9070] =	vst v3  }
0x31: {  	[tilespmem:s21+$0x9000] =	vst v4;
	v3 =	vld [tilespmem:s21+$0x1050]  }
0x32: {  	s22 =	simm.s32 $0x80;
	s23 =	simm.s32 $0x400;
	[tilespmem:s21+$0x9010] =	vst v5;
	v4 =	vld [tilespmem:s21+$0x1060]  }
.LBB2_5:
0x33: {  	p0 =	sne.s32 s23, $0x1FE00;
	v5 =	vld [tilespmem:s22+$0x1070];
	[tilespmem:s21+$0x9020] =	vst v2  }
0x34: {  	v6 =	vld [tilespmem:s22+$0x1000];
	[tilespmem:s21+$0x9030] =	vst v0  }
0x35: {  	v7 =	vld [tilespmem:s22+$0x1010];
	[tilespmem:s21+$0x9040] =	vst v1  }
.Ltmp6:
0x36: {  	v2 =	vld [tilespmem:s22+$0x1020];
	[tilespmem:s21+$0x9050] =	vst v3;
	(pc) =	sbr.rel @p0 .LBB2_5-.Ltmp6, $4  }
0x37: {  	v0 =	vld [tilespmem:s22+$0x1030];
	[tilespmem:s21+$0x9060] =	vst v4;
	s21 =	smov.u32 s22  }
0x38: {  	v1 =	vld [tilespmem:s21+$0x1040];
	[tilespmem:s21+$0x9070] =	vst v5  }
0x39: {  	[tilespmem:s21+$0x9000] =	vst v6;
	v3 =	vld [tilespmem:s21+$0x1050]  }
0x3a: {  	s22 =	sshra.s32 s23, $0x2;
	s23 =	sadd.s32 $0x200, s23;
	[tilespmem:s21+$0x9010] =	vst v7;
	v4 =	vld [tilespmem:s21+$0x1060]  }
0x3b: {  	v5 =	vld [tilespmem:s22+$0x1070];
	[tilespmem:s21+$0x9020] =	vst v2  }
0x3c: {  	v2 =	vld [tilespmem:s22+$0x1000];
	[tilespmem:s21+$0x9030] =	vst v0  }
0x3d: {  	v0 =	vld [tilespmem:s22+$0x1010];
	[tilespmem:s21+$0x9040] =	vst v1  }
0x3e: {  	v1 =	vld [tilespmem:s22+$0x1020];
	[tilespmem:s21+$0x9050] =	vst v3  }
0x3f: {  	v3 =	vld [tilespmem:s22+$0x1030];
	[tilespmem:s21+$0x9060] =	vst v4  }
0x40: {  	v4 =	vld [tilespmem:s22+$0x1040];
	[tilespmem:s22+$0x9070] =	vst v5  }
0x41: {  	[tilespmem:s22+$0x9000] =	vst v2;
	v2 =	vld [tilespmem:s22+$0x1050]  }
0x42: {  	[tilespmem:s22+$0x9010] =	vst v0;
	v0 =	vld [tilespmem:s22+$0x1060]  }
0x43: {  	[tilespmem:s22+$0x9020] =	vst v1  }
0x44: {  	[tilespmem:s22+$0x9030] =	vst v3  }
0x45: {  	[tilespmem:s22+$0x9040] =	vst v4  }
0x46: {  	s20 =	sshll.u32 s20, $0xD;
	[tilespmem:s22+$0x9050] =	vst v2  }
0x47: {  	s31 =	simm.s32 $0x0;
	s20 =	sadd.s32 s5, s20;
	[tilespmem:s22+$0x9060] =	vst v0  }
0x48: {  	[hbm4b:s20+s31] =	stream.linear.scatter [tilespmem:s16], [sflag:$0x3], $0x8000, $0x38;
	[tilespmem:$0x11000] =	vst v63  }
0x49: {  	_ =	swait.ge [sflag:s12], $0x8000  }
0x4a: {  	[sflag:s12] =	ssyncset.done $0x0  }
0x4b: {  	[sflag:s12] =	ssyncadd.s32 $0xFFFF8000  }
0x4c: {  	[tilespmem:s14], [sflag:$0x1] =	stream.indirect.gather [hbm4b:s2+s13], $0x10, s13, s13, $0xb8;
	[tilespmem:$0x11000] =	vst v63  }
0x4d: {  	_ =	swait.ge [sflag:s15], $0x8000  }
0x4e: {  	[sflag:s15] =	ssyncset.done $0x0  }
0x4f: {  	s21 =	simm.s32 $0x0;
	[sflag:s15] =	ssyncadd.s32 $0xFFFF8000  }
0x50: {  	v3 =	vld [tilespmem:s21+$0x1070]  }
0x51: {  	v4 =	vld [tilespmem:s21+$0x1000]  }
0x52: {  	v5 =	vld [tilespmem:s21+$0x1010]  }
0x53: {  	v2 =	vld [tilespmem:s21+$0x1020]  }
0x54: {  	v0 =	vld [tilespmem:s21+$0x1030]  }
0x55: {  	v1 =	vld [tilespmem:s21+$0x1040];
	[tilespmem:s21+$0x9070] =	vst v3  }
0x56: {  	[tilespmem:s21+$0x9000] =	vst v4;
	v3 =	vld [tilespmem:s21+$0x1050]  }
0x57: {  	s23 =	simm.s32 $0x400;
	s22 =	simm.s32 $0x80;
	[tilespmem:s21+$0x9010] =	vst v5;
	v4 =	vld [tilespmem:s21+$0x1060]  }
.LBB2_7:
0x58: {  	p0 =	seq.s32 s23, $0x1FE00;
	v5 =	vld [tilespmem:s22+$0x1070];
	[tilespmem:s21+$0x9020] =	vst v2  }
0x59: {  	v6 =	vld [tilespmem:s22+$0x1000];
	[tilespmem:s21+$0x9030] =	vst v0  }
0x5a: {  	v7 =	vld [tilespmem:s22+$0x1010];
	[tilespmem:s21+$0x9040] =	vst v1  }
.Ltmp7:
0x5b: {  	v2 =	vld [tilespmem:s22+$0x1020];
	[tilespmem:s21+$0x9050] =	vst v3;
	(pc) =	sbr.rel @!p0 .LBB2_7-.Ltmp7, $4  }
0x5c: {  	v0 =	vld [tilespmem:s22+$0x1030];
	[tilespmem:s21+$0x9060] =	vst v4;
	s21 =	smov.u32 s22  }
0x5d: {  	v1 =	vld [tilespmem:s21+$0x1040];
	[tilespmem:s21+$0x9070] =	vst v5  }
0x5e: {  	[tilespmem:s21+$0x9000] =	vst v6;
	v3 =	vld [tilespmem:s21+$0x1050]  }
0x5f: {  	s22 =	sshra.s32 s23, $0x2;
	s23 =	sadd.s32 $0x200, s23;
	[tilespmem:s21+$0x9010] =	vst v7;
	v4 =	vld [tilespmem:s21+$0x1060]  }
0x60: {  	v5 =	vld [tilespmem:s22+$0x1070];
	[tilespmem:s21+$0x9020] =	vst v2  }
0x61: {  	v2 =	vld [tilespmem:s22+$0x1000];
	[tilespmem:s21+$0x9030] =	vst v0  }
0x62: {  	v0 =	vld [tilespmem:s22+$0x1010];
	[tilespmem:s21+$0x9040] =	vst v1  }
0x63: {  	v1 =	vld [tilespmem:s22+$0x1020];
	[tilespmem:s21+$0x9050] =	vst v3  }
0x64: {  	v3 =	vld [tilespmem:s22+$0x1030];
	[tilespmem:s21+$0x9060] =	vst v4  }
0x65: {  	v4 =	vld [tilespmem:s22+$0x1040];
	[tilespmem:s22+$0x9070] =	vst v5  }
0x66: {  	v62 =	vld [tilespmem:s22+$0x1050];
	[tilespmem:s22+$0x9000] =	vst v2  }
0x67: {  	v63 =	vld [tilespmem:s22+$0x1060];
	[tilespmem:s22+$0x9010] =	vst v0  }
.Ltmp8:
0x68: {  	[tilespmem:s22+$0x9020] =	vst v1;
	(pc) =	sbr.rel .LBB2_21-.Ltmp8, $4  }
0x69: {  	[tilespmem:s22+$0x9030] =	vst v3  }
0x6a: {  	[tilespmem:s22+$0x9040] =	vst v4  }
0x6b: {  	[tilespmem:s22+$0x9050] =	vst v62  }
0x6c: {  	[tilespmem:s22+$0x9060] =	vst v63  }
.LBB2_9:
0x6d: {  	p0 =	sgt.u32 s20, $0xF9  }
.Ltmp9:
0x6e: {  	_ = 	snop;
	(pc) =	sbr.rel @p0 .LBB2_15-.Ltmp9, $1  }
0x6f: {  	_ =	sdelay $0x3  }
0x70: {  	s21 =	simm.s32 $0x0  }
0x71: {  	[tilespmem:s14], [sflag:$0x1] =	stream.indirect.gather [hbm4b:s2+s13], $0x10, s21, s13, $0xb8;
	[tilespmem:$0x11000] =	vst v63  }
0x72: {  	_ =	swait.ge [sflag:s15], $0x8000  }
0x73: {  	[sflag:s15] =	ssyncset.done $0x0  }
0x74: {  	s21 =	simm.s32 $0x0;
	[sflag:s15] =	ssyncadd.s32 $0xFFFF8000  }
0x75: {  	v3 =	vld [tilespmem:s21+$0x1070]  }
0x76: {  	v4 =	vld [tilespmem:s21+$0x1000]  }
0x77: {  	v5 =	vld [tilespmem:s21+$0x1010]  }
0x78: {  	v2 =	vld [tilespmem:s21+$0x1020]  }
0x79: {  	v0 =	vld [tilespmem:s21+$0x1030]  }
0x7a: {  	v1 =	vld [tilespmem:s21+$0x1040];
	[tilespmem:s21+$0x9070] =	vst v3  }
0x7b: {  	[tilespmem:s21+$0x9000] =	vst v4;
	v3 =	vld [tilespmem:s21+$0x1050]  }
0x7c: {  	s22 =	simm.s32 $0x80;
	s23 =	simm.s32 $0x400;
	[tilespmem:s21+$0x9010] =	vst v5;
	v4 =	vld [tilespmem:s21+$0x1060]  }
.LBB2_11:
0x7d: {  	p0 =	sne.s32 s23, $0x1FE00;
	v5 =	vld [tilespmem:s22+$0x1070];
	[tilespmem:s21+$0x9020] =	vst v2  }
0x7e: {  	v6 =	vld [tilespmem:s22+$0x1000];
	[tilespmem:s21+$0x9030] =	vst v0  }
0x7f: {  	v7 =	vld [tilespmem:s22+$0x1010];
	[tilespmem:s21+$0x9040] =	vst v1  }
.Ltmp10:
0x80: {  	v2 =	vld [tilespmem:s22+$0x1020];
	[tilespmem:s21+$0x9050] =	vst v3;
	(pc) =	sbr.rel @p0 .LBB2_11-.Ltmp10, $4  }
0x81: {  	v0 =	vld [tilespmem:s22+$0x1030];
	[tilespmem:s21+$0x9060] =	vst v4;
	s21 =	smov.u32 s22  }
0x82: {  	v1 =	vld [tilespmem:s21+$0x1040];
	[tilespmem:s21+$0x9070] =	vst v5  }
0x83: {  	[tilespmem:s21+$0x9000] =	vst v6;
	v3 =	vld [tilespmem:s21+$0x1050]  }
0x84: {  	s22 =	sshra.s32 s23, $0x2;
	s23 =	sadd.s32 $0x200, s23;
	[tilespmem:s21+$0x9010] =	vst v7;
	v4 =	vld [tilespmem:s21+$0x1060]  }
0x85: {  	v5 =	vld [tilespmem:s22+$0x1070];
	[tilespmem:s21+$0x9020] =	vst v2  }
0x86: {  	v2 =	vld [tilespmem:s22+$0x1000];
	[tilespmem:s21+$0x9030] =	vst v0  }
0x87: {  	v0 =	vld [tilespmem:s22+$0x1010];
	[tilespmem:s21+$0x9040] =	vst v1  }
0x88: {  	v1 =	vld [tilespmem:s22+$0x1020];
	[tilespmem:s21+$0x9050] =	vst v3  }
0x89: {  	v3 =	vld [tilespmem:s22+$0x1030];
	[tilespmem:s21+$0x9060] =	vst v4  }
0x8a: {  	v4 =	vld [tilespmem:s22+$0x1040];
	[tilespmem:s22+$0x9070] =	vst v5  }
0x8b: {  	[tilespmem:s22+$0x9000] =	vst v2;
	v2 =	vld [tilespmem:s22+$0x1050]  }
0x8c: {  	[tilespmem:s22+$0x9010] =	vst v0;
	v0 =	vld [tilespmem:s22+$0x1060]  }
0x8d: {  	[tilespmem:s22+$0x9020] =	vst v1  }
0x8e: {  	s20 =	sshll.u32 s20, $0x10;
	[tilespmem:s22+$0x9030] =	vst v3  }
0x8f: {  	s20 =	sadd.s32 $0xFFCE0000, s20;
	[tilespmem:s22+$0x9040] =	vst v4  }
0x90: {  	s20 =	sshrl.u32 s20, $0x3;
	[tilespmem:s22+$0x9050] =	vst v2  }
0x91: {  	s31 =	simm.s32 $0x0;
	s20 =	sadd.s32 s6, s20;
	[tilespmem:s22+$0x9060] =	vst v0  }
0x92: {  	[hbm4b:s20+s31] =	stream.linear.scatter [tilespmem:s16], [sflag:$0x3], $0x8000, $0x38;
	[tilespmem:$0x11000] =	vst v63  }
0x93: {  	_ =	swait.ge [sflag:s12], $0x8000  }
0x94: {  	[sflag:s12] =	ssyncset.done $0x0  }
0x95: {  	[sflag:s12] =	ssyncadd.s32 $0xFFFF8000  }
0x96: {  	[tilespmem:s14], [sflag:$0x1] =	stream.indirect.gather [hbm4b:s2+s13], $0x10, s13, s13, $0xb8;
	[tilespmem:$0x11000] =	vst v63  }
0x97: {  	_ =	swait.ge [sflag:s15], $0x8000  }
0x98: {  	[sflag:s15] =	ssyncset.done $0x0  }
0x99: {  	s21 =	simm.s32 $0x0;
	[sflag:s15] =	ssyncadd.s32 $0xFFFF8000  }
0x9a: {  	v3 =	vld [tilespmem:s21+$0x1070]  }
0x9b: {  	v4 =	vld [tilespmem:s21+$0x1000]  }
0x9c: {  	v5 =	vld [tilespmem:s21+$0x1010]  }
0x9d: {  	v2 =	vld [tilespmem:s21+$0x1020]  }
0x9e: {  	v0 =	vld [tilespmem:s21+$0x1030]  }
0x9f: {  	v1 =	vld [tilespmem:s21+$0x1040];
	[tilespmem:s21+$0x9070] =	vst v3  }
0xa0: {  	[tilespmem:s21+$0x9000] =	vst v4;
	v3 =	vld [tilespmem:s21+$0x1050]  }
0xa1: {  	s23 =	simm.s32 $0x400;
	s22 =	simm.s32 $0x80;
	[tilespmem:s21+$0x9010] =	vst v5;
	v4 =	vld [tilespmem:s21+$0x1060]  }
.LBB2_13:
0xa2: {  	p0 =	seq.s32 s23, $0x1FE00;
	v5 =	vld [tilespmem:s22+$0x1070];
	[tilespmem:s21+$0x9020] =	vst v2  }
0xa3: {  	v6 =	vld [tilespmem:s22+$0x1000];
	[tilespmem:s21+$0x9030] =	vst v0  }
0xa4: {  	v7 =	vld [tilespmem:s22+$0x1010];
	[tilespmem:s21+$0x9040] =	vst v1  }
.Ltmp11:
0xa5: {  	v2 =	vld [tilespmem:s22+$0x1020];
	[tilespmem:s21+$0x9050] =	vst v3;
	(pc) =	sbr.rel @!p0 .LBB2_13-.Ltmp11, $4  }
0xa6: {  	v0 =	vld [tilespmem:s22+$0x1030];
	[tilespmem:s21+$0x9060] =	vst v4;
	s21 =	smov.u32 s22  }
0xa7: {  	v1 =	vld [tilespmem:s21+$0x1040];
	[tilespmem:s21+$0x9070] =	vst v5  }
0xa8: {  	[tilespmem:s21+$0x9000] =	vst v6;
	v3 =	vld [tilespmem:s21+$0x1050]  }
0xa9: {  	s22 =	sshra.s32 s23, $0x2;
	s23 =	sadd.s32 $0x200, s23;
	[tilespmem:s21+$0x9010] =	vst v7;
	v4 =	vld [tilespmem:s21+$0x1060]  }
0xaa: {  	v5 =	vld [tilespmem:s22+$0x1070];
	[tilespmem:s21+$0x9020] =	vst v2  }
0xab: {  	v2 =	vld [tilespmem:s22+$0x1000];
	[tilespmem:s21+$0x9030] =	vst v0  }
0xac: {  	v0 =	vld [tilespmem:s22+$0x1010];
	[tilespmem:s21+$0x9040] =	vst v1  }
0xad: {  	v1 =	vld [tilespmem:s22+$0x1020];
	[tilespmem:s21+$0x9050] =	vst v3  }
0xae: {  	v3 =	vld [tilespmem:s22+$0x1030];
	[tilespmem:s21+$0x9060] =	vst v4  }
0xaf: {  	v4 =	vld [tilespmem:s22+$0x1040];
	[tilespmem:s22+$0x9070] =	vst v5  }
0xb0: {  	v62 =	vld [tilespmem:s22+$0x1050];
	[tilespmem:s22+$0x9000] =	vst v2  }
0xb1: {  	v63 =	vld [tilespmem:s22+$0x1060];
	[tilespmem:s22+$0x9010] =	vst v0  }
.Ltmp12:
0xb2: {  	[tilespmem:s22+$0x9020] =	vst v1;
	(pc) =	sbr.rel .LBB2_21-.Ltmp12, $4  }
0xb3: {  	[tilespmem:s22+$0x9030] =	vst v3  }
0xb4: {  	[tilespmem:s22+$0x9040] =	vst v4  }
0xb5: {  	[tilespmem:s22+$0x9050] =	vst v62  }
0xb6: {  	[tilespmem:s22+$0x9060] =	vst v63  }
.LBB2_15:
0xb7: {  	p0 =	sne.s32 s20, $0xFA  }
.Ltmp13:
0xb8: {  	_ = 	snop;
	(pc) =	sbr.rel @p0 .LBB2_22-.Ltmp13, $1  }
0xb9: {  	_ =	sdelay $0x3  }
0xba: {  	s20 =	simm.s32 $0x0  }
0xbb: {  	[tilespmem:s14], [sflag:$0x1] =	stream.indirect.gather [hbm4b:s2+s13], $0x10, s20, s13, $0xb8;
	[tilespmem:$0x11000] =	vst v63  }
0xbc: {  	_ =	swait.ge [sflag:s15], $0x8000  }
0xbd: {  	[sflag:s15] =	ssyncset.done $0x0  }
0xbe: {  	s20 =	simm.s32 $0x0;
	[sflag:s15] =	ssyncadd.s32 $0xFFFF8000  }
0xbf: {  	v3 =	vld [tilespmem:s20+$0x1070]  }
0xc0: {  	v4 =	vld [tilespmem:s20+$0x1000]  }
0xc1: {  	v5 =	vld [tilespmem:s20+$0x1010]  }
0xc2: {  	v2 =	vld [tilespmem:s20+$0x1020]  }
0xc3: {  	v0 =	vld [tilespmem:s20+$0x1030]  }
0xc4: {  	v1 =	vld [tilespmem:s20+$0x1040];
	[tilespmem:s20+$0x9070] =	vst v3  }
0xc5: {  	[tilespmem:s20+$0x9000] =	vst v4;
	v3 =	vld [tilespmem:s20+$0x1050]  }
0xc6: {  	s21 =	simm.s32 $0x80;
	s22 =	simm.s32 $0x400;
	[tilespmem:s20+$0x9010] =	vst v5;
	v4 =	vld [tilespmem:s20+$0x1060]  }
.LBB2_17:
0xc7: {  	p0 =	sne.s32 s22, $0x1FE00;
	v5 =	vld [tilespmem:s21+$0x1070];
	[tilespmem:s20+$0x9020] =	vst v2  }
0xc8: {  	v6 =	vld [tilespmem:s21+$0x1000];
	[tilespmem:s20+$0x9030] =	vst v0  }
0xc9: {  	v7 =	vld [tilespmem:s21+$0x1010];
	[tilespmem:s20+$0x9040] =	vst v1  }
.Ltmp14:
0xca: {  	v2 =	vld [tilespmem:s21+$0x1020];
	[tilespmem:s20+$0x9050] =	vst v3;
	(pc) =	sbr.rel @p0 .LBB2_17-.Ltmp14, $4  }
0xcb: {  	v0 =	vld [tilespmem:s21+$0x1030];
	[tilespmem:s20+$0x9060] =	vst v4;
	s20 =	smov.u32 s21  }
0xcc: {  	v1 =	vld [tilespmem:s20+$0x1040];
	[tilespmem:s20+$0x9070] =	vst v5  }
0xcd: {  	[tilespmem:s20+$0x9000] =	vst v6;
	v3 =	vld [tilespmem:s20+$0x1050]  }
0xce: {  	s21 =	sshra.s32 s22, $0x2;
	s22 =	sadd.s32 $0x200, s22;
	[tilespmem:s20+$0x9010] =	vst v7;
	v4 =	vld [tilespmem:s20+$0x1060]  }
0xcf: {  	v5 =	vld [tilespmem:s21+$0x1070];
	[tilespmem:s20+$0x9020] =	vst v2  }
0xd0: {  	v2 =	vld [tilespmem:s21+$0x1000];
	[tilespmem:s20+$0x9030] =	vst v0  }
0xd1: {  	v0 =	vld [tilespmem:s21+$0x1010];
	[tilespmem:s20+$0x9040] =	vst v1  }
0xd2: {  	v1 =	vld [tilespmem:s21+$0x1020];
	[tilespmem:s20+$0x9050] =	vst v3  }
0xd3: {  	v3 =	vld [tilespmem:s21+$0x1030];
	[tilespmem:s20+$0x9060] =	vst v4  }
0xd4: {  	v4 =	vld [tilespmem:s21+$0x1040];
	[tilespmem:s21+$0x9070] =	vst v5  }
0xd5: {  	[tilespmem:s21+$0x9000] =	vst v2;
	v2 =	vld [tilespmem:s21+$0x1050]  }
0xd6: {  	[tilespmem:s21+$0x9010] =	vst v0;
	v0 =	vld [tilespmem:s21+$0x1060]  }
0xd7: {  	[tilespmem:s21+$0x9020] =	vst v1  }
0xd8: {  	[tilespmem:s21+$0x9030] =	vst v3  }
0xd9: {  	[tilespmem:s21+$0x9040] =	vst v4  }
0xda: {  	[tilespmem:s21+$0x9050] =	vst v2  }
0xdb: {  	s31 =	simm.s32 $0x0;
	[tilespmem:s21+$0x9060] =	vst v0  }
0xdc: {  	[hbm4b:s7+s31] =	stream.linear.scatter [tilespmem:s16], [sflag:$0x3], $0x8000, $0x38;
	[tilespmem:$0x11000] =	vst v63  }
0xdd: {  	_ =	swait.ge [sflag:s12], $0x8000  }
0xde: {  	[sflag:s12] =	ssyncset.done $0x0  }
0xdf: {  	[sflag:s12] =	ssyncadd.s32 $0xFFFF8000  }
0xe0: {  	[tilespmem:s14], [sflag:$0x1] =	stream.indirect.gather [hbm4b:s2+s13], $0x10, s13, s13, $0xb8;
	[tilespmem:$0x11000] =	vst v63  }
0xe1: {  	_ =	swait.ge [sflag:s15], $0x8000  }
0xe2: {  	[sflag:s15] =	ssyncset.done $0x0  }
0xe3: {  	s20 =	simm.s32 $0x0;
	[sflag:s15] =	ssyncadd.s32 $0xFFFF8000  }
0xe4: {  	v3 =	vld [tilespmem:s20+$0x1070]  }
0xe5: {  	v4 =	vld [tilespmem:s20+$0x1000]  }
0xe6: {  	v5 =	vld [tilespmem:s20+$0x1010]  }
0xe7: {  	v2 =	vld [tilespmem:s20+$0x1020]  }
0xe8: {  	v0 =	vld [tilespmem:s20+$0x1030]  }
0xe9: {  	v1 =	vld [tilespmem:s20+$0x1040];
	[tilespmem:s20+$0x9070] =	vst v3  }
0xea: {  	[tilespmem:s20+$0x9000] =	vst v4;
	v3 =	vld [tilespmem:s20+$0x1050]  }
0xeb: {  	s22 =	simm.s32 $0x400;
	s21 =	simm.s32 $0x80;
	[tilespmem:s20+$0x9010] =	vst v5;
	v4 =	vld [tilespmem:s20+$0x1060]  }
.LBB2_19:
0xec: {  	p0 =	sne.s32 s22, $0x1FE00;
	v5 =	vld [tilespmem:s21+$0x1070];
	[tilespmem:s20+$0x9020] =	vst v2  }
0xed: {  	v6 =	vld [tilespmem:s21+$0x1000];
	[tilespmem:s20+$0x9030] =	vst v0  }
0xee: {  	v7 =	vld [tilespmem:s21+$0x1010];
	[tilespmem:s20+$0x9040] =	vst v1  }
.Ltmp15:
0xef: {  	v2 =	vld [tilespmem:s21+$0x1020];
	[tilespmem:s20+$0x9050] =	vst v3;
	(pc) =	sbr.rel @p0 .LBB2_19-.Ltmp15, $4  }
0xf0: {  	v0 =	vld [tilespmem:s21+$0x1030];
	[tilespmem:s20+$0x9060] =	vst v4;
	s20 =	smov.u32 s21  }
0xf1: {  	v1 =	vld [tilespmem:s20+$0x1040];
	[tilespmem:s20+$0x9070] =	vst v5  }
0xf2: {  	[tilespmem:s20+$0x9000] =	vst v6;
	v3 =	vld [tilespmem:s20+$0x1050]  }
0xf3: {  	s21 =	sshra.s32 s22, $0x2;
	s22 =	sadd.s32 $0x200, s22;
	[tilespmem:s20+$0x9010] =	vst v7;
	v4 =	vld [tilespmem:s20+$0x1060]  }
0xf4: {  	v5 =	vld [tilespmem:s21+$0x1070];
	[tilespmem:s20+$0x9020] =	vst v2  }
0xf5: {  	v2 =	vld [tilespmem:s21+$0x1000];
	[tilespmem:s20+$0x9030] =	vst v0  }
0xf6: {  	v0 =	vld [tilespmem:s21+$0x1010];
	[tilespmem:s20+$0x9040] =	vst v1  }
0xf7: {  	v1 =	vld [tilespmem:s21+$0x1020];
	[tilespmem:s20+$0x9050] =	vst v3  }
0xf8: {  	v3 =	vld [tilespmem:s21+$0x1030];
	[tilespmem:s20+$0x9060] =	vst v4  }
0xf9: {  	v4 =	vld [tilespmem:s21+$0x1040];
	[tilespmem:s21+$0x9070] =	vst v5  }
0xfa: {  	v62 =	vld [tilespmem:s21+$0x1050];
	[tilespmem:s21+$0x9000] =	vst v2  }
0xfb: {  	v63 =	vld [tilespmem:s21+$0x1060];
	[tilespmem:s21+$0x9010] =	vst v0  }
.Ltmp16:
0xfc: {  	[tilespmem:s21+$0x9020] =	vst v1;
	(pc) =	sbr.rel .LBB2_21-.Ltmp16, $4  }
0xfd: {  	[tilespmem:s21+$0x9030] =	vst v3  }
0xfe: {  	[tilespmem:s21+$0x9040] =	vst v4  }
0xff: {  	[tilespmem:s21+$0x9050] =	vst v62  }
0x100: {  	s20 =	smov.u32 s7;
	[tilespmem:s21+$0x9060] =	vst v63  }
.LBB2_22:
0x101: {  	s20 =	simm.s32 $0x0  }
0x102: {  	[tilespmem:s14], [sflag:$0x1] =	stream.indirect.gather [hbm4b:s2+s13], $0x10, s20, s13, $0xb8;
	[tilespmem:$0x11000] =	vst v63  }
0x103: {  	_ =	swait.ge [sflag:s15], $0x8000  }
0x104: {  	[sflag:s15] =	ssyncset.done $0x0  }
0x105: {  	s20 =	simm.s32 $0x0;
	[sflag:s15] =	ssyncadd.s32 $0xFFFF8000  }
0x106: {  	v3 =	vld [tilespmem:s20+$0x1070]  }
0x107: {  	v4 =	vld [tilespmem:s20+$0x1000]  }
0x108: {  	v5 =	vld [tilespmem:s20+$0x1010]  }
0x109: {  	v2 =	vld [tilespmem:s20+$0x1020]  }
0x10a: {  	v0 =	vld [tilespmem:s20+$0x1030]  }
0x10b: {  	v1 =	vld [tilespmem:s20+$0x1040];
	[tilespmem:s20+$0x9070] =	vst v3  }
0x10c: {  	[tilespmem:s20+$0x9000] =	vst v4;
	v3 =	vld [tilespmem:s20+$0x1050]  }
0x10d: {  	s21 =	simm.s32 $0x80;
	s22 =	simm.s32 $0x400;
	[tilespmem:s20+$0x9010] =	vst v5;
	v4 =	vld [tilespmem:s20+$0x1060]  }
.LBB2_23:
0x10e: {  	p0 =	sne.s32 s22, $0x1FE00;
	v5 =	vld [tilespmem:s21+$0x1070];
	[tilespmem:s20+$0x9020] =	vst v2  }
0x10f: {  	v6 =	vld [tilespmem:s21+$0x1000];
	[tilespmem:s20+$0x9030] =	vst v0  }
0x110: {  	v7 =	vld [tilespmem:s21+$0x1010];
	[tilespmem:s20+$0x9040] =	vst v1  }
.Ltmp17:
0x111: {  	v2 =	vld [tilespmem:s21+$0x1020];
	[tilespmem:s20+$0x9050] =	vst v3;
	(pc) =	sbr.rel @p0 .LBB2_23-.Ltmp17, $4  }
0x112: {  	v0 =	vld [tilespmem:s21+$0x1030];
	[tilespmem:s20+$0x9060] =	vst v4;
	s20 =	smov.u32 s21  }
0x113: {  	v1 =	vld [tilespmem:s20+$0x1040];
	[tilespmem:s20+$0x9070] =	vst v5  }
0x114: {  	[tilespmem:s20+$0x9000] =	vst v6;
	v3 =	vld [tilespmem:s20+$0x1050]  }
0x115: {  	s21 =	sshra.s32 s22, $0x2;
	s22 =	sadd.s32 $0x200, s22;
	[tilespmem:s20+$0x9010] =	vst v7;
	v4 =	vld [tilespmem:s20+$0x1060]  }
0x116: {  	v5 =	vld [tilespmem:s21+$0x1070];
	[tilespmem:s20+$0x9020] =	vst v2  }
0x117: {  	v2 =	vld [tilespmem:s21+$0x1000];
	[tilespmem:s20+$0x9030] =	vst v0  }
0x118: {  	v0 =	vld [tilespmem:s21+$0x1010];
	[tilespmem:s20+$0x9040] =	vst v1  }
0x119: {  	v1 =	vld [tilespmem:s21+$0x1020];
	[tilespmem:s20+$0x9050] =	vst v3  }
0x11a: {  	v3 =	vld [tilespmem:s21+$0x1030];
	[tilespmem:s20+$0x9060] =	vst v4  }
0x11b: {  	v4 =	vld [tilespmem:s21+$0x1040];
	[tilespmem:s21+$0x9070] =	vst v5  }
0x11c: {  	[tilespmem:s21+$0x9000] =	vst v2;
	v2 =	vld [tilespmem:s21+$0x1050]  }
0x11d: {  	[tilespmem:s21+$0x9010] =	vst v0;
	v0 =	vld [tilespmem:s21+$0x1060]  }
0x11e: {  	[tilespmem:s21+$0x9020] =	vst v1  }
0x11f: {  	[tilespmem:s21+$0x9030] =	vst v3  }
0x120: {  	[tilespmem:s21+$0x9040] =	vst v4  }
0x121: {  	[tilespmem:s21+$0x9050] =	vst v2  }
0x122: {  	s31 =	simm.s32 $0x0;
	[tilespmem:s21+$0x9060] =	vst v0  }
0x123: {  	[hbm4b:s8+s31] =	stream.linear.scatter [tilespmem:s16], [sflag:$0x3], $0x8000, $0x38;
	[tilespmem:$0x11000] =	vst v63  }
0x124: {  	_ =	swait.ge [sflag:s12], $0x8000  }
0x125: {  	[sflag:s12] =	ssyncset.done $0x0  }
0x126: {  	[sflag:s12] =	ssyncadd.s32 $0xFFFF8000  }
0x127: {  	[tilespmem:s14], [sflag:$0x1] =	stream.indirect.gather [hbm4b:s2+s13], $0x10, s13, s13, $0xb8;
	[tilespmem:$0x11000] =	vst v63  }
0x128: {  	_ =	swait.ge [sflag:s15], $0x8000  }
0x129: {  	[sflag:s15] =	ssyncset.done $0x0  }
0x12a: {  	s20 =	simm.s32 $0x0;
	[sflag:s15] =	ssyncadd.s32 $0xFFFF8000  }
0x12b: {  	v3 =	vld [tilespmem:s20+$0x1070]  }
0x12c: {  	v4 =	vld [tilespmem:s20+$0x1000]  }
0x12d: {  	v5 =	vld [tilespmem:s20+$0x1010]  }
0x12e: {  	v2 =	vld [tilespmem:s20+$0x1020]  }
0x12f: {  	v0 =	vld [tilespmem:s20+$0x1030]  }
0x130: {  	v1 =	vld [tilespmem:s20+$0x1040];
	[tilespmem:s20+$0x9070] =	vst v3  }
0x131: {  	[tilespmem:s20+$0x9000] =	vst v4;
	v3 =	vld [tilespmem:s20+$0x1050]  }
0x132: {  	s22 =	simm.s32 $0x400;
	s21 =	simm.s32 $0x80;
	[tilespmem:s20+$0x9010] =	vst v5;
	v4 =	vld [tilespmem:s20+$0x1060]  }
.LBB2_25:
0x133: {  	p0 =	sne.s32 s22, $0x1FE00;
	v5 =	vld [tilespmem:s21+$0x1070];
	[tilespmem:s20+$0x9020] =	vst v2  }
0x134: {  	v6 =	vld [tilespmem:s21+$0x1000];
	[tilespmem:s20+$0x9030] =	vst v0  }
0x135: {  	v7 =	vld [tilespmem:s21+$0x1010];
	[tilespmem:s20+$0x9040] =	vst v1  }
.Ltmp18:
0x136: {  	v2 =	vld [tilespmem:s21+$0x1020];
	[tilespmem:s20+$0x9050] =	vst v3;
	(pc) =	sbr.rel @p0 .LBB2_25-.Ltmp18, $4  }
0x137: {  	v0 =	vld [tilespmem:s21+$0x1030];
	[tilespmem:s20+$0x9060] =	vst v4;
	s20 =	smov.u32 s21  }
0x138: {  	v1 =	vld [tilespmem:s20+$0x1040];
	[tilespmem:s20+$0x9070] =	vst v5  }
0x139: {  	[tilespmem:s20+$0x9000] =	vst v6;
	v3 =	vld [tilespmem:s20+$0x1050]  }
0x13a: {  	s21 =	sshra.s32 s22, $0x2;
	s22 =	sadd.s32 $0x200, s22;
	[tilespmem:s20+$0x9010] =	vst v7;
	v4 =	vld [tilespmem:s20+$0x1060]  }
0x13b: {  	v5 =	vld [tilespmem:s21+$0x1070];
	[tilespmem:s20+$0x9020] =	vst v2  }
0x13c: {  	v2 =	vld [tilespmem:s21+$0x1000];
	[tilespmem:s20+$0x9030] =	vst v0  }
0x13d: {  	v0 =	vld [tilespmem:s21+$0x1010];
	[tilespmem:s20+$0x9040] =	vst v1  }
0x13e: {  	v1 =	vld [tilespmem:s21+$0x1020];
	[tilespmem:s20+$0x9050] =	vst v3  }
0x13f: {  	v3 =	vld [tilespmem:s21+$0x1030];
	[tilespmem:s20+$0x9060] =	vst v4  }
0x140: {  	v4 =	vld [tilespmem:s21+$0x1040];
	[tilespmem:s21+$0x9070] =	vst v5  }
0x141: {  	v62 =	vld [tilespmem:s21+$0x1050];
	[tilespmem:s21+$0x9000] =	vst v2  }
0x142: {  	v63 =	vld [tilespmem:s21+$0x1060];
	[tilespmem:s21+$0x9010] =	vst v0  }
0x143: {  	[tilespmem:s21+$0x9020] =	vst v1  }
0x144: {  	[tilespmem:s21+$0x9030] =	vst v3  }
0x145: {  	[tilespmem:s21+$0x9040] =	vst v4  }
0x146: {  	[tilespmem:s21+$0x9050] =	vst v62  }
.Ltmp19:
0x147: {  	[tilespmem:s21+$0x9060] =	vst v63;
	(pc) =	sbr.rel .LBB2_27-.Ltmp19, $4  }
0x148: {  	[hbm4b:s10+s1] =	stream.linear.scatter [tilespmem:s16], [sflag:$0x2], $0x8000, $0x38;
	[tilespmem:$0x11000] =	vst v63  }
0x149: {  	_ =	swait.ge [sflag:s17], $0x8000  }
0x14a: {  	[sflag:s17] =	ssyncset.done $0x0  }
0x14b: {  	[sflag:s17] =	ssyncadd.s32 $0xFFFF8000  }
.LBB2_29:
0x14c: {  	_ =	sfence.sel $0x180000  }
0x14d: {  	[bflag:$0x0] =	sbarrier.arrive $0xFFFF  }
0x14e: {  	p0 =	sne.s32 s4, $0x0;
	_ =	strace $0x90000047  }
0x14f: {  	s0 =	sadd.s32 @!p0 $0x100000, s0;
	[bflag:$0x2] =	sbarrier.arrive $0xFFFF  }
0x150: {  	[sflag:s0] =	ssyncadd.tile.s32 @!p0 $0x1;
	_ =	shalt  }
.Lfunc_end2:
_tile_overlayer_lowered:
.L_overlay_start_2:
0x151: {  	(tag) =	ssettag $0x2  }
0x152: {  	s0 =	rddreg [dreg:$0x0];
	s2 =	stileid.u32  }
0x153: {  	s1 =	rddreg [dreg:$0x1];
	p0 =	sne.s32 s2, $0x0  }
0x154: {  	s3 =	rddreg [dreg:$0x2];
	[bflag:$0x3] =	sbarrier.arrive $0xFFFF;
	s2 =	simm.s32 @!p0 $0x1C02  }
0x155: {  	[timem:s3], [sflag:s2] =	dma.local @!p0 [hbm:s0], s1  }
0x156: {  	s0 =	simm.s32 @!p0 $0x2  }
0x157: {  	_ =	swait.ge @!p0 [sflag:s0], s1  }
0x158: {  	s1 =	ssub.s32 @!p0 $0x0, s1;
	[sflag:s0] =	ssyncset.done @!p0 $0x0  }
0x159: {  	[sflag:s0] =	ssyncadd.s32 @!p0 s1  }
0x15a: {  	[bflag:$0x3] =	sbarrier.arrive $0xFFFF  }
0x15b: {  	_ =	shalt  }

</sc_bundles>
